<compile_context>
chip_gen: v7x
topology: tpu7x:2x2x1
jax: 0.10.2.dev20260603
libtpu: 0.0.44.dev20260713+nightly
codegen_flags: <defaults>
</compile_context>

<pallas_src>
import jax
import jax.numpy as jnp
import numpy as np
from jax import lax
from jax.experimental import pallas as pl
from jax.experimental.pallas import tpu as pltpu
from jax.experimental.pallas import tpu_sc as plsc

N_NODES = 10000
N_EDGES = 320000
HIDDEN = 128
N_GAUSS = 16
SHIFT = float(np.log(2.0))

NC = 2
NS = 16
NW = NC * NS
EPW = N_EDGES // NW
CHUNK = 40
NCHUNK = EPW // CHUNK
NRC = N_NODES // CHUNK

IDXBLK = 10
BLKE = IDXBLK * CHUNK
NBLK = NCHUNK // IDXBLK

_SETKEYS = ("hrow", "hcol", "mlp", "gsem", "ssem")
NKEY = len(_SETKEYS)


def _ssp(v):
    return jnp.maximum(v, 0.0) + jnp.log1p(jnp.exp(-jnp.abs(v))) - SHIFT


def _h_body(x_ref, w1_ref, o_ref):
    o_ref[...] = lax.dot_general(x_ref[...], w1_ref[...],
                                 (((1,), (1,)), ((), ())),
                                 preferred_element_type=jnp.float32)


def _compute_h(x, W1):
    bn = 2000
    return pl.pallas_call(
        _h_body,
        grid=(N_NODES // bn,),
        in_specs=[pl.BlockSpec((bn, HIDDEN), lambda i: (i, 0)),
                  pl.BlockSpec((HIDDEN, HIDDEN), lambda i: (0, 0))],
        out_specs=pl.BlockSpec((bn, HIDDEN), lambda i: (i, 0)),
        out_shape=jax.ShapeDtypeStruct((N_NODES, HIDDEN), jnp.float32),
    )(x, W1)


def _mlp_body(ea_ref, wm1_ref, bm1_ref, wm2_ref, bm2_ref, o_ref):
    a = lax.dot_general(ea_ref[...], wm1_ref[...], (((1,), (1,)), ((), ())),
                        preferred_element_type=jnp.float32)
    a = _ssp(a + bm1_ref[...])
    o = lax.dot_general(a, wm2_ref[...], (((1,), (1,)), ((), ())),
                        preferred_element_type=jnp.float32)
    o_ref[...] = o + bm2_ref[...]


def _compute_mlp(edge_attr, Wm1, bm1, Wm2, bm2):
    be = 2000
    return pl.pallas_call(
        _mlp_body,
        grid=(N_EDGES // be,),
        in_specs=[pl.BlockSpec((be, N_GAUSS), lambda i: (i, 0)),
                  pl.BlockSpec((HIDDEN, N_GAUSS), lambda i: (0, 0)),
                  pl.BlockSpec((1, HIDDEN), lambda i: (0, 0)),
                  pl.BlockSpec((HIDDEN, HIDDEN), lambda i: (0, 0)),
                  pl.BlockSpec((1, HIDDEN), lambda i: (0, 0))],
        out_specs=pl.BlockSpec((be, HIDDEN), lambda i: (i, 0)),
        out_shape=jax.ShapeDtypeStruct((N_EDGES, HIDDEN), jnp.float32),
    )(edge_attr, Wm1, bm1.reshape(1, HIDDEN), Wm2, bm2.reshape(1, HIDDEN))


def _sc_body(h_hbm, m_hbm, row_hbm, col_hbm, out_hbm, aggr_sh, *bufs):
    A = dict(zip(_SETKEYS, bufs[:NKEY]))
    B = dict(zip(_SETKEYS, bufs[NKEY:2 * NKEY]))
    rowblk0, colblk0, rowblk1, colblk1, isem = bufs[2 * NKEY:]
    cid = lax.axis_index("c")
    sid = lax.axis_index("s")
    wid = cid * NS + sid
    ebase0 = wid * EPW
    zeros16 = jnp.zeros((16,), jnp.float32)

    def zbody(j, c):
        for k in range(HIDDEN // 16):
            A["hrow"][j, pl.ds(k * 16, 16)] = zeros16
        return c

    lax.fori_loop(0, CHUNK, zbody, 0)

    def zchunk(t, c):
        rc = t * NS + sid

        @pl.when(rc < NRC)
        def _():
            pltpu.sync_copy(A["hrow"], aggr_sh.at[pl.ds(rc * CHUNK, CHUNK)])

        return c

    lax.fori_loop(0, (NRC + NS - 1) // NS, zchunk, 0)
    plsc.subcore_barrier()

    def fire_idx(b):
        b = jnp.int32(b)
        ebase = ebase0 + b * BLKE

        @pl.when(lax.rem(b, 2) == 0)
        def _():
            pltpu.async_copy(row_hbm.at[pl.ds(ebase, BLKE)], rowblk0, isem)
            pltpu.async_copy(col_hbm.at[pl.ds(ebase, BLKE)], colblk0, isem)

        @pl.when(lax.rem(b, 2) == 1)
        def _():
            pltpu.async_copy(row_hbm.at[pl.ds(ebase, BLKE)], rowblk1, isem)
            pltpu.async_copy(col_hbm.at[pl.ds(ebase, BLKE)], colblk1, isem)

    def wait_idx():
        pltpu.make_async_copy(row_hbm.at[pl.ds(0, BLKE)], rowblk0,
                              isem).wait()
        pltpu.make_async_copy(col_hbm.at[pl.ds(0, BLKE)], colblk0,
                              isem).wait()

    def with_blk(ci, fn):
        ci = jnp.int32(ci)
        off = lax.rem(ci, IDXBLK) * CHUNK
        par = lax.rem(ci // IDXBLK, 2)

        @pl.when(par == 0)
        def _():
            fn(rowblk0.at[pl.ds(off, CHUNK)], colblk0.at[pl.ds(off, CHUNK)])

        @pl.when(par == 1)
        def _():
            fn(rowblk1.at[pl.ds(off, CHUNK)], colblk1.at[pl.ds(off, CHUNK)])

    def fire(s, ci):
        def go(rows, cols):
            pltpu.async_copy(h_hbm.at[rows], s["hrow"], s["gsem"])
            pltpu.async_copy(h_hbm.at[cols], s["hcol"], s["gsem"])
            pltpu.async_copy(m_hbm.at[pl.ds(ebase0 + ci * CHUNK, CHUNK)],
                             s["mlp"], s["gsem"])

        with_blk(ci, go)

    def wait_gathers(s, ci):
        def go(rows, cols):
            pltpu.make_async_copy(h_hbm.at[rows], s["hrow"], s["gsem"]).wait()
            pltpu.make_async_copy(h_hbm.at[cols], s["hcol"], s["gsem"]).wait()
            pltpu.make_async_copy(m_hbm.at[pl.ds(ebase0 + ci * CHUNK, CHUNK)],
                                  s["mlp"], s["gsem"]).wait()

        with_blk(ci, go)

    def wait_scatters(s, ci):
        def go(rows, cols):
            pltpu.make_async_copy(s["hrow"], aggr_sh.at[cols],
                                  s["ssem"]).wait()
            pltpu.make_async_copy(s["hcol"], aggr_sh.at[rows],
                                  s["ssem"]).wait()

        with_blk(ci, go)

    def compute_and_scatter(s, ci):
        def mbody(j, cc):
            for jj in range(2):
                for k in range(HIDDEN // 16):
                    sl = pl.ds(k * 16, 16)
                    m = s["mlp"][2 * j + jj, sl]
                    s["hrow"][2 * j + jj, sl] = s["hrow"][2 * j + jj, sl] * m
                    s["hcol"][2 * j + jj, sl] = s["hcol"][2 * j + jj, sl] * m
            return cc

        lax.fori_loop(0, CHUNK // 2, mbody, 0)

        def go(rows, cols):
            pltpu.async_copy(s["hrow"], aggr_sh.at[cols], s["ssem"], add=True)
            pltpu.async_copy(s["hcol"], aggr_sh.at[rows], s["ssem"], add=True)

        with_blk(ci, go)

    fire_idx(0)
    fire_idx(1)
    wait_idx()
    wait_idx()
    fire(A, 0)
    fire(B, 1)

    def pair_body(t, c):
        ci = 2 * t
        dec = lax.rem(ci, IDXBLK)

        @pl.when(jnp.logical_and(dec == 0, ci // IDXBLK + 1 < NBLK))
        def _():
            fire_idx(ci // IDXBLK + 1)

        wait_gathers(A, ci)
        compute_and_scatter(A, ci)
        wait_gathers(B, ci + 1)
        compute_and_scatter(B, ci + 1)

        @pl.when(jnp.logical_and(dec == IDXBLK - 2,
                                 ci // IDXBLK + 1 < NBLK))
        def _():
            wait_idx()

        @pl.when(ci + 2 < NCHUNK)
        def _():
            wait_scatters(A, ci)
            fire(A, ci + 2)

        @pl.when(ci + 3 < NCHUNK)
        def _():
            wait_scatters(B, ci + 1)
            fire(B, ci + 3)

        return c

    lax.fori_loop(0, NCHUNK // 2, pair_body, 0)
    wait_scatters(A, NCHUNK - 2)
    wait_scatters(B, NCHUNK - 1)
    plsc.subcore_barrier()

    def rchunk(t, c):
        rc = t * NS + sid

        @pl.when(rc < NRC)
        def _():
            pltpu.sync_copy(aggr_sh.at[pl.ds(rc * CHUNK, CHUNK)],
                            out_hbm.at[cid, pl.ds(rc * CHUNK, CHUNK)])

        return c

    lax.fori_loop(0, (NRC + NS - 1) // NS, rchunk, 0)


def _sc_aggregate(h, m, row, col):
    f = pl.kernel(
        _sc_body,
        out_type=jax.ShapeDtypeStruct((NC, N_NODES, HIDDEN), jnp.float32),
        mesh=plsc.VectorSubcoreMesh(core_axis_name="c", subcore_axis_name="s"),
        scratch_types=[pltpu.VMEM_SHARED((N_NODES, HIDDEN), jnp.float32)] + 2 * [
            pltpu.VMEM((CHUNK, HIDDEN), jnp.float32),
            pltpu.VMEM((CHUNK, HIDDEN), jnp.float32),
            pltpu.VMEM((CHUNK, HIDDEN), jnp.float32),
            pltpu.SemaphoreType.DMA,
            pltpu.SemaphoreType.DMA,
        ] + [
            pltpu.VMEM((BLKE,), jnp.int32),
            pltpu.VMEM((BLKE,), jnp.int32),
            pltpu.VMEM((BLKE,), jnp.int32),
            pltpu.VMEM((BLKE,), jnp.int32),
            pltpu.SemaphoreType.DMA,
        ],
    )
    return f(h, m, row, col)


def _head_body(p0_ref, p1_ref, w2_ref, b2_ref, wl_ref, bl_ref, o_ref):
    aggr = p0_ref[...] + p1_ref[...]
    t = lax.dot_general(aggr, w2_ref[...], (((1,), (1,)), ((), ())),
                        preferred_element_type=jnp.float32)
    t = _ssp(t + b2_ref[...])
    o = lax.dot_general(t, wl_ref[...], (((1,), (1,)), ((), ())),
                        preferred_element_type=jnp.float32)
    o_ref[...] = o + bl_ref[...]


def _compute_head(p, W2, b2, Wl, bl):
    bn = 2000
    full_spec = pl.BlockSpec((bn, HIDDEN), lambda i: (i, 0))
    return pl.pallas_call(
        _head_body,
        grid=(N_NODES // bn,),
        in_specs=[full_spec, full_spec,
                  pl.BlockSpec((HIDDEN, HIDDEN), lambda i: (0, 0)),
                  pl.BlockSpec((1, HIDDEN), lambda i: (0, 0)),
                  pl.BlockSpec((HIDDEN, HIDDEN), lambda i: (0, 0)),
                  pl.BlockSpec((1, HIDDEN), lambda i: (0, 0))],
        out_specs=pl.BlockSpec((bn, HIDDEN), lambda i: (i, 0)),
        out_shape=jax.ShapeDtypeStruct((N_NODES, HIDDEN), jnp.float32),
    )(p[0], p[1], W2, b2.reshape(1, HIDDEN), Wl, bl.reshape(1, HIDDEN))


def kernel(x, edge_index, edge_weight, edge_attr, W1, W2, b2, Wm1, bm1, Wm2, bm2, Wl, bl):
    row = edge_index[0].astype(jnp.int32)
    col = edge_index[1].astype(jnp.int32)
    h = _compute_h(x, W1)
    m = _compute_mlp(edge_attr, Wm1, bm1, Wm2, bm2)
    partials = _sc_aggregate(h, m, row, col)
    return _compute_head(partials, W2, b2, Wl, bl)

# --- scband reference (transcript-rebuilt; emitter-appended) ---
"""Pipeline reference for scband-interaction-block-4647154614870 (READ-ONLY COPY).

The authoritative reference and input builder live on the scoring server;
editing this copy changes nothing except your own understanding.
"""

import jax, jax.numpy as jnp
import numpy as np

N_NODES = 10000
N_EDGES = 320000
HIDDEN = 128
N_FILTERS = 128
N_GAUSS = 16
R_CUT = 10.0
SHIFT = float(np.log(2.0))


def setup_inputs(seed: int = 0) -> dict:
    key = jax.random.key(seed)
    ks = jax.random.split(key, 16)
    x = jax.random.normal(ks[0], (N_NODES, HIDDEN), dtype=jnp.float32)
    edge_index = jax.random.randint(ks[1], (2, N_EDGES), 0, N_NODES, dtype=jnp.int64)
    edge_weight = jax.random.uniform(ks[2], (N_EDGES,), dtype=jnp.float32)
    edge_attr = jax.random.normal(ks[3], (N_EDGES, N_GAUSS), dtype=jnp.float32)
    # parameters
    W1 = jax.random.normal(ks[4], (N_FILTERS, HIDDEN), dtype=jnp.float32) / np.sqrt(HIDDEN)  # lin1 (no bias)
    W2 = jax.random.normal(ks[5], (HIDDEN, N_FILTERS), dtype=jnp.float32) / np.sqrt(N_FILTERS)  # lin2
    b2 = jnp.zeros((HIDDEN,), dtype=jnp.float32)
    Wm1 = jax.random.normal(ks[6], (N_FILTERS, N_GAUSS), dtype=jnp.float32) / np.sqrt(N_GAUSS)  # mlp[0]
    bm1 = jnp.zeros((N_FILTERS,), dtype=jnp.float32)
    Wm2 = jax.random.normal(ks[7], (N_FILTERS, N_FILTERS), dtype=jnp.float32) / np.sqrt(N_FILTERS)  # mlp[2]
    bm2 = jnp.zeros((N_FILTERS,), dtype=jnp.float32)
    Wl = jax.random.normal(ks[8], (HIDDEN, HIDDEN), dtype=jnp.float32) / np.sqrt(HIDDEN)  # lin
    bl = jnp.zeros((HIDDEN,), dtype=jnp.float32)
    return {"x": x, "edge_index": edge_index, "edge_weight": edge_weight, "edge_attr": edge_attr,
            "W1": W1, "W2": W2, "b2": b2, "Wm1": Wm1, "bm1": bm1, "Wm2": Wm2, "bm2": bm2,
            "Wl": Wl, "bl": bl}


def _ssp(v):
    return jax.nn.softplus(v) - SHIFT


def reference(x, edge_index, edge_weight, edge_attr, W1, W2, b2, Wm1, bm1, Wm2, bm2, Wl, bl):
    # SchConv
    C = 0.5 * (jnp.cos(edge_weight * jnp.pi / R_CUT) + 1.0)  # computed (as in torch) but unused downstream
    h = x @ W1.T  # lin1, no bias
    row = edge_index[0]
    col = edge_index[1]
    mlp_out = _ssp(edge_attr @ Wm1.T + bm1) @ Wm2.T + bm2
    edge_messages1 = mlp_out * jnp.take(h, row, axis=0)
    edge_messages2 = mlp_out * jnp.take(h, col, axis=0)
    aggr = jnp.zeros_like(h).at[col].add(edge_messages1)
    aggr = aggr + jnp.zeros_like(h).at[row].add(edge_messages2)
    out = aggr @ W2.T + b2  # lin2
    # InteractionBlock tail
    out = _ssp(out)
    out = out @ Wl.T + bl
    return out


if False:  # reference __main__ guard neutralized (emitter)
    inp = setup_inputs()
    o = reference(**inp)
    print(o.shape, o.dtype)

if __name__ == "__main__":
    import jax
    _d = setup_inputs()
    print(jax.jit(kernel)(*tuple(_d.values())))

</pallas_src>

<mosaic_0001>
#map = affine_map<(d0, d1) -> (0, 0)>
#map1 = affine_map<(d0, d1) -> (0)>
#map2 = affine_map<(d0, d1) -> (0, 0, 0)>
module attributes {stable_mosaic.version = 14 : i64} {
  func.func @_sc_body(%arg0: i32, %arg1: i32, %arg2: memref<10000x128xf32, #tpu.memory_space<hbm>>, %arg3: memref<320000x128xf32, #tpu.memory_space<hbm>>, %arg4: memref<320000xi32, #tpu.memory_space<hbm>>, %arg5: memref<320000xi32, #tpu.memory_space<hbm>>, %arg6: memref<2x10000x128xf32, #tpu.memory_space<hbm>>, %arg7: memref<10000x128xf32, #tpu.memory_space<vmem_shared>>, %arg8: memref<40x128xf32, #tpu.memory_space<vmem>>, %arg9: memref<40x128xf32, #tpu.memory_space<vmem>>, %arg10: memref<40x128xf32, #tpu.memory_space<vmem>>, %arg11: memref<!tpu.dma_semaphore, #tpu.memory_space<semaphore_mem>>, %arg12: memref<!tpu.dma_semaphore, #tpu.memory_space<semaphore_mem>>, %arg13: memref<40x128xf32, #tpu.memory_space<vmem>>, %arg14: memref<40x128xf32, #tpu.memory_space<vmem>>, %arg15: memref<40x128xf32, #tpu.memory_space<vmem>>, %arg16: memref<!tpu.dma_semaphore, #tpu.memory_space<semaphore_mem>>, %arg17: memref<!tpu.dma_semaphore, #tpu.memory_space<semaphore_mem>>, %arg18: memref<400xi32, #tpu.memory_space<vmem>>, %arg19: memref<400xi32, #tpu.memory_space<vmem>>, %arg20: memref<400xi32, #tpu.memory_space<vmem>>, %arg21: memref<400xi32, #tpu.memory_space<vmem>>, %arg22: memref<!tpu.dma_semaphore, #tpu.memory_space<semaphore_mem>>) attributes {dimension_semantics = [#tpu.dimension_semantics<core_parallel>, #tpu.dimension_semantics<subcore_parallel>], iteration_bounds = array<i64: 2, 16>, scalar_prefetch = 0 : i64, scratch_operands = 16 : i64, tpu.core_type = #tpu.core_type<sc_vector_subcore>, window_params = [{transform_indices = #map}, {transform_indices = #map}, {transform_indices = #map1}, {transform_indices = #map1}, {transform_indices = #map2}]} {
    %mul3A = arith.constant 16 : i32
    %mul3A_0 = arith.muli %arg0, %mul3A : i32
    %add3A = arith.addi %mul3A_0, %arg1 : i32
    %mul3A_1 = arith.constant 10000 : i32
    %mul3A_2 = arith.muli %add3A, %mul3A_1 : i32
    %broadcast_in_dim3A = arith.constant 0.000000e+00 : f32
    %broadcast_in_dim3A_3 = vector.broadcast %broadcast_in_dim3A : f32 to vector<16xf32>
    %scan3A = arith.constant 0 : i32
    %scan3A_4 = arith.constant 0 : i32
    %scan3A_5 = arith.constant 40 : i32
    %scan3A_6 = arith.addi %scan3A_4, %scan3A_5 : i32
    %scan3A_7 = arith.constant 1 : i32
    scf.for %scan3A_240 = %scan3A_4 to %scan3A_6 step %scan3A_7  : i32 {
      %swap3A = arith.index_cast %scan3A_240 : i32 to index
      %swap3A_241 = arith.constant 0 : index
      %swap3A_242 = tpu.vector_load %arg8[%swap3A, %swap3A_241] {strides = array<i32>} : memref<40x128xf32, #tpu.memory_space<vmem>>, vector<1x16xf32>,
      %swap3A_243 = vector.shape_cast %swap3A_242 : vector<1x16xf32> to vector<16xf32>
      %swap3A_244 = vector.shape_cast %broadcast_in_dim3A_3 : vector<16xf32> to vector<1x16xf32>
      tpu.vector_store %arg8[%swap3A, %swap3A_241], %swap3A_244 {strides = array<i32>} : memref<40x128xf32, #tpu.memory_space<vmem>>, vector<1x16xf32>,
      %swap3A_245 = arith.index_cast %scan3A_240 : i32 to index
      %swap3A_246 = arith.constant 16 : index
      %swap3A_247 = tpu.vector_load %arg8[%swap3A_245, %swap3A_246] {strides = array<i32>} : memref<40x128xf32, #tpu.memory_space<vmem>>, vector<1x16xf32>,
      %swap3A_248 = vector.shape_cast %swap3A_247 : vector<1x16xf32> to vector<16xf32>
      %swap3A_249 = vector.shape_cast %broadcast_in_dim3A_3 : vector<16xf32> to vector<1x16xf32>
      tpu.vector_store %arg8[%swap3A_245, %swap3A_246], %swap3A_249 {strides = array<i32>} : memref<40x128xf32, #tpu.memory_space<vmem>>, vector<1x16xf32>,
      %swap3A_250 = arith.index_cast %scan3A_240 : i32 to index
      %swap3A_251 = arith.constant 32 : index
      %swap3A_252 = tpu.vector_load %arg8[%swap3A_250, %swap3A_251] {strides = array<i32>} : memref<40x128xf32, #tpu.memory_space<vmem>>, vector<1x16xf32>,
      %swap3A_253 = vector.shape_cast %swap3A_252 : vector<1x16xf32> to vector<16xf32>
      %swap3A_254 = vector.shape_cast %broadcast_in_dim3A_3 : vector<16xf32> to vector<1x16xf32>
      tpu.vector_store %arg8[%swap3A_250, %swap3A_251], %swap3A_254 {strides = array<i32>} : memref<40x128xf32, #tpu.memory_space<vmem>>, vector<1x16xf32>,
      %swap3A_255 = arith.index_cast %scan3A_240 : i32 to index
      %swap3A_256 = arith.constant 48 : index
      %swap3A_257 = tpu.vector_load %arg8[%swap3A_255, %swap3A_256] {strides = array<i32>} : memref<40x128xf32, #tpu.memory_space<vmem>>, vector<1x16xf32>,
      %swap3A_258 = vector.shape_cast %swap3A_257 : vector<1x16xf32> to vector<16xf32>
      %swap3A_259 = vector.shape_cast %broadcast_in_dim3A_3 : vector<16xf32> to vector<1x16xf32>
      tpu.vector_store %arg8[%swap3A_255, %swap3A_256], %swap3A_259 {strides = array<i32>} : memref<40x128xf32, #tpu.memory_space<vmem>>, vector<1x16xf32>,
      %swap3A_260 = arith.index_cast %scan3A_240 : i32 to index
      %swap3A_261 = arith.constant 64 : index
      %swap3A_262 = tpu.vector_load %arg8[%swap3A_260, %swap3A_261] {strides = array<i32>} : memref<40x128xf32, #tpu.memory_space<vmem>>, vector<1x16xf32>,
      %swap3A_263 = vector.shape_cast %swap3A_262 : vector<1x16xf32> to vector<16xf32>
      %swap3A_264 = vector.shape_cast %broadcast_in_dim3A_3 : vector<16xf32> to vector<1x16xf32>
      tpu.vector_store %arg8[%swap3A_260, %swap3A_261], %swap3A_264 {strides = array<i32>} : memref<40x128xf32, #tpu.memory_space<vmem>>, vector<1x16xf32>,
      %swap3A_265 = arith.index_cast %scan3A_240 : i32 to index
      %swap3A_266 = arith.constant 80 : index
      %swap3A_267 = tpu.vector_load %arg8[%swap3A_265, %swap3A_266] {strides = array<i32>} : memref<40x128xf32, #tpu.memory_space<vmem>>, vector<1x16xf32>,
      %swap3A_268 = vector.shape_cast %swap3A_267 : vector<1x16xf32> to vector<16xf32>
      %swap3A_269 = vector.shape_cast %broadcast_in_dim3A_3 : vector<16xf32> to vector<1x16xf32>
      tpu.vector_store %arg8[%swap3A_265, %swap3A_266], %swap3A_269 {strides = array<i32>} : memref<40x128xf32, #tpu.memory_space<vmem>>, vector<1x16xf32>,
      %swap3A_270 = arith.index_cast %scan3A_240 : i32 to index
      %swap3A_271 = arith.constant 96 : index
      %swap3A_272 = tpu.vector_load %arg8[%swap3A_270, %swap3A_271] {strides = array<i32>} : memref<40x128xf32, #tpu.memory_space<vmem>>, vector<1x16xf32>,
      %swap3A_273 = vector.shape_cast %swap3A_272 : vector<1x16xf32> to vector<16xf32>
      %swap3A_274 = vector.shape_cast %broadcast_in_dim3A_3 : vector<16xf32> to vector<1x16xf32>
      tpu.vector_store %arg8[%swap3A_270, %swap3A_271], %swap3A_274 {strides = array<i32>} : memref<40x128xf32, #tpu.memory_space<vmem>>, vector<1x16xf32>,
      %swap3A_275 = arith.index_cast %scan3A_240 : i32 to index
      %swap3A_276 = arith.constant 112 : index
      %swap3A_277 = tpu.vector_load %arg8[%swap3A_275, %swap3A_276] {strides = array<i32>} : memref<40x128xf32, #tpu.memory_space<vmem>>, vector<1x16xf32>,
      %swap3A_278 = vector.shape_cast %swap3A_277 : vector<1x16xf32> to vector<16xf32>
      %swap3A_279 = vector.shape_cast %broadcast_in_dim3A_3 : vector<16xf32> to vector<1x16xf32>
      tpu.vector_store %arg8[%swap3A_275, %swap3A_276], %swap3A_279 {strides = array<i32>} : memref<40x128xf32, #tpu.memory_space<vmem>>, vector<1x16xf32>,
    }
    %scan3A_8 = arith.constant 40 : i32
    %scan3A_9 = arith.constant 0 : i32
    %scan3A_10 = arith.constant 0 : i32
    %scan3A_11 = arith.constant 16 : i32
    %scan3A_12 = arith.addi %scan3A_10, %scan3A_11 : i32
    %scan3A_13 = arith.constant 1 : i32
    scf.for %scan3A_240 = %scan3A_10 to %scan3A_12 step %scan3A_13  : i32 {
      %mul3A_241 = arith.constant 16 : i32
      %mul3A_242 = arith.muli %scan3A_240, %mul3A_241 : i32
      %add3A_243 = arith.addi %mul3A_242, %arg1 : i32
      %lt3A = arith.constant 250 : i32
      %lt3A_244 = arith.cmpi slt, %add3A_243, %lt3A : i32
      %convert_element_type3A_245 = arith.extui %lt3A_244 : i1 to i32
      %cond3A_246 = arith.constant 0 : i32
      %cond3A_247 = arith.cmpi ne, %convert_element_type3A_245, %cond3A_246 : i32
      scf.if %cond3A_247 {
        %mul3A_248 = arith.constant 40 : i32
        %mul3A_249 = arith.muli %add3A_243, %mul3A_248 : i32
        "tpu.region"() ({
          %run_scoped3A = tpu.sem_alloc : memref<!tpu.dma_semaphore, #tpu.memory_space<semaphore_mem>>
          %dma_start3A = arith.constant 0 : i32
          %dma_start3A_250 = tpu.memref_slice %arg7[%mul3A_249, %dma_start3A] : memref<10000x128xf32, #tpu.memory_space<vmem_shared>> -> memref<40x128xf32, #tpu.memory_space<vmem_shared>>
          %dma_start3A_251 = arith.constant 0 : i32
          %dma_start3A_252 = tpu.memref_slice %arg7[%mul3A_249, %dma_start3A_251] : memref<10000x128xf32, #tpu.memory_space<vmem_shared>> -> memref<40x128xf32, #tpu.memory_space<vmem_shared>>
          tpu.enqueue_dma source(%arg8 : memref<40x128xf32, #tpu.memory_space<vmem>>) target(%dma_start3A_252 : memref<40x128xf32, #tpu.memory_space<vmem_shared>>) target_semaphore(%run_scoped3A : memref<!tpu.dma_semaphore, #tpu.memory_space<semaphore_mem>>)
          %dma_wait3A_253 = arith.constant 0 : i32
          %dma_wait3A_254 = tpu.memref_slice %arg7[%mul3A_249, %dma_wait3A_253] : memref<10000x128xf32, #tpu.memory_space<vmem_shared>> -> memref<40x128xf32, #tpu.memory_space<vmem_shared>>
          %dma_wait3A_255 = arith.constant 0 : i32
          %dma_wait3A_256 = tpu.memref_slice %arg7[%mul3A_249, %dma_wait3A_255] : memref<10000x128xf32, #tpu.memory_space<vmem_shared>> -> memref<40x128xf32, #tpu.memory_space<vmem_shared>>
          tpu.wait_dma2 semaphore(%run_scoped3A : memref<!tpu.dma_semaphore, #tpu.memory_space<semaphore_mem>>) src(%arg8 : memref<40x128xf32, #tpu.memory_space<vmem>>) dst(%dma_wait3A_256 : memref<40x128xf32, #tpu.memory_space<vmem_shared>>)
          tpu.yield
        }) : () -> ()
      } else {
      }
    }
    %scan3A_14 = arith.constant 16 : i32
    %barrier3A = arith.constant 0 : index
    tpu.barrier barrier_id(%barrier3A)
    %mul3A_15 = arith.constant 0 : i32
    %mul3A_16 = arith.constant 400 : i32
    %mul3A_17 = arith.muli %mul3A_15, %mul3A_16 : i32
    %add3A_18 = arith.addi %mul3A_2, %mul3A_17 : i32
    %rem3A = arith.constant 0 : i32
    %rem3A_19 = arith.constant 2 : i32
    %rem3A_20 = arith.remsi %rem3A, %rem3A_19 : i32
    %eq3A = arith.constant 0 : i32
    %eq3A_21 = arith.cmpi eq, %rem3A_20, %eq3A : i32
    %convert_element_type3A = arith.extui %eq3A_21 : i1 to i32
    %cond3A = arith.constant 0 : i32
    %cond3A_22 = arith.cmpi ne, %convert_element_type3A, %cond3A : i32
    scf.if %cond3A_22 {
      %dma_start3A = tpu.memref_slice %arg4[%add3A_18] : memref<320000xi32, #tpu.memory_space<hbm>> -> memref<400xi32, #tpu.memory_space<hbm>>
      %dma_start3A_240 = tpu.memref_slice %arg4[%add3A_18] : memref<320000xi32, #tpu.memory_space<hbm>> -> memref<400xi32, #tpu.memory_space<hbm>>
      tpu.enqueue_dma source(%dma_start3A_240 : memref<400xi32, #tpu.memory_space<hbm>>) target(%arg18 : memref<400xi32, #tpu.memory_space<vmem>>) target_semaphore(%arg22 : memref<!tpu.dma_semaphore, #tpu.memory_space<semaphore_mem>>)
      %dma_start3A_241 = tpu.memref_slice %arg5[%add3A_18] : memref<320000xi32, #tpu.memory_space<hbm>> -> memref<400xi32, #tpu.memory_space<hbm>>
      %dma_start3A_242 = tpu.memref_slice %arg5[%add3A_18] : memref<320000xi32, #tpu.memory_space<hbm>> -> memref<400xi32, #tpu.memory_space<hbm>>
      tpu.enqueue_dma source(%dma_start3A_242 : memref<400xi32, #tpu.memory_space<hbm>>) target(%arg19 : memref<400xi32, #tpu.memory_space<vmem>>) target_semaphore(%arg22 : memref<!tpu.dma_semaphore, #tpu.memory_space<semaphore_mem>>)
    } else {
    }
    %rem3A_23 = arith.constant 0 : i32
    %rem3A_24 = arith.constant 2 : i32
    %rem3A_25 = arith.remsi %rem3A_23, %rem3A_24 : i32
    %eq3A_26 = arith.constant 1 : i32
    %eq3A_27 = arith.cmpi eq, %rem3A_25, %eq3A_26 : i32
    %convert_element_type3A_28 = arith.extui %eq3A_27 : i1 to i32
    %cond3A_29 = arith.constant 0 : i32
    %cond3A_30 = arith.cmpi ne, %convert_element_type3A_28, %cond3A_29 : i32
    scf.if %cond3A_30 {
      %dma_start3A = tpu.memref_slice %arg4[%add3A_18] : memref<320000xi32, #tpu.memory_space<hbm>> -> memref<400xi32, #tpu.memory_space<hbm>>
      %dma_start3A_240 = tpu.memref_slice %arg4[%add3A_18] : memref<320000xi32, #tpu.memory_space<hbm>> -> memref<400xi32, #tpu.memory_space<hbm>>
      tpu.enqueue_dma source(%dma_start3A_240 : memref<400xi32, #tpu.memory_space<hbm>>) target(%arg20 : memref<400xi32, #tpu.memory_space<vmem>>) target_semaphore(%arg22 : memref<!tpu.dma_semaphore, #tpu.memory_space<semaphore_mem>>)
      %dma_start3A_241 = tpu.memref_slice %arg5[%add3A_18] : memref<320000xi32, #tpu.memory_space<hbm>> -> memref<400xi32, #tpu.memory_space<hbm>>
      %dma_start3A_242 = tpu.memref_slice %arg5[%add3A_18] : memref<320000xi32, #tpu.memory_space<hbm>> -> memref<400xi32, #tpu.memory_space<hbm>>
      tpu.enqueue_dma source(%dma_start3A_242 : memref<400xi32, #tpu.memory_space<hbm>>) target(%arg21 : memref<400xi32, #tpu.memory_space<vmem>>) target_semaphore(%arg22 : memref<!tpu.dma_semaphore, #tpu.memory_space<semaphore_mem>>)
    } else {
    }
    %mul3A_31 = arith.constant 1 : i32
    %mul3A_32 = arith.constant 400 : i32
    %mul3A_33 = arith.muli %mul3A_31, %mul3A_32 : i32
    %add3A_34 = arith.addi %mul3A_2, %mul3A_33 : i32
    %rem3A_35 = arith.constant 1 : i32
    %rem3A_36 = arith.constant 2 : i32
    %rem3A_37 = arith.remsi %rem3A_35, %rem3A_36 : i32
    %eq3A_38 = arith.constant 0 : i32
    %eq3A_39 = arith.cmpi eq, %rem3A_37, %eq3A_38 : i32
    %convert_element_type3A_40 = arith.extui %eq3A_39 : i1 to i32
    %cond3A_41 = arith.constant 0 : i32
    %cond3A_42 = arith.cmpi ne, %convert_element_type3A_40, %cond3A_41 : i32
    scf.if %cond3A_42 {
      %dma_start3A = tpu.memref_slice %arg4[%add3A_34] : memref<320000xi32, #tpu.memory_space<hbm>> -> memref<400xi32, #tpu.memory_space<hbm>>
      %dma_start3A_240 = tpu.memref_slice %arg4[%add3A_34] : memref<320000xi32, #tpu.memory_space<hbm>> -> memref<400xi32, #tpu.memory_space<hbm>>
      tpu.enqueue_dma source(%dma_start3A_240 : memref<400xi32, #tpu.memory_space<hbm>>) target(%arg18 : memref<400xi32, #tpu.memory_space<vmem>>) target_semaphore(%arg22 : memref<!tpu.dma_semaphore, #tpu.memory_space<semaphore_mem>>)
      %dma_start3A_241 = tpu.memref_slice %arg5[%add3A_34] : memref<320000xi32, #tpu.memory_space<hbm>> -> memref<400xi32, #tpu.memory_space<hbm>>
      %dma_start3A_242 = tpu.memref_slice %arg5[%add3A_34] : memref<320000xi32, #tpu.memory_space<hbm>> -> memref<400xi32, #tpu.memory_space<hbm>>
      tpu.enqueue_dma source(%dma_start3A_242 : memref<400xi32, #tpu.memory_space<hbm>>) target(%arg19 : memref<400xi32, #tpu.memory_space<vmem>>) target_semaphore(%arg22 : memref<!tpu.dma_semaphore, #tpu.memory_space<semaphore_mem>>)
    } else {
    }
    %rem3A_43 = arith.constant 1 : i32
    %rem3A_44 = arith.constant 2 : i32
    %rem3A_45 = arith.remsi %rem3A_43, %rem3A_44 : i32
    %eq3A_46 = arith.constant 1 : i32
    %eq3A_47 = arith.cmpi eq, %rem3A_45, %eq3A_46 : i32
    %convert_element_type3A_48 = arith.extui %eq3A_47 : i1 to i32
    %cond3A_49 = arith.constant 0 : i32
    %cond3A_50 = arith.cmpi ne, %convert_element_type3A_48, %cond3A_49 : i32
    scf.if %cond3A_50 {
      %dma_start3A = tpu.memref_slice %arg4[%add3A_34] : memref<320000xi32, #tpu.memory_space<hbm>> -> memref<400xi32, #tpu.memory_space<hbm>>
      %dma_start3A_240 = tpu.memref_slice %arg4[%add3A_34] : memref<320000xi32, #tpu.memory_space<hbm>> -> memref<400xi32, #tpu.memory_space<hbm>>
      tpu.enqueue_dma source(%dma_start3A_240 : memref<400xi32, #tpu.memory_space<hbm>>) target(%arg20 : memref<400xi32, #tpu.memory_space<vmem>>) target_semaphore(%arg22 : memref<!tpu.dma_semaphore, #tpu.memory_space<semaphore_mem>>)
      %dma_start3A_241 = tpu.memref_slice %arg5[%add3A_34] : memref<320000xi32, #tpu.memory_space<hbm>> -> memref<400xi32, #tpu.memory_space<hbm>>
      %dma_start3A_242 = tpu.memref_slice %arg5[%add3A_34] : memref<320000xi32, #tpu.memory_space<hbm>> -> memref<400xi32, #tpu.memory_space<hbm>>
      tpu.enqueue_dma source(%dma_start3A_242 : memref<400xi32, #tpu.memory_space<hbm>>) target(%arg21 : memref<400xi32, #tpu.memory_space<vmem>>) target_semaphore(%arg22 : memref<!tpu.dma_semaphore, #tpu.memory_space<semaphore_mem>>)
    } else {
    }
    %dma_wait3A = arith.constant 0 : i32
    %dma_wait3A_51 = tpu.memref_slice %arg4[%dma_wait3A] : memref<320000xi32, #tpu.memory_space<hbm>> -> memref<400xi32, #tpu.memory_space<hbm>>
    %dma_wait3A_52 = arith.constant 0 : i32
    %dma_wait3A_53 = tpu.memref_slice %arg4[%dma_wait3A_52] : memref<320000xi32, #tpu.memory_space<hbm>> -> memref<400xi32, #tpu.memory_space<hbm>>
    tpu.wait_dma2 semaphore(%arg22 : memref<!tpu.dma_semaphore, #tpu.memory_space<semaphore_mem>>) src(%dma_wait3A_53 : memref<400xi32, #tpu.memory_space<hbm>>) dst(%arg18 : memref<400xi32, #tpu.memory_space<vmem>>)
    %dma_wait3A_54 = arith.constant 0 : i32
    %dma_wait3A_55 = tpu.memref_slice %arg5[%dma_wait3A_54] : memref<320000xi32, #tpu.memory_space<hbm>> -> memref<400xi32, #tpu.memory_space<hbm>>
    %dma_wait3A_56 = arith.constant 0 : i32
    %dma_wait3A_57 = tpu.memref_slice %arg5[%dma_wait3A_56] : memref<320000xi32, #tpu.memory_space<hbm>> -> memref<400xi32, #tpu.memory_space<hbm>>
    tpu.wait_dma2 semaphore(%arg22 : memref<!tpu.dma_semaphore, #tpu.memory_space<semaphore_mem>>) src(%dma_wait3A_57 : memref<400xi32, #tpu.memory_space<hbm>>) dst(%arg19 : memref<400xi32, #tpu.memory_space<vmem>>)
    %dma_wait3A_58 = arith.constant 0 : i32
    %dma_wait3A_59 = tpu.memref_slice %arg4[%dma_wait3A_58] : memref<320000xi32, #tpu.memory_space<hbm>> -> memref<400xi32, #tpu.memory_space<hbm>>
    %dma_wait3A_60 = arith.constant 0 : i32
    %dma_wait3A_61 = tpu.memref_slice %arg4[%dma_wait3A_60] : memref<320000xi32, #tpu.memory_space<hbm>> -> memref<400xi32, #tpu.memory_space<hbm>>
    tpu.wait_dma2 semaphore(%arg22 : memref<!tpu.dma_semaphore, #tpu.memory_space<semaphore_mem>>) src(%dma_wait3A_61 : memref<400xi32, #tpu.memory_space<hbm>>) dst(%arg18 : memref<400xi32, #tpu.memory_space<vmem>>)
    %dma_wait3A_62 = arith.constant 0 : i32
    %dma_wait3A_63 = tpu.memref_slice %arg5[%dma_wait3A_62] : memref<320000xi32, #tpu.memory_space<hbm>> -> memref<400xi32, #tpu.memory_space<hbm>>
    %dma_wait3A_64 = arith.constant 0 : i32
    %dma_wait3A_65 = tpu.memref_slice %arg5[%dma_wait3A_64] : memref<320000xi32, #tpu.memory_space<hbm>> -> memref<400xi32, #tpu.memory_space<hbm>>
    tpu.wait_dma2 semaphore(%arg22 : memref<!tpu.dma_semaphore, #tpu.memory_space<semaphore_mem>>) src(%dma_wait3A_65 : memref<400xi32, #tpu.memory_space<hbm>>) dst(%arg19 : memref<400xi32, #tpu.memory_space<vmem>>)
    %rem3A_66 = arith.constant 0 : i32
    %rem3A_67 = arith.constant 10 : i32
    %rem3A_68 = arith.remsi %rem3A_66, %rem3A_67 : i32
    %mul3A_69 = arith.constant 40 : i32
    %mul3A_70 = arith.muli %rem3A_68, %mul3A_69 : i32
    %jit3A = arith.constant 0 : i32
    %jit3A_71 = arith.constant 10 : i32
    %div3A = arith.divsi %jit3A, %jit3A_71 : i32
    %sign3A = arith.constant 0 : i32
    %sign3A_72 = arith.cmpi sgt, %jit3A, %sign3A : i32
    %sign3A_73 = arith.extui %sign3A_72 : i1 to i32
    %sign3A_74 = arith.constant 0 : i32
    %sign3A_75 = arith.cmpi slt, %jit3A, %sign3A_74 : i32
    %sign3A_76 = arith.extui %sign3A_75 : i1 to i32
    %sign3A_77 = arith.subi %sign3A_73, %sign3A_76 : i32
    %sign3A_78 = arith.constant 0 : i32
    %sign3A_79 = arith.cmpi sgt, %jit3A_71, %sign3A_78 : i32
    %sign3A_80 = arith.extui %sign3A_79 : i1 to i32
    %sign3A_81 = arith.constant 0 : i32
    %sign3A_82 = arith.cmpi slt, %jit3A_71, %sign3A_81 : i32
    %sign3A_83 = arith.extui %sign3A_82 : i1 to i32
    %sign3A_84 = arith.subi %sign3A_80, %sign3A_83 : i32
    %ne3A = arith.cmpi ne, %sign3A_77, %sign3A_84 : i32
    %rem3A_85 = arith.remsi %jit3A, %jit3A_71 : i32
    %ne3A_86 = arith.constant 0 : i32
    %ne3A_87 = arith.cmpi ne, %rem3A_85, %ne3A_86 : i32
    %and3A = arith.andi %ne3A, %ne3A_87 : i1
    %sub3A = arith.constant 1 : i32
    %sub3A_88 = arith.subi %div3A, %sub3A : i32
    %select_n3A = arith.select %and3A, %sub3A_88, %div3A : i32
    %rem3A_89 = arith.constant 2 : i32
    %rem3A_90 = arith.remsi %select_n3A, %rem3A_89 : i32
    %eq3A_91 = arith.constant 0 : i32
    %eq3A_92 = arith.cmpi eq, %rem3A_90, %eq3A_91 : i32
    %convert_element_type3A_93 = arith.extui %eq3A_92 : i1 to i32
    %cond3A_94 = arith.constant 0 : i32
    %cond3A_95 = arith.cmpi ne, %convert_element_type3A_93, %cond3A_94 : i32
    scf.if %cond3A_95 {
      %dma_start3A = tpu.memref_slice %arg18[%mul3A_70] : memref<400xi32, #tpu.memory_space<vmem>> -> memref<40xi32, #tpu.memory_space<vmem>>
      %dma_start3A_240 = arith.constant 0 : i32
      %dma_start3A_241 = arith.constant 0 : i32
      %dma_start3A_242 = tpu.memref_slice %arg2[%dma_start3A_240, %dma_start3A_241] : memref<10000x128xf32, #tpu.memory_space<hbm>> -> memref<10000x128xf32, #tpu.memory_space<hbm>>
      tpu.enqueue_indirect_dma source(%dma_start3A_242 : memref<10000x128xf32, #tpu.memory_space<hbm>>) target(%arg8 : memref<40x128xf32, #tpu.memory_space<vmem>>) offsets(%dma_start3A : memref<40xi32, #tpu.memory_space<vmem>>) semaphore(%arg11 : memref<!tpu.dma_semaphore, #tpu.memory_space<semaphore_mem>>)
      %dma_start3A_243 = tpu.memref_slice %arg19[%mul3A_70] : memref<400xi32, #tpu.memory_space<vmem>> -> memref<40xi32, #tpu.memory_space<vmem>>
      %dma_start3A_244 = arith.constant 0 : i32
      %dma_start3A_245 = arith.constant 0 : i32
      %dma_start3A_246 = tpu.memref_slice %arg2[%dma_start3A_244, %dma_start3A_245] : memref<10000x128xf32, #tpu.memory_space<hbm>> -> memref<10000x128xf32, #tpu.memory_space<hbm>>
      tpu.enqueue_indirect_dma source(%dma_start3A_246 : memref<10000x128xf32, #tpu.memory_space<hbm>>) target(%arg9 : memref<40x128xf32, #tpu.memory_space<vmem>>) offsets(%dma_start3A_243 : memref<40xi32, #tpu.memory_space<vmem>>) semaphore(%arg11 : memref<!tpu.dma_semaphore, #tpu.memory_space<semaphore_mem>>)
      %add3A_247 = arith.constant 0 : i32
      %add3A_248 = arith.addi %mul3A_2, %add3A_247 : i32
      %dma_start3A_249 = arith.constant 0 : i32
      %dma_start3A_250 = tpu.memref_slice %arg3[%add3A_248, %dma_start3A_249] : memref<320000x128xf32, #tpu.memory_space<hbm>> -> memref<40x128xf32, #tpu.memory_space<hbm>>
      %dma_start3A_251 = arith.constant 0 : i32
      %dma_start3A_252 = tpu.memref_slice %arg3[%add3A_248, %dma_start3A_251] : memref<320000x128xf32, #tpu.memory_space<hbm>> -> memref<40x128xf32, #tpu.memory_space<hbm>>
      tpu.enqueue_dma source(%dma_start3A_252 : memref<40x128xf32, #tpu.memory_space<hbm>>) target(%arg10 : memref<40x128xf32, #tpu.memory_space<vmem>>) target_semaphore(%arg11 : memref<!tpu.dma_semaphore, #tpu.memory_space<semaphore_mem>>)
    } else {
    }
    %eq3A_96 = arith.constant 1 : i32
    %eq3A_97 = arith.cmpi eq, %rem3A_90, %eq3A_96 : i32
    %convert_element_type3A_98 = arith.extui %eq3A_97 : i1 to i32
    %cond3A_99 = arith.constant 0 : i32
    %cond3A_100 = arith.cmpi ne, %convert_element_type3A_98, %cond3A_99 : i32
    scf.if %cond3A_100 {
      %dma_start3A = tpu.memref_slice %arg20[%mul3A_70] : memref<400xi32, #tpu.memory_space<vmem>> -> memref<40xi32, #tpu.memory_space<vmem>>
      %dma_start3A_240 = arith.constant 0 : i32
      %dma_start3A_241 = arith.constant 0 : i32
      %dma_start3A_242 = tpu.memref_slice %arg2[%dma_start3A_240, %dma_start3A_241] : memref<10000x128xf32, #tpu.memory_space<hbm>> -> memref<10000x128xf32, #tpu.memory_space<hbm>>
      tpu.enqueue_indirect_dma source(%dma_start3A_242 : memref<10000x128xf32, #tpu.memory_space<hbm>>) target(%arg8 : memref<40x128xf32, #tpu.memory_space<vmem>>) offsets(%dma_start3A : memref<40xi32, #tpu.memory_space<vmem>>) semaphore(%arg11 : memref<!tpu.dma_semaphore, #tpu.memory_space<semaphore_mem>>)
      %dma_start3A_243 = tpu.memref_slice %arg21[%mul3A_70] : memref<400xi32, #tpu.memory_space<vmem>> -> memref<40xi32, #tpu.memory_space<vmem>>
      %dma_start3A_244 = arith.constant 0 : i32
      %dma_start3A_245 = arith.constant 0 : i32
      %dma_start3A_246 = tpu.memref_slice %arg2[%dma_start3A_244, %dma_start3A_245] : memref<10000x128xf32, #tpu.memory_space<hbm>> -> memref<10000x128xf32, #tpu.memory_space<hbm>>
      tpu.enqueue_indirect_dma source(%dma_start3A_246 : memref<10000x128xf32, #tpu.memory_space<hbm>>) target(%arg9 : memref<40x128xf32, #tpu.memory_space<vmem>>) offsets(%dma_start3A_243 : memref<40xi32, #tpu.memory_space<vmem>>) semaphore(%arg11 : memref<!tpu.dma_semaphore, #tpu.memory_space<semaphore_mem>>)
      %add3A_247 = arith.constant 0 : i32
      %add3A_248 = arith.addi %mul3A_2, %add3A_247 : i32
      %dma_start3A_249 = arith.constant 0 : i32
      %dma_start3A_250 = tpu.memref_slice %arg3[%add3A_248, %dma_start3A_249] : memref<320000x128xf32, #tpu.memory_space<hbm>> -> memref<40x128xf32, #tpu.memory_space<hbm>>
      %dma_start3A_251 = arith.constant 0 : i32
      %dma_start3A_252 = tpu.memref_slice %arg3[%add3A_248, %dma_start3A_251] : memref<320000x128xf32, #tpu.memory_space<hbm>> -> memref<40x128xf32, #tpu.memory_space<hbm>>
      tpu.enqueue_dma source(%dma_start3A_252 : memref<40x128xf32, #tpu.memory_space<hbm>>) target(%arg10 : memref<40x128xf32, #tpu.memory_space<vmem>>) target_semaphore(%arg11 : memref<!tpu.dma_semaphore, #tpu.memory_space<semaphore_mem>>)
    } else {
    }
    %rem3A_101 = arith.constant 1 : i32
    %rem3A_102 = arith.constant 10 : i32
    %rem3A_103 = arith.remsi %rem3A_101, %rem3A_102 : i32
    %mul3A_104 = arith.constant 40 : i32
    %mul3A_105 = arith.muli %rem3A_103, %mul3A_104 : i32
    %jit3A_106 = arith.constant 1 : i32
    %jit3A_107 = arith.constant 10 : i32
    %div3A_108 = arith.divsi %jit3A_106, %jit3A_107 : i32
    %sign3A_109 = arith.constant 0 : i32
    %sign3A_110 = arith.cmpi sgt, %jit3A_106, %sign3A_109 : i32
    %sign3A_111 = arith.extui %sign3A_110 : i1 to i32
    %sign3A_112 = arith.constant 0 : i32
    %sign3A_113 = arith.cmpi slt, %jit3A_106, %sign3A_112 : i32
    %sign3A_114 = arith.extui %sign3A_113 : i1 to i32
    %sign3A_115 = arith.subi %sign3A_111, %sign3A_114 : i32
    %sign3A_116 = arith.constant 0 : i32
    %sign3A_117 = arith.cmpi sgt, %jit3A_107, %sign3A_116 : i32
    %sign3A_118 = arith.extui %sign3A_117 : i1 to i32
    %sign3A_119 = arith.constant 0 : i32
    %sign3A_120 = arith.cmpi slt, %jit3A_107, %sign3A_119 : i32
    %sign3A_121 = arith.extui %sign3A_120 : i1 to i32
    %sign3A_122 = arith.subi %sign3A_118, %sign3A_121 : i32
    %ne3A_123 = arith.cmpi ne, %sign3A_115, %sign3A_122 : i32
    %rem3A_124 = arith.remsi %jit3A_106, %jit3A_107 : i32
    %ne3A_125 = arith.constant 0 : i32
    %ne3A_126 = arith.cmpi ne, %rem3A_124, %ne3A_125 : i32
    %and3A_127 = arith.andi %ne3A_123, %ne3A_126 : i1
    %sub3A_128 = arith.constant 1 : i32
    %sub3A_129 = arith.subi %div3A_108, %sub3A_128 : i32
    %select_n3A_130 = arith.select %and3A_127, %sub3A_129, %div3A_108 : i32
    %rem3A_131 = arith.constant 2 : i32
    %rem3A_132 = arith.remsi %select_n3A_130, %rem3A_131 : i32
    %eq3A_133 = arith.constant 0 : i32
    %eq3A_134 = arith.cmpi eq, %rem3A_132, %eq3A_133 : i32
    %convert_element_type3A_135 = arith.extui %eq3A_134 : i1 to i32
    %cond3A_136 = arith.constant 0 : i32
    %cond3A_137 = arith.cmpi ne, %convert_element_type3A_135, %cond3A_136 : i32
    scf.if %cond3A_137 {
      %dma_start3A = tpu.memref_slice %arg18[%mul3A_105] : memref<400xi32, #tpu.memory_space<vmem>> -> memref<40xi32, #tpu.memory_space<vmem>>
      %dma_start3A_240 = arith.constant 0 : i32
      %dma_start3A_241 = arith.constant 0 : i32
      %dma_start3A_242 = tpu.memref_slice %arg2[%dma_start3A_240, %dma_start3A_241] : memref<10000x128xf32, #tpu.memory_space<hbm>> -> memref<10000x128xf32, #tpu.memory_space<hbm>>
      tpu.enqueue_indirect_dma source(%dma_start3A_242 : memref<10000x128xf32, #tpu.memory_space<hbm>>) target(%arg13 : memref<40x128xf32, #tpu.memory_space<vmem>>) offsets(%dma_start3A : memref<40xi32, #tpu.memory_space<vmem>>) semaphore(%arg16 : memref<!tpu.dma_semaphore, #tpu.memory_space<semaphore_mem>>)
      %dma_start3A_243 = tpu.memref_slice %arg19[%mul3A_105] : memref<400xi32, #tpu.memory_space<vmem>> -> memref<40xi32, #tpu.memory_space<vmem>>
      %dma_start3A_244 = arith.constant 0 : i32
      %dma_start3A_245 = arith.constant 0 : i32
      %dma_start3A_246 = tpu.memref_slice %arg2[%dma_start3A_244, %dma_start3A_245] : memref<10000x128xf32, #tpu.memory_space<hbm>> -> memref<10000x128xf32, #tpu.memory_space<hbm>>
      tpu.enqueue_indirect_dma source(%dma_start3A_246 : memref<10000x128xf32, #tpu.memory_space<hbm>>) target(%arg14 : memref<40x128xf32, #tpu.memory_space<vmem>>) offsets(%dma_start3A_243 : memref<40xi32, #tpu.memory_space<vmem>>) semaphore(%arg16 : memref<!tpu.dma_semaphore, #tpu.memory_space<semaphore_mem>>)
      %add3A_247 = arith.constant 40 : i32
      %add3A_248 = arith.addi %mul3A_2, %add3A_247 : i32
      %dma_start3A_249 = arith.constant 0 : i32
      %dma_start3A_250 = tpu.memref_slice %arg3[%add3A_248, %dma_start3A_249] : memref<320000x128xf32, #tpu.memory_space<hbm>> -> memref<40x128xf32, #tpu.memory_space<hbm>>
      %dma_start3A_251 = arith.constant 0 : i32
      %dma_start3A_252 = tpu.memref_slice %arg3[%add3A_248, %dma_start3A_251] : memref<320000x128xf32, #tpu.memory_space<hbm>> -> memref<40x128xf32, #tpu.memory_space<hbm>>
      tpu.enqueue_dma source(%dma_start3A_252 : memref<40x128xf32, #tpu.memory_space<hbm>>) target(%arg15 : memref<40x128xf32, #tpu.memory_space<vmem>>) target_semaphore(%arg16 : memref<!tpu.dma_semaphore, #tpu.memory_space<semaphore_mem>>)
    } else {
    }
    %eq3A_138 = arith.constant 1 : i32
    %eq3A_139 = arith.cmpi eq, %rem3A_132, %eq3A_138 : i32
    %convert_element_type3A_140 = arith.extui %eq3A_139 : i1 to i32
    %cond3A_141 = arith.constant 0 : i32
    %cond3A_142 = arith.cmpi ne, %convert_element_type3A_140, %cond3A_141 : i32
    scf.if %cond3A_142 {
      %dma_start3A = tpu.memref_slice %arg20[%mul3A_105] : memref<400xi32, #tpu.memory_space<vmem>> -> memref<40xi32, #tpu.memory_space<vmem>>
      %dma_start3A_240 = arith.constant 0 : i32
      %dma_start3A_241 = arith.constant 0 : i32
      %dma_start3A_242 = tpu.memref_slice %arg2[%dma_start3A_240, %dma_start3A_241] : memref<10000x128xf32, #tpu.memory_space<hbm>> -> memref<10000x128xf32, #tpu.memory_space<hbm>>
      tpu.enqueue_indirect_dma source(%dma_start3A_242 : memref<10000x128xf32, #tpu.memory_space<hbm>>) target(%arg13 : memref<40x128xf32, #tpu.memory_space<vmem>>) offsets(%dma_start3A : memref<40xi32, #tpu.memory_space<vmem>>) semaphore(%arg16 : memref<!tpu.dma_semaphore, #tpu.memory_space<semaphore_mem>>)
      %dma_start3A_243 = tpu.memref_slice %arg21[%mul3A_105] : memref<400xi32, #tpu.memory_space<vmem>> -> memref<40xi32, #tpu.memory_space<vmem>>
      %dma_start3A_244 = arith.constant 0 : i32
      %dma_start3A_245 = arith.constant 0 : i32
      %dma_start3A_246 = tpu.memref_slice %arg2[%dma_start3A_244, %dma_start3A_245] : memref<10000x128xf32, #tpu.memory_space<hbm>> -> memref<10000x128xf32, #tpu.memory_space<hbm>>
      tpu.enqueue_indirect_dma source(%dma_start3A_246 : memref<10000x128xf32, #tpu.memory_space<hbm>>) target(%arg14 : memref<40x128xf32, #tpu.memory_space<vmem>>) offsets(%dma_start3A_243 : memref<40xi32, #tpu.memory_space<vmem>>) semaphore(%arg16 : memref<!tpu.dma_semaphore, #tpu.memory_space<semaphore_mem>>)
      %add3A_247 = arith.constant 40 : i32
      %add3A_248 = arith.addi %mul3A_2, %add3A_247 : i32
      %dma_start3A_249 = arith.constant 0 : i32
      %dma_start3A_250 = tpu.memref_slice %arg3[%add3A_248, %dma_start3A_249] : memref<320000x128xf32, #tpu.memory_space<hbm>> -> memref<40x128xf32, #tpu.memory_space<hbm>>
      %dma_start3A_251 = arith.constant 0 : i32
      %dma_start3A_252 = tpu.memref_slice %arg3[%add3A_248, %dma_start3A_251] : memref<320000x128xf32, #tpu.memory_space<hbm>> -> memref<40x128xf32, #tpu.memory_space<hbm>>
      tpu.enqueue_dma source(%dma_start3A_252 : memref<40x128xf32, #tpu.memory_space<hbm>>) target(%arg15 : memref<40x128xf32, #tpu.memory_space<vmem>>) target_semaphore(%arg16 : memref<!tpu.dma_semaphore, #tpu.memory_space<semaphore_mem>>)
    } else {
    }
    %scan3A_143 = arith.constant 0 : i32
    %scan3A_144 = arith.constant 0 : i32
    %scan3A_145 = arith.constant 125 : i32
    %scan3A_146 = arith.addi %scan3A_144, %scan3A_145 : i32
    %scan3A_147 = arith.constant 1 : i32
    scf.for %scan3A_240 = %scan3A_144 to %scan3A_146 step %scan3A_147  : i32 {
      %mul3A_241 = arith.constant 2 : i32
      %mul3A_242 = arith.muli %mul3A_241, %scan3A_240 : i32
      %rem3A_243 = arith.constant 10 : i32
      %rem3A_244 = arith.remsi %mul3A_242, %rem3A_243 : i32
      %eq3A_245 = arith.constant 0 : i32
      %eq3A_246 = arith.cmpi eq, %rem3A_244, %eq3A_245 : i32
      %jit3A_247 = arith.constant 10 : i32
      %div3A_248 = arith.divsi %mul3A_242, %jit3A_247 : i32
      %sign3A_249 = arith.constant 0 : i32
      %sign3A_250 = arith.cmpi sgt, %mul3A_242, %sign3A_249 : i32
      %sign3A_251 = arith.extui %sign3A_250 : i1 to i32
      %sign3A_252 = arith.constant 0 : i32
      %sign3A_253 = arith.cmpi slt, %mul3A_242, %sign3A_252 : i32
      %sign3A_254 = arith.extui %sign3A_253 : i1 to i32
      %sign3A_255 = arith.subi %sign3A_251, %sign3A_254 : i32
      %sign3A_256 = arith.constant 0 : i32
      %sign3A_257 = arith.cmpi sgt, %jit3A_247, %sign3A_256 : i32
      %sign3A_258 = arith.extui %sign3A_257 : i1 to i32
      %sign3A_259 = arith.constant 0 : i32
      %sign3A_260 = arith.cmpi slt, %jit3A_247, %sign3A_259 : i32
      %sign3A_261 = arith.extui %sign3A_260 : i1 to i32
      %sign3A_262 = arith.subi %sign3A_258, %sign3A_261 : i32
      %ne3A_263 = arith.cmpi ne, %sign3A_255, %sign3A_262 : i32
      %rem3A_264 = arith.remsi %mul3A_242, %jit3A_247 : i32
      %ne3A_265 = arith.constant 0 : i32
      %ne3A_266 = arith.cmpi ne, %rem3A_264, %ne3A_265 : i32
      %and3A_267 = arith.andi %ne3A_263, %ne3A_266 : i1
      %sub3A_268 = arith.constant 1 : i32
      %sub3A_269 = arith.subi %div3A_248, %sub3A_268 : i32
      %select_n3A_270 = arith.select %and3A_267, %sub3A_269, %div3A_248 : i32
      %add3A_271 = arith.constant 1 : i32
      %add3A_272 = arith.addi %select_n3A_270, %add3A_271 : i32
      %lt3A = arith.constant 25 : i32
      %lt3A_273 = arith.cmpi slt, %add3A_272, %lt3A : i32
      %and3A_274 = arith.andi %eq3A_246, %lt3A_273 : i1
      %convert_element_type3A_275 = arith.extui %and3A_274 : i1 to i32
      %cond3A_276 = arith.constant 0 : i32
      %cond3A_277 = arith.cmpi ne, %convert_element_type3A_275, %cond3A_276 : i32
      scf.if %cond3A_277 {
        %jit3A_502 = arith.constant 10 : i32
        %div3A_503 = arith.divsi %mul3A_242, %jit3A_502 : i32
        %sign3A_504 = arith.constant 0 : i32
        %sign3A_505 = arith.cmpi sgt, %mul3A_242, %sign3A_504 : i32
        %sign3A_506 = arith.extui %sign3A_505 : i1 to i32
        %sign3A_507 = arith.constant 0 : i32
        %sign3A_508 = arith.cmpi slt, %mul3A_242, %sign3A_507 : i32
        %sign3A_509 = arith.extui %sign3A_508 : i1 to i32
        %sign3A_510 = arith.subi %sign3A_506, %sign3A_509 : i32
        %sign3A_511 = arith.constant 0 : i32
        %sign3A_512 = arith.cmpi sgt, %jit3A_502, %sign3A_511 : i32
        %sign3A_513 = arith.extui %sign3A_512 : i1 to i32
        %sign3A_514 = arith.constant 0 : i32
        %sign3A_515 = arith.cmpi slt, %jit3A_502, %sign3A_514 : i32
        %sign3A_516 = arith.extui %sign3A_515 : i1 to i32
        %sign3A_517 = arith.subi %sign3A_513, %sign3A_516 : i32
        %ne3A_518 = arith.cmpi ne, %sign3A_510, %sign3A_517 : i32
        %rem3A_519 = arith.remsi %mul3A_242, %jit3A_502 : i32
        %ne3A_520 = arith.constant 0 : i32
        %ne3A_521 = arith.cmpi ne, %rem3A_519, %ne3A_520 : i32
        %and3A_522 = arith.andi %ne3A_518, %ne3A_521 : i1
        %sub3A_523 = arith.constant 1 : i32
        %sub3A_524 = arith.subi %div3A_503, %sub3A_523 : i32
        %select_n3A_525 = arith.select %and3A_522, %sub3A_524, %div3A_503 : i32
        %add3A_526 = arith.constant 1 : i32
        %add3A_527 = arith.addi %select_n3A_525, %add3A_526 : i32
        %mul3A_528 = arith.constant 400 : i32
        %mul3A_529 = arith.muli %add3A_527, %mul3A_528 : i32
        %add3A_530 = arith.addi %mul3A_2, %mul3A_529 : i32
        %rem3A_531 = arith.constant 2 : i32
        %rem3A_532 = arith.remsi %add3A_527, %rem3A_531 : i32
        %eq3A_533 = arith.constant 0 : i32
        %eq3A_534 = arith.cmpi eq, %rem3A_532, %eq3A_533 : i32
        %convert_element_type3A_535 = arith.extui %eq3A_534 : i1 to i32
        %cond3A_536 = arith.constant 0 : i32
        %cond3A_537 = arith.cmpi ne, %convert_element_type3A_535, %cond3A_536 : i32
        scf.if %cond3A_537 {
          %dma_start3A = tpu.memref_slice %arg4[%add3A_530] : memref<320000xi32, #tpu.memory_space<hbm>> -> memref<400xi32, #tpu.memory_space<hbm>>
          %dma_start3A_545 = tpu.memref_slice %arg4[%add3A_530] : memref<320000xi32, #tpu.memory_space<hbm>> -> memref<400xi32, #tpu.memory_space<hbm>>
          tpu.enqueue_dma source(%dma_start3A_545 : memref<400xi32, #tpu.memory_space<hbm>>) target(%arg18 : memref<400xi32, #tpu.memory_space<vmem>>) target_semaphore(%arg22 : memref<!tpu.dma_semaphore, #tpu.memory_space<semaphore_mem>>)
          %dma_start3A_546 = tpu.memref_slice %arg5[%add3A_530] : memref<320000xi32, #tpu.memory_space<hbm>> -> memref<400xi32, #tpu.memory_space<hbm>>
          %dma_start3A_547 = tpu.memref_slice %arg5[%add3A_530] : memref<320000xi32, #tpu.memory_space<hbm>> -> memref<400xi32, #tpu.memory_space<hbm>>
          tpu.enqueue_dma source(%dma_start3A_547 : memref<400xi32, #tpu.memory_space<hbm>>) target(%arg19 : memref<400xi32, #tpu.memory_space<vmem>>) target_semaphore(%arg22 : memref<!tpu.dma_semaphore, #tpu.memory_space<semaphore_mem>>)
        } else {
        }
        %rem3A_538 = arith.constant 2 : i32
        %rem3A_539 = arith.remsi %add3A_527, %rem3A_538 : i32
        %eq3A_540 = arith.constant 1 : i32
        %eq3A_541 = arith.cmpi eq, %rem3A_539, %eq3A_540 : i32
        %convert_element_type3A_542 = arith.extui %eq3A_541 : i1 to i32
        %cond3A_543 = arith.constant 0 : i32
        %cond3A_544 = arith.cmpi ne, %convert_element_type3A_542, %cond3A_543 : i32
        scf.if %cond3A_544 {
          %dma_start3A = tpu.memref_slice %arg4[%add3A_530] : memref<320000xi32, #tpu.memory_space<hbm>> -> memref<400xi32, #tpu.memory_space<hbm>>
          %dma_start3A_545 = tpu.memref_slice %arg4[%add3A_530] : memref<320000xi32, #tpu.memory_space<hbm>> -> memref<400xi32, #tpu.memory_space<hbm>>
          tpu.enqueue_dma source(%dma_start3A_545 : memref<400xi32, #tpu.memory_space<hbm>>) target(%arg20 : memref<400xi32, #tpu.memory_space<vmem>>) target_semaphore(%arg22 : memref<!tpu.dma_semaphore, #tpu.memory_space<semaphore_mem>>)
          %dma_start3A_546 = tpu.memref_slice %arg5[%add3A_530] : memref<320000xi32, #tpu.memory_space<hbm>> -> memref<400xi32, #tpu.memory_space<hbm>>
          %dma_start3A_547 = tpu.memref_slice %arg5[%add3A_530] : memref<320000xi32, #tpu.memory_space<hbm>> -> memref<400xi32, #tpu.memory_space<hbm>>
          tpu.enqueue_dma source(%dma_start3A_547 : memref<400xi32, #tpu.memory_space<hbm>>) target(%arg21 : memref<400xi32, #tpu.memory_space<vmem>>) target_semaphore(%arg22 : memref<!tpu.dma_semaphore, #tpu.memory_space<semaphore_mem>>)
        } else {
        }
      } else {
      }
      %rem3A_278 = arith.constant 10 : i32
      %rem3A_279 = arith.remsi %mul3A_242, %rem3A_278 : i32
      %mul3A_280 = arith.constant 40 : i32
      %mul3A_281 = arith.muli %rem3A_279, %mul3A_280 : i32
      %jit3A_282 = arith.constant 10 : i32
      %div3A_283 = arith.divsi %mul3A_242, %jit3A_282 : i32
      %sign3A_284 = arith.constant 0 : i32
      %sign3A_285 = arith.cmpi sgt, %mul3A_242, %sign3A_284 : i32
      %sign3A_286 = arith.extui %sign3A_285 : i1 to i32
      %sign3A_287 = arith.constant 0 : i32
      %sign3A_288 = arith.cmpi slt, %mul3A_242, %sign3A_287 : i32
      %sign3A_289 = arith.extui %sign3A_288 : i1 to i32
      %sign3A_290 = arith.subi %sign3A_286, %sign3A_289 : i32
      %sign3A_291 = arith.constant 0 : i32
      %sign3A_292 = arith.cmpi sgt, %jit3A_282, %sign3A_291 : i32
      %sign3A_293 = arith.extui %sign3A_292 : i1 to i32
      %sign3A_294 = arith.constant 0 : i32
      %sign3A_295 = arith.cmpi slt, %jit3A_282, %sign3A_294 : i32
      %sign3A_296 = arith.extui %sign3A_295 : i1 to i32
      %sign3A_297 = arith.subi %sign3A_293, %sign3A_296 : i32
      %ne3A_298 = arith.cmpi ne, %sign3A_290, %sign3A_297 : i32
      %rem3A_299 = arith.remsi %mul3A_242, %jit3A_282 : i32
      %ne3A_300 = arith.constant 0 : i32
      %ne3A_301 = arith.cmpi ne, %rem3A_299, %ne3A_300 : i32
      %and3A_302 = arith.andi %ne3A_298, %ne3A_301 : i1
      %sub3A_303 = arith.constant 1 : i32
      %sub3A_304 = arith.subi %div3A_283, %sub3A_303 : i32
      %select_n3A_305 = arith.select %and3A_302, %sub3A_304, %div3A_283 : i32
      %rem3A_306 = arith.constant 2 : i32
      %rem3A_307 = arith.remsi %select_n3A_305, %rem3A_306 : i32
      %eq3A_308 = arith.constant 0 : i32
      %eq3A_309 = arith.cmpi eq, %rem3A_307, %eq3A_308 : i32
      %convert_element_type3A_310 = arith.extui %eq3A_309 : i1 to i32
      %cond3A_311 = arith.constant 0 : i32
      %cond3A_312 = arith.cmpi ne, %convert_element_type3A_310, %cond3A_311 : i32
      scf.if %cond3A_312 {
        %dma_wait3A_502 = tpu.memref_slice %arg18[%mul3A_281] : memref<400xi32, #tpu.memory_space<vmem>> -> memref<40xi32, #tpu.memory_space<vmem>>
        %dma_wait3A_503 = arith.constant 0 : i32
        %dma_wait3A_504 = arith.constant 0 : i32
        %dma_wait3A_505 = tpu.memref_slice %arg2[%dma_wait3A_503, %dma_wait3A_504] : memref<10000x128xf32, #tpu.memory_space<hbm>> -> memref<10000x128xf32, #tpu.memory_space<hbm>>
        tpu.wait_indirect_dma semaphore(%arg11 : memref<!tpu.dma_semaphore, #tpu.memory_space<semaphore_mem>>) src(%dma_wait3A_505 : memref<10000x128xf32, #tpu.memory_space<hbm>>) dst(%arg8 : memref<40x128xf32, #tpu.memory_space<vmem>>)
        %dma_wait3A_506 = tpu.memref_slice %arg19[%mul3A_281] : memref<400xi32, #tpu.memory_space<vmem>> -> memref<40xi32, #tpu.memory_space<vmem>>
        %dma_wait3A_507 = arith.constant 0 : i32
        %dma_wait3A_508 = arith.constant 0 : i32
        %dma_wait3A_509 = tpu.memref_slice %arg2[%dma_wait3A_507, %dma_wait3A_508] : memref<10000x128xf32, #tpu.memory_space<hbm>> -> memref<10000x128xf32, #tpu.memory_space<hbm>>
        tpu.wait_indirect_dma semaphore(%arg11 : memref<!tpu.dma_semaphore, #tpu.memory_space<semaphore_mem>>) src(%dma_wait3A_509 : memref<10000x128xf32, #tpu.memory_space<hbm>>) dst(%arg9 : memref<40x128xf32, #tpu.memory_space<vmem>>)
        %mul3A_510 = arith.constant 40 : i32
        %mul3A_511 = arith.muli %mul3A_242, %mul3A_510 : i32
        %add3A_512 = arith.addi %mul3A_2, %mul3A_511 : i32
        %dma_wait3A_513 = arith.constant 0 : i32
        %dma_wait3A_514 = tpu.memref_slice %arg3[%add3A_512, %dma_wait3A_513] : memref<320000x128xf32, #tpu.memory_space<hbm>> -> memref<40x128xf32, #tpu.memory_space<hbm>>
        %dma_wait3A_515 = arith.constant 0 : i32
        %dma_wait3A_516 = tpu.memref_slice %arg3[%add3A_512, %dma_wait3A_515] : memref<320000x128xf32, #tpu.memory_space<hbm>> -> memref<40x128xf32, #tpu.memory_space<hbm>>
        tpu.wait_dma2 semaphore(%arg11 : memref<!tpu.dma_semaphore, #tpu.memory_space<semaphore_mem>>) src(%dma_wait3A_516 : memref<40x128xf32, #tpu.memory_space<hbm>>) dst(%arg10 : memref<40x128xf32, #tpu.memory_space<vmem>>)
      } else {
      }
      %eq3A_313 = arith.constant 1 : i32
      %eq3A_314 = arith.cmpi eq, %rem3A_307, %eq3A_313 : i32
      %convert_element_type3A_315 = arith.extui %eq3A_314 : i1 to i32
      %cond3A_316 = arith.constant 0 : i32
      %cond3A_317 = arith.cmpi ne, %convert_element_type3A_315, %cond3A_316 : i32
      scf.if %cond3A_317 {
        %dma_wait3A_502 = tpu.memref_slice %arg20[%mul3A_281] : memref<400xi32, #tpu.memory_space<vmem>> -> memref<40xi32, #tpu.memory_space<vmem>>
        %dma_wait3A_503 = arith.constant 0 : i32
        %dma_wait3A_504 = arith.constant 0 : i32
        %dma_wait3A_505 = tpu.memref_slice %arg2[%dma_wait3A_503, %dma_wait3A_504] : memref<10000x128xf32, #tpu.memory_space<hbm>> -> memref<10000x128xf32, #tpu.memory_space<hbm>>
        tpu.wait_indirect_dma semaphore(%arg11 : memref<!tpu.dma_semaphore, #tpu.memory_space<semaphore_mem>>) src(%dma_wait3A_505 : memref<10000x128xf32, #tpu.memory_space<hbm>>) dst(%arg8 : memref<40x128xf32, #tpu.memory_space<vmem>>)
        %dma_wait3A_506 = tpu.memref_slice %arg21[%mul3A_281] : memref<400xi32, #tpu.memory_space<vmem>> -> memref<40xi32, #tpu.memory_space<vmem>>
        %dma_wait3A_507 = arith.constant 0 : i32
        %dma_wait3A_508 = arith.constant 0 : i32
        %dma_wait3A_509 = tpu.memref_slice %arg2[%dma_wait3A_507, %dma_wait3A_508] : memref<10000x128xf32, #tpu.memory_space<hbm>> -> memref<10000x128xf32, #tpu.memory_space<hbm>>
        tpu.wait_indirect_dma semaphore(%arg11 : memref<!tpu.dma_semaphore, #tpu.memory_space<semaphore_mem>>) src(%dma_wait3A_509 : memref<10000x128xf32, #tpu.memory_space<hbm>>) dst(%arg9 : memref<40x128xf32, #tpu.memory_space<vmem>>)
        %mul3A_510 = arith.constant 40 : i32
        %mul3A_511 = arith.muli %mul3A_242, %mul3A_510 : i32
        %add3A_512 = arith.addi %mul3A_2, %mul3A_511 : i32
        %dma_wait3A_513 = arith.constant 0 : i32
        %dma_wait3A_514 = tpu.memref_slice %arg3[%add3A_512, %dma_wait3A_513] : memref<320000x128xf32, #tpu.memory_space<hbm>> -> memref<40x128xf32, #tpu.memory_space<hbm>>
        %dma_wait3A_515 = arith.constant 0 : i32
        %dma_wait3A_516 = tpu.memref_slice %arg3[%add3A_512, %dma_wait3A_515] : memref<320000x128xf32, #tpu.memory_space<hbm>> -> memref<40x128xf32, #tpu.memory_space<hbm>>
        tpu.wait_dma2 semaphore(%arg11 : memref<!tpu.dma_semaphore, #tpu.memory_space<semaphore_mem>>) src(%dma_wait3A_516 : memref<40x128xf32, #tpu.memory_space<hbm>>) dst(%arg10 : memref<40x128xf32, #tpu.memory_space<vmem>>)
      } else {
      }
      %scan3A_318 = arith.constant 0 : i32
      %scan3A_319 = arith.constant 0 : i32
      %scan3A_320 = arith.constant 20 : i32
      %scan3A_321 = arith.addi %scan3A_319, %scan3A_320 : i32
      %scan3A_322 = arith.constant 1 : i32
      scf.for %scan3A_502 = %scan3A_319 to %scan3A_321 step %scan3A_322  : i32 {
        %mul3A_503 = arith.constant 2 : i32
        %mul3A_504 = arith.muli %mul3A_503, %scan3A_502 : i32
        %add3A_505 = arith.constant 0 : i32
        %add3A_506 = arith.addi %mul3A_504, %add3A_505 : i32
        %get3A = arith.index_cast %add3A_506 : i32 to index
        %get3A_507 = arith.constant 0 : index
        %get3A_508 = tpu.vector_load %arg10[%get3A, %get3A_507] {strides = array<i32>} : memref<40x128xf32, #tpu.memory_space<vmem>>, vector<1x16xf32>,
        %get3A_509 = vector.shape_cast %get3A_508 : vector<1x16xf32> to vector<16xf32>
        %mul3A_510 = arith.constant 2 : i32
        %mul3A_511 = arith.muli %mul3A_510, %scan3A_502 : i32
        %add3A_512 = arith.constant 0 : i32
        %add3A_513 = arith.addi %mul3A_511, %add3A_512 : i32
        %get3A_514 = arith.index_cast %add3A_513 : i32 to index
        %get3A_515 = arith.constant 0 : index
        %get3A_516 = tpu.vector_load %arg8[%get3A_514, %get3A_515] {strides = array<i32>} : memref<40x128xf32, #tpu.memory_space<vmem>>, vector<1x16xf32>,
        %get3A_517 = vector.shape_cast %get3A_516 : vector<1x16xf32> to vector<16xf32>
        %mul3A_518 = arith.mulf %get3A_517, %get3A_509 : vector<16xf32>
        %mul3A_519 = arith.constant 2 : i32
        %mul3A_520 = arith.muli %mul3A_519, %scan3A_502 : i32
        %add3A_521 = arith.constant 0 : i32
        %add3A_522 = arith.addi %mul3A_520, %add3A_521 : i32
        %swap3A = arith.index_cast %add3A_522 : i32 to index
        %swap3A_523 = arith.constant 0 : index
        %swap3A_524 = tpu.vector_load %arg8[%swap3A, %swap3A_523] {strides = array<i32>} : memref<40x128xf32, #tpu.memory_space<vmem>>, vector<1x16xf32>,
        %swap3A_525 = vector.shape_cast %swap3A_524 : vector<1x16xf32> to vector<16xf32>
        %swap3A_526 = vector.shape_cast %mul3A_518 : vector<16xf32> to vector<1x16xf32>
        tpu.vector_store %arg8[%swap3A, %swap3A_523], %swap3A_526 {strides = array<i32>} : memref<40x128xf32, #tpu.memory_space<vmem>>, vector<1x16xf32>,
        %mul3A_527 = arith.constant 2 : i32
        %mul3A_528 = arith.muli %mul3A_527, %scan3A_502 : i32
        %add3A_529 = arith.constant 0 : i32
        %add3A_530 = arith.addi %mul3A_528, %add3A_529 : i32
        %get3A_531 = arith.index_cast %add3A_530 : i32 to index
        %get3A_532 = arith.constant 0 : index
        %get3A_533 = tpu.vector_load %arg9[%get3A_531, %get3A_532] {strides = array<i32>} : memref<40x128xf32, #tpu.memory_space<vmem>>, vector<1x16xf32>,
        %get3A_534 = vector.shape_cast %get3A_533 : vector<1x16xf32> to vector<16xf32>
        %mul3A_535 = arith.mulf %get3A_534, %get3A_509 : vector<16xf32>
        %mul3A_536 = arith.constant 2 : i32
        %mul3A_537 = arith.muli %mul3A_536, %scan3A_502 : i32
        %add3A_538 = arith.constant 0 : i32
        %add3A_539 = arith.addi %mul3A_537, %add3A_538 : i32
        %swap3A_540 = arith.index_cast %add3A_539 : i32 to index
        %swap3A_541 = arith.constant 0 : index
        %swap3A_542 = tpu.vector_load %arg9[%swap3A_540, %swap3A_541] {strides = array<i32>} : memref<40x128xf32, #tpu.memory_space<vmem>>, vector<1x16xf32>,
        %swap3A_543 = vector.shape_cast %swap3A_542 : vector<1x16xf32> to vector<16xf32>
        %swap3A_544 = vector.shape_cast %mul3A_535 : vector<16xf32> to vector<1x16xf32>
        tpu.vector_store %arg9[%swap3A_540, %swap3A_541], %swap3A_544 {strides = array<i32>} : memref<40x128xf32, #tpu.memory_space<vmem>>, vector<1x16xf32>,
        %mul3A_545 = arith.constant 2 : i32
        %mul3A_546 = arith.muli %mul3A_545, %scan3A_502 : i32
        %add3A_547 = arith.constant 0 : i32
        %add3A_548 = arith.addi %mul3A_546, %add3A_547 : i32
        %get3A_549 = arith.index_cast %add3A_548 : i32 to index
        %get3A_550 = arith.constant 16 : index
        %get3A_551 = tpu.vector_load %arg10[%get3A_549, %get3A_550] {strides = array<i32>} : memref<40x128xf32, #tpu.memory_space<vmem>>, vector<1x16xf32>,
        %get3A_552 = vector.shape_cast %get3A_551 : vector<1x16xf32> to vector<16xf32>
        %mul3A_553 = arith.constant 2 : i32
        %mul3A_554 = arith.muli %mul3A_553, %scan3A_502 : i32
        %add3A_555 = arith.constant 0 : i32
        %add3A_556 = arith.addi %mul3A_554, %add3A_555 : i32
        %get3A_557 = arith.index_cast %add3A_556 : i32 to index
        %get3A_558 = arith.constant 16 : index
        %get3A_559 = tpu.vector_load %arg8[%get3A_557, %get3A_558] {strides = array<i32>} : memref<40x128xf32, #tpu.memory_space<vmem>>, vector<1x16xf32>,
        %get3A_560 = vector.shape_cast %get3A_559 : vector<1x16xf32> to vector<16xf32>
        %mul3A_561 = arith.mulf %get3A_560, %get3A_552 : vector<16xf32>
        %mul3A_562 = arith.constant 2 : i32
        %mul3A_563 = arith.muli %mul3A_562, %scan3A_502 : i32
        %add3A_564 = arith.constant 0 : i32
        %add3A_565 = arith.addi %mul3A_563, %add3A_564 : i32
        %swap3A_566 = arith.index_cast %add3A_565 : i32 to index
        %swap3A_567 = arith.constant 16 : index
        %swap3A_568 = tpu.vector_load %arg8[%swap3A_566, %swap3A_567] {strides = array<i32>} : memref<40x128xf32, #tpu.memory_space<vmem>>, vector<1x16xf32>,
        %swap3A_569 = vector.shape_cast %swap3A_568 : vector<1x16xf32> to vector<16xf32>
        %swap3A_570 = vector.shape_cast %mul3A_561 : vector<16xf32> to vector<1x16xf32>
        tpu.vector_store %arg8[%swap3A_566, %swap3A_567], %swap3A_570 {strides = array<i32>} : memref<40x128xf32, #tpu.memory_space<vmem>>, vector<1x16xf32>,
        %mul3A_571 = arith.constant 2 : i32
        %mul3A_572 = arith.muli %mul3A_571, %scan3A_502 : i32
        %add3A_573 = arith.constant 0 : i32
        %add3A_574 = arith.addi %mul3A_572, %add3A_573 : i32
        %get3A_575 = arith.index_cast %add3A_574 : i32 to index
        %get3A_576 = arith.constant 16 : index
        %get3A_577 = tpu.vector_load %arg9[%get3A_575, %get3A_576] {strides = array<i32>} : memref<40x128xf32, #tpu.memory_space<vmem>>, vector<1x16xf32>,
        %get3A_578 = vector.shape_cast %get3A_577 : vector<1x16xf32> to vector<16xf32>
        %mul3A_579 = arith.mulf %get3A_578, %get3A_552 : vector<16xf32>
        %mul3A_580 = arith.constant 2 : i32
        %mul3A_581 = arith.muli %mul3A_580, %scan3A_502 : i32
        %add3A_582 = arith.constant 0 : i32
        %add3A_583 = arith.addi %mul3A_581, %add3A_582 : i32
        %swap3A_584 = arith.index_cast %add3A_583 : i32 to index
        %swap3A_585 = arith.constant 16 : index
        %swap3A_586 = tpu.vector_load %arg9[%swap3A_584, %swap3A_585] {strides = array<i32>} : memref<40x128xf32, #tpu.memory_space<vmem>>, vector<1x16xf32>,
        %swap3A_587 = vector.shape_cast %swap3A_586 : vector<1x16xf32> to vector<16xf32>
        %swap3A_588 = vector.shape_cast %mul3A_579 : vector<16xf32> to vector<1x16xf32>
        tpu.vector_store %arg9[%swap3A_584, %swap3A_585], %swap3A_588 {strides = array<i32>} : memref<40x128xf32, #tpu.memory_space<vmem>>, vector<1x16xf32>,
        %mul3A_589 = arith.constant 2 : i32
        %mul3A_590 = arith.muli %mul3A_589, %scan3A_502 : i32
        %add3A_591 = arith.constant 0 : i32
        %add3A_592 = arith.addi %mul3A_590, %add3A_591 : i32
        %get3A_593 = arith.index_cast %add3A_592 : i32 to index
        %get3A_594 = arith.constant 32 : index
        %get3A_595 = tpu.vector_load %arg10[%get3A_593, %get3A_594] {strides = array<i32>} : memref<40x128xf32, #tpu.memory_space<vmem>>, vector<1x16xf32>,
        %get3A_596 = vector.shape_cast %get3A_595 : vector<1x16xf32> to vector<16xf32>
        %mul3A_597 = arith.constant 2 : i32
        %mul3A_598 = arith.muli %mul3A_597, %scan3A_502 : i32
        %add3A_599 = arith.constant 0 : i32
        %add3A_600 = arith.addi %mul3A_598, %add3A_599 : i32
        %get3A_601 = arith.index_cast %add3A_600 : i32 to index
        %get3A_602 = arith.constant 32 : index
        %get3A_603 = tpu.vector_load %arg8[%get3A_601, %get3A_602] {strides = array<i32>} : memref<40x128xf32, #tpu.memory_space<vmem>>, vector<1x16xf32>,
        %get3A_604 = vector.shape_cast %get3A_603 : vector<1x16xf32> to vector<16xf32>
        %mul3A_605 = arith.mulf %get3A_604, %get3A_596 : vector<16xf32>
        %mul3A_606 = arith.constant 2 : i32
        %mul3A_607 = arith.muli %mul3A_606, %scan3A_502 : i32
        %add3A_608 = arith.constant 0 : i32
        %add3A_609 = arith.addi %mul3A_607, %add3A_608 : i32
        %swap3A_610 = arith.index_cast %add3A_609 : i32 to index
        %swap3A_611 = arith.constant 32 : index
        %swap3A_612 = tpu.vector_load %arg8[%swap3A_610, %swap3A_611] {strides = array<i32>} : memref<40x128xf32, #tpu.memory_space<vmem>>, vector<1x16xf32>,
        %swap3A_613 = vector.shape_cast %swap3A_612 : vector<1x16xf32> to vector<16xf32>
        %swap3A_614 = vector.shape_cast %mul3A_605 : vector<16xf32> to vector<1x16xf32>
        tpu.vector_store %arg8[%swap3A_610, %swap3A_611], %swap3A_614 {strides = array<i32>} : memref<40x128xf32, #tpu.memory_space<vmem>>, vector<1x16xf32>,
        %mul3A_615 = arith.constant 2 : i32
        %mul3A_616 = arith.muli %mul3A_615, %scan3A_502 : i32
        %add3A_617 = arith.constant 0 : i32
        %add3A_618 = arith.addi %mul3A_616, %add3A_617 : i32
        %get3A_619 = arith.index_cast %add3A_618 : i32 to index
        %get3A_620 = arith.constant 32 : index
        %get3A_621 = tpu.vector_load %arg9[%get3A_619, %get3A_620] {strides = array<i32>} : memref<40x128xf32, #tpu.memory_space<vmem>>, vector<1x16xf32>,
        %get3A_622 = vector.shape_cast %get3A_621 : vector<1x16xf32> to vector<16xf32>
        %mul3A_623 = arith.mulf %get3A_622, %get3A_596 : vector<16xf32>
        %mul3A_624 = arith.constant 2 : i32
        %mul3A_625 = arith.muli %mul3A_624, %scan3A_502 : i32
        %add3A_626 = arith.constant 0 : i32
        %add3A_627 = arith.addi %mul3A_625, %add3A_626 : i32
        %swap3A_628 = arith.index_cast %add3A_627 : i32 to index
        %swap3A_629 = arith.constant 32 : index
        %swap3A_630 = tpu.vector_load %arg9[%swap3A_628, %swap3A_629] {strides = array<i32>} : memref<40x128xf32, #tpu.memory_space<vmem>>, vector<1x16xf32>,
        %swap3A_631 = vector.shape_cast %swap3A_630 : vector<1x16xf32> to vector<16xf32>
        %swap3A_632 = vector.shape_cast %mul3A_623 : vector<16xf32> to vector<1x16xf32>
        tpu.vector_store %arg9[%swap3A_628, %swap3A_629], %swap3A_632 {strides = array<i32>} : memref<40x128xf32, #tpu.memory_space<vmem>>, vector<1x16xf32>,
        %mul3A_633 = arith.constant 2 : i32
        %mul3A_634 = arith.muli %mul3A_633, %scan3A_502 : i32
        %add3A_635 = arith.constant 0 : i32
        %add3A_636 = arith.addi %mul3A_634, %add3A_635 : i32
        %get3A_637 = arith.index_cast %add3A_636 : i32 to index
        %get3A_638 = arith.constant 48 : index
        %get3A_639 = tpu.vector_load %arg10[%get3A_637, %get3A_638] {strides = array<i32>} : memref<40x128xf32, #tpu.memory_space<vmem>>, vector<1x16xf32>,
        %get3A_640 = vector.shape_cast %get3A_639 : vector<1x16xf32> to vector<16xf32>
        %mul3A_641 = arith.constant 2 : i32
        %mul3A_642 = arith.muli %mul3A_641, %scan3A_502 : i32
        %add3A_643 = arith.constant 0 : i32
        %add3A_644 = arith.addi %mul3A_642, %add3A_643 : i32
        %get3A_645 = arith.index_cast %add3A_644 : i32 to index
        %get3A_646 = arith.constant 48 : index
        %get3A_647 = tpu.vector_load %arg8[%get3A_645, %get3A_646] {strides = array<i32>} : memref<40x128xf32, #tpu.memory_space<vmem>>, vector<1x16xf32>,
        %get3A_648 = vector.shape_cast %get3A_647 : vector<1x16xf32> to vector<16xf32>
        %mul3A_649 = arith.mulf %get3A_648, %get3A_640 : vector<16xf32>
        %mul3A_650 = arith.constant 2 : i32
        %mul3A_651 = arith.muli %mul3A_650, %scan3A_502 : i32
        %add3A_652 = arith.constant 0 : i32
        %add3A_653 = arith.addi %mul3A_651, %add3A_652 : i32
        %swap3A_654 = arith.index_cast %add3A_653 : i32 to index
        %swap3A_655 = arith.constant 48 : index
        %swap3A_656 = tpu.vector_load %arg8[%swap3A_654, %swap3A_655] {strides = array<i32>} : memref<40x128xf32, #tpu.memory_space<vmem>>, vector<1x16xf32>,
        %swap3A_657 = vector.shape_cast %swap3A_656 : vector<1x16xf32> to vector<16xf32>
        %swap3A_658 = vector.shape_cast %mul3A_649 : vector<16xf32> to vector<1x16xf32>
        tpu.vector_store %arg8[%swap3A_654, %swap3A_655], %swap3A_658 {strides = array<i32>} : memref<40x128xf32, #tpu.memory_space<vmem>>, vector<1x16xf32>,
        %mul3A_659 = arith.constant 2 : i32
        %mul3A_660 = arith.muli %mul3A_659, %scan3A_502 : i32
        %add3A_661 = arith.constant 0 : i32
        %add3A_662 = arith.addi %mul3A_660, %add3A_661 : i32
        %get3A_663 = arith.index_cast %add3A_662 : i32 to index
        %get3A_664 = arith.constant 48 : index
        %get3A_665 = tpu.vector_load %arg9[%get3A_663, %get3A_664] {strides = array<i32>} : memref<40x128xf32, #tpu.memory_space<vmem>>, vector<1x16xf32>,
        %get3A_666 = vector.shape_cast %get3A_665 : vector<1x16xf32> to vector<16xf32>
        %mul3A_667 = arith.mulf %get3A_666, %get3A_640 : vector<16xf32>
        %mul3A_668 = arith.constant 2 : i32
        %mul3A_669 = arith.muli %mul3A_668, %scan3A_502 : i32
        %add3A_670 = arith.constant 0 : i32
        %add3A_671 = arith.addi %mul3A_669, %add3A_670 : i32
        %swap3A_672 = arith.index_cast %add3A_671 : i32 to index
        %swap3A_673 = arith.constant 48 : index
        %swap3A_674 = tpu.vector_load %arg9[%swap3A_672, %swap3A_673] {strides = array<i32>} : memref<40x128xf32, #tpu.memory_space<vmem>>, vector<1x16xf32>,
        %swap3A_675 = vector.shape_cast %swap3A_674 : vector<1x16xf32> to vector<16xf32>
        %swap3A_676 = vector.shape_cast %mul3A_667 : vector<16xf32> to vector<1x16xf32>
        tpu.vector_store %arg9[%swap3A_672, %swap3A_673], %swap3A_676 {strides = array<i32>} : memref<40x128xf32, #tpu.memory_space<vmem>>, vector<1x16xf32>,
        %mul3A_677 = arith.constant 2 : i32
        %mul3A_678 = arith.muli %mul3A_677, %scan3A_502 : i32
        %add3A_679 = arith.constant 0 : i32
        %add3A_680 = arith.addi %mul3A_678, %add3A_679 : i32
        %get3A_681 = arith.index_cast %add3A_680 : i32 to index
        %get3A_682 = arith.constant 64 : index
        %get3A_683 = tpu.vector_load %arg10[%get3A_681, %get3A_682] {strides = array<i32>} : memref<40x128xf32, #tpu.memory_space<vmem>>, vector<1x16xf32>,
        %get3A_684 = vector.shape_cast %get3A_683 : vector<1x16xf32> to vector<16xf32>
        %mul3A_685 = arith.constant 2 : i32
        %mul3A_686 = arith.muli %mul3A_685, %scan3A_502 : i32
        %add3A_687 = arith.constant 0 : i32
        %add3A_688 = arith.addi %mul3A_686, %add3A_687 : i32
        %get3A_689 = arith.index_cast %add3A_688 : i32 to index
        %get3A_690 = arith.constant 64 : index
        %get3A_691 = tpu.vector_load %arg8[%get3A_689, %get3A_690] {strides = array<i32>} : memref<40x128xf32, #tpu.memory_space<vmem>>, vector<1x16xf32>,
        %get3A_692 = vector.shape_cast %get3A_691 : vector<1x16xf32> to vector<16xf32>
        %mul3A_693 = arith.mulf %get3A_692, %get3A_684 : vector<16xf32>
        %mul3A_694 = arith.constant 2 : i32
        %mul3A_695 = arith.muli %mul3A_694, %scan3A_502 : i32
        %add3A_696 = arith.constant 0 : i32
        %add3A_697 = arith.addi %mul3A_695, %add3A_696 : i32
        %swap3A_698 = arith.index_cast %add3A_697 : i32 to index
        %swap3A_699 = arith.constant 64 : index
        %swap3A_700 = tpu.vector_load %arg8[%swap3A_698, %swap3A_699] {strides = array<i32>} : memref<40x128xf32, #tpu.memory_space<vmem>>, vector<1x16xf32>,
        %swap3A_701 = vector.shape_cast %swap3A_700 : vector<1x16xf32> to vector<16xf32>
        %swap3A_702 = vector.shape_cast %mul3A_693 : vector<16xf32> to vector<1x16xf32>
        tpu.vector_store %arg8[%swap3A_698, %swap3A_699], %swap3A_702 {strides = array<i32>} : memref<40x128xf32, #tpu.memory_space<vmem>>, vector<1x16xf32>,
        %mul3A_703 = arith.constant 2 : i32
        %mul3A_704 = arith.muli %mul3A_703, %scan3A_502 : i32
        %add3A_705 = arith.constant 0 : i32
        %add3A_706 = arith.addi %mul3A_704, %add3A_705 : i32
        %get3A_707 = arith.index_cast %add3A_706 : i32 to index
        %get3A_708 = arith.constant 64 : index
        %get3A_709 = tpu.vector_load %arg9[%get3A_707, %get3A_708] {strides = array<i32>} : memref<40x128xf32, #tpu.memory_space<vmem>>, vector<1x16xf32>,
        %get3A_710 = vector.shape_cast %get3A_709 : vector<1x16xf32> to vector<16xf32>
        %mul3A_711 = arith.mulf %get3A_710, %get3A_684 : vector<16xf32>
        %mul3A_712 = arith.constant 2 : i32
        %mul3A_713 = arith.muli %mul3A_712, %scan3A_502 : i32
        %add3A_714 = arith.constant 0 : i32
        %add3A_715 = arith.addi %mul3A_713, %add3A_714 : i32
        %swap3A_716 = arith.index_cast %add3A_715 : i32 to index
        %swap3A_717 = arith.constant 64 : index
        %swap3A_718 = tpu.vector_load %arg9[%swap3A_716, %swap3A_717] {strides = array<i32>} : memref<40x128xf32, #tpu.memory_space<vmem>>, vector<1x16xf32>,
        %swap3A_719 = vector.shape_cast %swap3A_718 : vector<1x16xf32> to vector<16xf32>
        %swap3A_720 = vector.shape_cast %mul3A_711 : vector<16xf32> to vector<1x16xf32>
        tpu.vector_store %arg9[%swap3A_716, %swap3A_717], %swap3A_720 {strides = array<i32>} : memref<40x128xf32, #tpu.memory_space<vmem>>, vector<1x16xf32>,
        %mul3A_721 = arith.constant 2 : i32
        %mul3A_722 = arith.muli %mul3A_721, %scan3A_502 : i32
        %add3A_723 = arith.constant 0 : i32
        %add3A_724 = arith.addi %mul3A_722, %add3A_723 : i32
        %get3A_725 = arith.index_cast %add3A_724 : i32 to index
        %get3A_726 = arith.constant 80 : index
        %get3A_727 = tpu.vector_load %arg10[%get3A_725, %get3A_726] {strides = array<i32>} : memref<40x128xf32, #tpu.memory_space<vmem>>, vector<1x16xf32>,
        %get3A_728 = vector.shape_cast %get3A_727 : vector<1x16xf32> to vector<16xf32>
        %mul3A_729 = arith.constant 2 : i32
        %mul3A_730 = arith.muli %mul3A_729, %scan3A_502 : i32
        %add3A_731 = arith.constant 0 : i32
        %add3A_732 = arith.addi %mul3A_730, %add3A_731 : i32
        %get3A_733 = arith.index_cast %add3A_732 : i32 to index
        %get3A_734 = arith.constant 80 : index
        %get3A_735 = tpu.vector_load %arg8[%get3A_733, %get3A_734] {strides = array<i32>} : memref<40x128xf32, #tpu.memory_space<vmem>>, vector<1x16xf32>,
        %get3A_736 = vector.shape_cast %get3A_735 : vector<1x16xf32> to vector<16xf32>
        %mul3A_737 = arith.mulf %get3A_736, %get3A_728 : vector<16xf32>
        %mul3A_738 = arith.constant 2 : i32
        %mul3A_739 = arith.muli %mul3A_738, %scan3A_502 : i32
        %add3A_740 = arith.constant 0 : i32
        %add3A_741 = arith.addi %mul3A_739, %add3A_740 : i32
        %swap3A_742 = arith.index_cast %add3A_741 : i32 to index
        %swap3A_743 = arith.constant 80 : index
        %swap3A_744 = tpu.vector_load %arg8[%swap3A_742, %swap3A_743] {strides = array<i32>} : memref<40x128xf32, #tpu.memory_space<vmem>>, vector<1x16xf32>,
        %swap3A_745 = vector.shape_cast %swap3A_744 : vector<1x16xf32> to vector<16xf32>
        %swap3A_746 = vector.shape_cast %mul3A_737 : vector<16xf32> to vector<1x16xf32>
        tpu.vector_store %arg8[%swap3A_742, %swap3A_743], %swap3A_746 {strides = array<i32>} : memref<40x128xf32, #tpu.memory_space<vmem>>, vector<1x16xf32>,
        %mul3A_747 = arith.constant 2 : i32
        %mul3A_748 = arith.muli %mul3A_747, %scan3A_502 : i32
        %add3A_749 = arith.constant 0 : i32
        %add3A_750 = arith.addi %mul3A_748, %add3A_749 : i32
        %get3A_751 = arith.index_cast %add3A_750 : i32 to index
        %get3A_752 = arith.constant 80 : index
        %get3A_753 = tpu.vector_load %arg9[%get3A_751, %get3A_752] {strides = array<i32>} : memref<40x128xf32, #tpu.memory_space<vmem>>, vector<1x16xf32>,
        %get3A_754 = vector.shape_cast %get3A_753 : vector<1x16xf32> to vector<16xf32>
        %mul3A_755 = arith.mulf %get3A_754, %get3A_728 : vector<16xf32>
        %mul3A_756 = arith.constant 2 : i32
        %mul3A_757 = arith.muli %mul3A_756, %scan3A_502 : i32
        %add3A_758 = arith.constant 0 : i32
        %add3A_759 = arith.addi %mul3A_757, %add3A_758 : i32
        %swap3A_760 = arith.index_cast %add3A_759 : i32 to index
        %swap3A_761 = arith.constant 80 : index
        %swap3A_762 = tpu.vector_load %arg9[%swap3A_760, %swap3A_761] {strides = array<i32>} : memref<40x128xf32, #tpu.memory_space<vmem>>, vector<1x16xf32>,
        %swap3A_763 = vector.shape_cast %swap3A_762 : vector<1x16xf32> to vector<16xf32>
        %swap3A_764 = vector.shape_cast %mul3A_755 : vector<16xf32> to vector<1x16xf32>
        tpu.vector_store %arg9[%swap3A_760, %swap3A_761], %swap3A_764 {strides = array<i32>} : memref<40x128xf32, #tpu.memory_space<vmem>>, vector<1x16xf32>,
        %mul3A_765 = arith.constant 2 : i32
        %mul3A_766 = arith.muli %mul3A_765, %scan3A_502 : i32
        %add3A_767 = arith.constant 0 : i32
        %add3A_768 = arith.addi %mul3A_766, %add3A_767 : i32
        %get3A_769 = arith.index_cast %add3A_768 : i32 to index
        %get3A_770 = arith.constant 96 : index
        %get3A_771 = tpu.vector_load %arg10[%get3A_769, %get3A_770] {strides = array<i32>} : memref<40x128xf32, #tpu.memory_space<vmem>>, vector<1x16xf32>,
        %get3A_772 = vector.shape_cast %get3A_771 : vector<1x16xf32> to vector<16xf32>
        %mul3A_773 = arith.constant 2 : i32
        %mul3A_774 = arith.muli %mul3A_773, %scan3A_502 : i32
        %add3A_775 = arith.constant 0 : i32
        %add3A_776 = arith.addi %mul3A_774, %add3A_775 : i32
        %get3A_777 = arith.index_cast %add3A_776 : i32 to index
        %get3A_778 = arith.constant 96 : index
        %get3A_779 = tpu.vector_load %arg8[%get3A_777, %get3A_778] {strides = array<i32>} : memref<40x128xf32, #tpu.memory_space<vmem>>, vector<1x16xf32>,
        %get3A_780 = vector.shape_cast %get3A_779 : vector<1x16xf32> to vector<16xf32>
        %mul3A_781 = arith.mulf %get3A_780, %get3A_772 : vector<16xf32>
        %mul3A_782 = arith.constant 2 : i32
        %mul3A_783 = arith.muli %mul3A_782, %scan3A_502 : i32
        %add3A_784 = arith.constant 0 : i32
        %add3A_785 = arith.addi %mul3A_783, %add3A_784 : i32
        %swap3A_786 = arith.index_cast %add3A_785 : i32 to index
        %swap3A_787 = arith.constant 96 : index
        %swap3A_788 = tpu.vector_load %arg8[%swap3A_786, %swap3A_787] {strides = array<i32>} : memref<40x128xf32, #tpu.memory_space<vmem>>, vector<1x16xf32>,
        %swap3A_789 = vector.shape_cast %swap3A_788 : vector<1x16xf32> to vector<16xf32>
        %swap3A_790 = vector.shape_cast %mul3A_781 : vector<16xf32> to vector<1x16xf32>
        tpu.vector_store %arg8[%swap3A_786, %swap3A_787], %swap3A_790 {strides = array<i32>} : memref<40x128xf32, #tpu.memory_space<vmem>>, vector<1x16xf32>,
        %mul3A_791 = arith.constant 2 : i32
        %mul3A_792 = arith.muli %mul3A_791, %scan3A_502 : i32
        %add3A_793 = arith.constant 0 : i32
        %add3A_794 = arith.addi %mul3A_792, %add3A_793 : i32
        %get3A_795 = arith.index_cast %add3A_794 : i32 to index
        %get3A_796 = arith.constant 96 : index
        %get3A_797 = tpu.vector_load %arg9[%get3A_795, %get3A_796] {strides = array<i32>} : memref<40x128xf32, #tpu.memory_space<vmem>>, vector<1x16xf32>,
        %get3A_798 = vector.shape_cast %get3A_797 : vector<1x16xf32> to vector<16xf32>
        %mul3A_799 = arith.mulf %get3A_798, %get3A_772 : vector<16xf32>
        %mul3A_800 = arith.constant 2 : i32
        %mul3A_801 = arith.muli %mul3A_800, %scan3A_502 : i32
        %add3A_802 = arith.constant 0 : i32
        %add3A_803 = arith.addi %mul3A_801, %add3A_802 : i32
        %swap3A_804 = arith.index_cast %add3A_803 : i32 to index
        %swap3A_805 = arith.constant 96 : index
        %swap3A_806 = tpu.vector_load %arg9[%swap3A_804, %swap3A_805] {strides = array<i32>} : memref<40x128xf32, #tpu.memory_space<vmem>>, vector<1x16xf32>,
        %swap3A_807 = vector.shape_cast %swap3A_806 : vector<1x16xf32> to vector<16xf32>
        %swap3A_808 = vector.shape_cast %mul3A_799 : vector<16xf32> to vector<1x16xf32>
        tpu.vector_store %arg9[%swap3A_804, %swap3A_805], %swap3A_808 {strides = array<i32>} : memref<40x128xf32, #tpu.memory_space<vmem>>, vector<1x16xf32>,
        %mul3A_809 = arith.constant 2 : i32
        %mul3A_810 = arith.muli %mul3A_809, %scan3A_502 : i32
        %add3A_811 = arith.constant 0 : i32
        %add3A_812 = arith.addi %mul3A_810, %add3A_811 : i32
        %get3A_813 = arith.index_cast %add3A_812 : i32 to index
        %get3A_814 = arith.constant 112 : index
        %get3A_815 = tpu.vector_load %arg10[%get3A_813, %get3A_814] {strides = array<i32>} : memref<40x128xf32, #tpu.memory_space<vmem>>, vector<1x16xf32>,
        %get3A_816 = vector.shape_cast %get3A_815 : vector<1x16xf32> to vector<16xf32>
        %mul3A_817 = arith.constant 2 : i32
        %mul3A_818 = arith.muli %mul3A_817, %scan3A_502 : i32
        %add3A_819 = arith.constant 0 : i32
        %add3A_820 = arith.addi %mul3A_818, %add3A_819 : i32
        %get3A_821 = arith.index_cast %add3A_820 : i32 to index
        %get3A_822 = arith.constant 112 : index
        %get3A_823 = tpu.vector_load %arg8[%get3A_821, %get3A_822] {strides = array<i32>} : memref<40x128xf32, #tpu.memory_space<vmem>>, vector<1x16xf32>,
        %get3A_824 = vector.shape_cast %get3A_823 : vector<1x16xf32> to vector<16xf32>
        %mul3A_825 = arith.mulf %get3A_824, %get3A_816 : vector<16xf32>
        %mul3A_826 = arith.constant 2 : i32
        %mul3A_827 = arith.muli %mul3A_826, %scan3A_502 : i32
        %add3A_828 = arith.constant 0 : i32
        %add3A_829 = arith.addi %mul3A_827, %add3A_828 : i32
        %swap3A_830 = arith.index_cast %add3A_829 : i32 to index
        %swap3A_831 = arith.constant 112 : index
        %swap3A_832 = tpu.vector_load %arg8[%swap3A_830, %swap3A_831] {strides = array<i32>} : memref<40x128xf32, #tpu.memory_space<vmem>>, vector<1x16xf32>,
        %swap3A_833 = vector.shape_cast %swap3A_832 : vector<1x16xf32> to vector<16xf32>
        %swap3A_834 = vector.shape_cast %mul3A_825 : vector<16xf32> to vector<1x16xf32>
        tpu.vector_store %arg8[%swap3A_830, %swap3A_831], %swap3A_834 {strides = array<i32>} : memref<40x128xf32, #tpu.memory_space<vmem>>, vector<1x16xf32>,
        %mul3A_835 = arith.constant 2 : i32
        %mul3A_836 = arith.muli %mul3A_835, %scan3A_502 : i32
        %add3A_837 = arith.constant 0 : i32
        %add3A_838 = arith.addi %mul3A_836, %add3A_837 : i32
        %get3A_839 = arith.index_cast %add3A_838 : i32 to index
        %get3A_840 = arith.constant 112 : index
        %get3A_841 = tpu.vector_load %arg9[%get3A_839, %get3A_840] {strides = array<i32>} : memref<40x128xf32, #tpu.memory_space<vmem>>, vector<1x16xf32>,
        %get3A_842 = vector.shape_cast %get3A_841 : vector<1x16xf32> to vector<16xf32>
        %mul3A_843 = arith.mulf %get3A_842, %get3A_816 : vector<16xf32>
        %mul3A_844 = arith.constant 2 : i32
        %mul3A_845 = arith.muli %mul3A_844, %scan3A_502 : i32
        %add3A_846 = arith.constant 0 : i32
        %add3A_847 = arith.addi %mul3A_845, %add3A_846 : i32
        %swap3A_848 = arith.index_cast %add3A_847 : i32 to index
        %swap3A_849 = arith.constant 112 : index
        %swap3A_850 = tpu.vector_load %arg9[%swap3A_848, %swap3A_849] {strides = array<i32>} : memref<40x128xf32, #tpu.memory_space<vmem>>, vector<1x16xf32>,
        %swap3A_851 = vector.shape_cast %swap3A_850 : vector<1x16xf32> to vector<16xf32>
        %swap3A_852 = vector.shape_cast %mul3A_843 : vector<16xf32> to vector<1x16xf32>
        tpu.vector_store %arg9[%swap3A_848, %swap3A_849], %swap3A_852 {strides = array<i32>} : memref<40x128xf32, #tpu.memory_space<vmem>>, vector<1x16xf32>,
        %mul3A_853 = arith.constant 2 : i32
        %mul3A_854 = arith.muli %mul3A_853, %scan3A_502 : i32
        %add3A_855 = arith.constant 1 : i32
        %add3A_856 = arith.addi %mul3A_854, %add3A_855 : i32
        %get3A_857 = arith.index_cast %add3A_856 : i32 to index
        %get3A_858 = arith.constant 0 : index
        %get3A_859 = tpu.vector_load %arg10[%get3A_857, %get3A_858] {strides = array<i32>} : memref<40x128xf32, #tpu.memory_space<vmem>>, vector<1x16xf32>,
        %get3A_860 = vector.shape_cast %get3A_859 : vector<1x16xf32> to vector<16xf32>
        %mul3A_861 = arith.constant 2 : i32
        %mul3A_862 = arith.muli %mul3A_861, %scan3A_502 : i32
        %add3A_863 = arith.constant 1 : i32
        %add3A_864 = arith.addi %mul3A_862, %add3A_863 : i32
        %get3A_865 = arith.index_cast %add3A_864 : i32 to index
        %get3A_866 = arith.constant 0 : index
        %get3A_867 = tpu.vector_load %arg8[%get3A_865, %get3A_866] {strides = array<i32>} : memref<40x128xf32, #tpu.memory_space<vmem>>, vector<1x16xf32>,
        %get3A_868 = vector.shape_cast %get3A_867 : vector<1x16xf32> to vector<16xf32>
        %mul3A_869 = arith.mulf %get3A_868, %get3A_860 : vector<16xf32>
        %mul3A_870 = arith.constant 2 : i32
        %mul3A_871 = arith.muli %mul3A_870, %scan3A_502 : i32
        %add3A_872 = arith.constant 1 : i32
        %add3A_873 = arith.addi %mul3A_871, %add3A_872 : i32
        %swap3A_874 = arith.index_cast %add3A_873 : i32 to index
        %swap3A_875 = arith.constant 0 : index
        %swap3A_876 = tpu.vector_load %arg8[%swap3A_874, %swap3A_875] {strides = array<i32>} : memref<40x128xf32, #tpu.memory_space<vmem>>, vector<1x16xf32>,
        %swap3A_877 = vector.shape_cast %swap3A_876 : vector<1x16xf32> to vector<16xf32>
        %swap3A_878 = vector.shape_cast %mul3A_869 : vector<16xf32> to vector<1x16xf32>
        tpu.vector_store %arg8[%swap3A_874, %swap3A_875], %swap3A_878 {strides = array<i32>} : memref<40x128xf32, #tpu.memory_space<vmem>>, vector<1x16xf32>,
        %mul3A_879 = arith.constant 2 : i32
        %mul3A_880 = arith.muli %mul3A_879, %scan3A_502 : i32
        %add3A_881 = arith.constant 1 : i32
        %add3A_882 = arith.addi %mul3A_880, %add3A_881 : i32
        %get3A_883 = arith.index_cast %add3A_882 : i32 to index
        %get3A_884 = arith.constant 0 : index
        %get3A_885 = tpu.vector_load %arg9[%get3A_883, %get3A_884] {strides = array<i32>} : memref<40x128xf32, #tpu.memory_space<vmem>>, vector<1x16xf32>,
        %get3A_886 = vector.shape_cast %get3A_885 : vector<1x16xf32> to vector<16xf32>
        %mul3A_887 = arith.mulf %get3A_886, %get3A_860 : vector<16xf32>
        %mul3A_888 = arith.constant 2 : i32
        %mul3A_889 = arith.muli %mul3A_888, %scan3A_502 : i32
        %add3A_890 = arith.constant 1 : i32
        %add3A_891 = arith.addi %mul3A_889, %add3A_890 : i32
        %swap3A_892 = arith.index_cast %add3A_891 : i32 to index
        %swap3A_893 = arith.constant 0 : index
        %swap3A_894 = tpu.vector_load %arg9[%swap3A_892, %swap3A_893] {strides = array<i32>} : memref<40x128xf32, #tpu.memory_space<vmem>>, vector<1x16xf32>,
        %swap3A_895 = vector.shape_cast %swap3A_894 : vector<1x16xf32> to vector<16xf32>
        %swap3A_896 = vector.shape_cast %mul3A_887 : vector<16xf32> to vector<1x16xf32>
        tpu.vector_store %arg9[%swap3A_892, %swap3A_893], %swap3A_896 {strides = array<i32>} : memref<40x128xf32, #tpu.memory_space<vmem>>, vector<1x16xf32>,
        %mul3A_897 = arith.constant 2 : i32
        %mul3A_898 = arith.muli %mul3A_897, %scan3A_502 : i32
        %add3A_899 = arith.constant 1 : i32
        %add3A_900 = arith.addi %mul3A_898, %add3A_899 : i32
        %get3A_901 = arith.index_cast %add3A_900 : i32 to index
        %get3A_902 = arith.constant 16 : index
        %get3A_903 = tpu.vector_load %arg10[%get3A_901, %get3A_902] {strides = array<i32>} : memref<40x128xf32, #tpu.memory_space<vmem>>, vector<1x16xf32>,
        %get3A_904 = vector.shape_cast %get3A_903 : vector<1x16xf32> to vector<16xf32>
        %mul3A_905 = arith.constant 2 : i32
        %mul3A_906 = arith.muli %mul3A_905, %scan3A_502 : i32
        %add3A_907 = arith.constant 1 : i32
        %add3A_908 = arith.addi %mul3A_906, %add3A_907 : i32
        %get3A_909 = arith.index_cast %add3A_908 : i32 to index
        %get3A_910 = arith.constant 16 : index
        %get3A_911 = tpu.vector_load %arg8[%get3A_909, %get3A_910] {strides = array<i32>} : memref<40x128xf32, #tpu.memory_space<vmem>>, vector<1x16xf32>,
        %get3A_912 = vector.shape_cast %get3A_911 : vector<1x16xf32> to vector<16xf32>
        %mul3A_913 = arith.mulf %get3A_912, %get3A_904 : vector<16xf32>
        %mul3A_914 = arith.constant 2 : i32
        %mul3A_915 = arith.muli %mul3A_914, %scan3A_502 : i32
        %add3A_916 = arith.constant 1 : i32
        %add3A_917 = arith.addi %mul3A_915, %add3A_916 : i32
        %swap3A_918 = arith.index_cast %add3A_917 : i32 to index
        %swap3A_919 = arith.constant 16 : index
        %swap3A_920 = tpu.vector_load %arg8[%swap3A_918, %swap3A_919] {strides = array<i32>} : memref<40x128xf32, #tpu.memory_space<vmem>>, vector<1x16xf32>,
        %swap3A_921 = vector.shape_cast %swap3A_920 : vector<1x16xf32> to vector<16xf32>
        %swap3A_922 = vector.shape_cast %mul3A_913 : vector<16xf32> to vector<1x16xf32>
        tpu.vector_store %arg8[%swap3A_918, %swap3A_919], %swap3A_922 {strides = array<i32>} : memref<40x128xf32, #tpu.memory_space<vmem>>, vector<1x16xf32>,
        %mul3A_923 = arith.constant 2 : i32
        %mul3A_924 = arith.muli %mul3A_923, %scan3A_502 : i32
        %add3A_925 = arith.constant 1 : i32
        %add3A_926 = arith.addi %mul3A_924, %add3A_925 : i32
        %get3A_927 = arith.index_cast %add3A_926 : i32 to index
        %get3A_928 = arith.constant 16 : index
        %get3A_929 = tpu.vector_load %arg9[%get3A_927, %get3A_928] {strides = array<i32>} : memref<40x128xf32, #tpu.memory_space<vmem>>, vector<1x16xf32>,
        %get3A_930 = vector.shape_cast %get3A_929 : vector<1x16xf32> to vector<16xf32>
        %mul3A_931 = arith.mulf %get3A_930, %get3A_904 : vector<16xf32>
        %mul3A_932 = arith.constant 2 : i32
        %mul3A_933 = arith.muli %mul3A_932, %scan3A_502 : i32
        %add3A_934 = arith.constant 1 : i32
        %add3A_935 = arith.addi %mul3A_933, %add3A_934 : i32
        %swap3A_936 = arith.index_cast %add3A_935 : i32 to index
        %swap3A_937 = arith.constant 16 : index
        %swap3A_938 = tpu.vector_load %arg9[%swap3A_936, %swap3A_937] {strides = array<i32>} : memref<40x128xf32, #tpu.memory_space<vmem>>, vector<1x16xf32>,
        %swap3A_939 = vector.shape_cast %swap3A_938 : vector<1x16xf32> to vector<16xf32>
        %swap3A_940 = vector.shape_cast %mul3A_931 : vector<16xf32> to vector<1x16xf32>
        tpu.vector_store %arg9[%swap3A_936, %swap3A_937], %swap3A_940 {strides = array<i32>} : memref<40x128xf32, #tpu.memory_space<vmem>>, vector<1x16xf32>,
        %mul3A_941 = arith.constant 2 : i32
        %mul3A_942 = arith.muli %mul3A_941, %scan3A_502 : i32
        %add3A_943 = arith.constant 1 : i32
        %add3A_944 = arith.addi %mul3A_942, %add3A_943 : i32
        %get3A_945 = arith.index_cast %add3A_944 : i32 to index
        %get3A_946 = arith.constant 32 : index
        %get3A_947 = tpu.vector_load %arg10[%get3A_945, %get3A_946] {strides = array<i32>} : memref<40x128xf32, #tpu.memory_space<vmem>>, vector<1x16xf32>,
        %get3A_948 = vector.shape_cast %get3A_947 : vector<1x16xf32> to vector<16xf32>
        %mul3A_949 = arith.constant 2 : i32
        %mul3A_950 = arith.muli %mul3A_949, %scan3A_502 : i32
        %add3A_951 = arith.constant 1 : i32
        %add3A_952 = arith.addi %mul3A_950, %add3A_951 : i32
        %get3A_953 = arith.index_cast %add3A_952 : i32 to index
        %get3A_954 = arith.constant 32 : index
        %get3A_955 = tpu.vector_load %arg8[%get3A_953, %get3A_954] {strides = array<i32>} : memref<40x128xf32, #tpu.memory_space<vmem>>, vector<1x16xf32>,
        %get3A_956 = vector.shape_cast %get3A_955 : vector<1x16xf32> to vector<16xf32>
        %mul3A_957 = arith.mulf %get3A_956, %get3A_948 : vector<16xf32>
        %mul3A_958 = arith.constant 2 : i32
        %mul3A_959 = arith.muli %mul3A_958, %scan3A_502 : i32
        %add3A_960 = arith.constant 1 : i32
        %add3A_961 = arith.addi %mul3A_959, %add3A_960 : i32
        %swap3A_962 = arith.index_cast %add3A_961 : i32 to index
        %swap3A_963 = arith.constant 32 : index
        %swap3A_964 = tpu.vector_load %arg8[%swap3A_962, %swap3A_963] {strides = array<i32>} : memref<40x128xf32, #tpu.memory_space<vmem>>, vector<1x16xf32>,
        %swap3A_965 = vector.shape_cast %swap3A_964 : vector<1x16xf32> to vector<16xf32>
        %swap3A_966 = vector.shape_cast %mul3A_957 : vector<16xf32> to vector<1x16xf32>
        tpu.vector_store %arg8[%swap3A_962, %swap3A_963], %swap3A_966 {strides = array<i32>} : memref<40x128xf32, #tpu.memory_space<vmem>>, vector<1x16xf32>,
        %mul3A_967 = arith.constant 2 : i32
        %mul3A_968 = arith.muli %mul3A_967, %scan3A_502 : i32
        %add3A_969 = arith.constant 1 : i32
        %add3A_970 = arith.addi %mul3A_968, %add3A_969 : i32
        %get3A_971 = arith.index_cast %add3A_970 : i32 to index
        %get3A_972 = arith.constant 32 : index
        %get3A_973 = tpu.vector_load %arg9[%get3A_971, %get3A_972] {strides = array<i32>} : memref<40x128xf32, #tpu.memory_space<vmem>>, vector<1x16xf32>,
        %get3A_974 = vector.shape_cast %get3A_973 : vector<1x16xf32> to vector<16xf32>
        %mul3A_975 = arith.mulf %get3A_974, %get3A_948 : vector<16xf32>
        %mul3A_976 = arith.constant 2 : i32
        %mul3A_977 = arith.muli %mul3A_976, %scan3A_502 : i32
        %add3A_978 = arith.constant 1 : i32
        %add3A_979 = arith.addi %mul3A_977, %add3A_978 : i32
        %swap3A_980 = arith.index_cast %add3A_979 : i32 to index
        %swap3A_981 = arith.constant 32 : index
        %swap3A_982 = tpu.vector_load %arg9[%swap3A_980, %swap3A_981] {strides = array<i32>} : memref<40x128xf32, #tpu.memory_space<vmem>>, vector<1x16xf32>,
        %swap3A_983 = vector.shape_cast %swap3A_982 : vector<1x16xf32> to vector<16xf32>
        %swap3A_984 = vector.shape_cast %mul3A_975 : vector<16xf32> to vector<1x16xf32>
        tpu.vector_store %arg9[%swap3A_980, %swap3A_981], %swap3A_984 {strides = array<i32>} : memref<40x128xf32, #tpu.memory_space<vmem>>, vector<1x16xf32>,
        %mul3A_985 = arith.constant 2 : i32
        %mul3A_986 = arith.muli %mul3A_985, %scan3A_502 : i32
        %add3A_987 = arith.constant 1 : i32
        %add3A_988 = arith.addi %mul3A_986, %add3A_987 : i32
        %get3A_989 = arith.index_cast %add3A_988 : i32 to index
        %get3A_990 = arith.constant 48 : index
        %get3A_991 = tpu.vector_load %arg10[%get3A_989, %get3A_990] {strides = array<i32>} : memref<40x128xf32, #tpu.memory_space<vmem>>, vector<1x16xf32>,
        %get3A_992 = vector.shape_cast %get3A_991 : vector<1x16xf32> to vector<16xf32>
        %mul3A_993 = arith.constant 2 : i32
        %mul3A_994 = arith.muli %mul3A_993, %scan3A_502 : i32
        %add3A_995 = arith.constant 1 : i32
        %add3A_996 = arith.addi %mul3A_994, %add3A_995 : i32
        %get3A_997 = arith.index_cast %add3A_996 : i32 to index
        %get3A_998 = arith.constant 48 : index
        %get3A_999 = tpu.vector_load %arg8[%get3A_997, %get3A_998] {strides = array<i32>} : memref<40x128xf32, #tpu.memory_space<vmem>>, vector<1x16xf32>,
        %get3A_1000 = vector.shape_cast %get3A_999 : vector<1x16xf32> to vector<16xf32>
        %mul3A_1001 = arith.mulf %get3A_1000, %get3A_992 : vector<16xf32>
        %mul3A_1002 = arith.constant 2 : i32
        %mul3A_1003 = arith.muli %mul3A_1002, %scan3A_502 : i32
        %add3A_1004 = arith.constant 1 : i32
        %add3A_1005 = arith.addi %mul3A_1003, %add3A_1004 : i32
        %swap3A_1006 = arith.index_cast %add3A_1005 : i32 to index
        %swap3A_1007 = arith.constant 48 : index
        %swap3A_1008 = tpu.vector_load %arg8[%swap3A_1006, %swap3A_1007] {strides = array<i32>} : memref<40x128xf32, #tpu.memory_space<vmem>>, vector<1x16xf32>,
        %swap3A_1009 = vector.shape_cast %swap3A_1008 : vector<1x16xf32> to vector<16xf32>
        %swap3A_1010 = vector.shape_cast %mul3A_1001 : vector<16xf32> to vector<1x16xf32>
        tpu.vector_store %arg8[%swap3A_1006, %swap3A_1007], %swap3A_1010 {strides = array<i32>} : memref<40x128xf32, #tpu.memory_space<vmem>>, vector<1x16xf32>,
        %mul3A_1011 = arith.constant 2 : i32
        %mul3A_1012 = arith.muli %mul3A_1011, %scan3A_502 : i32
        %add3A_1013 = arith.constant 1 : i32
        %add3A_1014 = arith.addi %mul3A_1012, %add3A_1013 : i32
        %get3A_1015 = arith.index_cast %add3A_1014 : i32 to index
        %get3A_1016 = arith.constant 48 : index
        %get3A_1017 = tpu.vector_load %arg9[%get3A_1015, %get3A_1016] {strides = array<i32>} : memref<40x128xf32, #tpu.memory_space<vmem>>, vector<1x16xf32>,
        %get3A_1018 = vector.shape_cast %get3A_1017 : vector<1x16xf32> to vector<16xf32>
        %mul3A_1019 = arith.mulf %get3A_1018, %get3A_992 : vector<16xf32>
        %mul3A_1020 = arith.constant 2 : i32
        %mul3A_1021 = arith.muli %mul3A_1020, %scan3A_502 : i32
        %add3A_1022 = arith.constant 1 : i32
        %add3A_1023 = arith.addi %mul3A_1021, %add3A_1022 : i32
        %swap3A_1024 = arith.index_cast %add3A_1023 : i32 to index
        %swap3A_1025 = arith.constant 48 : index
        %swap3A_1026 = tpu.vector_load %arg9[%swap3A_1024, %swap3A_1025] {strides = array<i32>} : memref<40x128xf32, #tpu.memory_space<vmem>>, vector<1x16xf32>,
        %swap3A_1027 = vector.shape_cast %swap3A_1026 : vector<1x16xf32> to vector<16xf32>
        %swap3A_1028 = vector.shape_cast %mul3A_1019 : vector<16xf32> to vector<1x16xf32>
        tpu.vector_store %arg9[%swap3A_1024, %swap3A_1025], %swap3A_1028 {strides = array<i32>} : memref<40x128xf32, #tpu.memory_space<vmem>>, vector<1x16xf32>,
        %mul3A_1029 = arith.constant 2 : i32
        %mul3A_1030 = arith.muli %mul3A_1029, %scan3A_502 : i32
        %add3A_1031 = arith.constant 1 : i32
        %add3A_1032 = arith.addi %mul3A_1030, %add3A_1031 : i32
        %get3A_1033 = arith.index_cast %add3A_1032 : i32 to index
        %get3A_1034 = arith.constant 64 : index
        %get3A_1035 = tpu.vector_load %arg10[%get3A_1033, %get3A_1034] {strides = array<i32>} : memref<40x128xf32, #tpu.memory_space<vmem>>, vector<1x16xf32>,
        %get3A_1036 = vector.shape_cast %get3A_1035 : vector<1x16xf32> to vector<16xf32>
        %mul3A_1037 = arith.constant 2 : i32
        %mul3A_1038 = arith.muli %mul3A_1037, %scan3A_502 : i32
        %add3A_1039 = arith.constant 1 : i32
        %add3A_1040 = arith.addi %mul3A_1038, %add3A_1039 : i32
        %get3A_1041 = arith.index_cast %add3A_1040 : i32 to index
        %get3A_1042 = arith.constant 64 : index
        %get3A_1043 = tpu.vector_load %arg8[%get3A_1041, %get3A_1042] {strides = array<i32>} : memref<40x128xf32, #tpu.memory_space<vmem>>, vector<1x16xf32>,
        %get3A_1044 = vector.shape_cast %get3A_1043 : vector<1x16xf32> to vector<16xf32>
        %mul3A_1045 = arith.mulf %get3A_1044, %get3A_1036 : vector<16xf32>
        %mul3A_1046 = arith.constant 2 : i32
        %mul3A_1047 = arith.muli %mul3A_1046, %scan3A_502 : i32
        %add3A_1048 = arith.constant 1 : i32
        %add3A_1049 = arith.addi %mul3A_1047, %add3A_1048 : i32
        %swap3A_1050 = arith.index_cast %add3A_1049 : i32 to index
        %swap3A_1051 = arith.constant 64 : index
        %swap3A_1052 = tpu.vector_load %arg8[%swap3A_1050, %swap3A_1051] {strides = array<i32>} : memref<40x128xf32, #tpu.memory_space<vmem>>, vector<1x16xf32>,
        %swap3A_1053 = vector.shape_cast %swap3A_1052 : vector<1x16xf32> to vector<16xf32>
        %swap3A_1054 = vector.shape_cast %mul3A_1045 : vector<16xf32> to vector<1x16xf32>
        tpu.vector_store %arg8[%swap3A_1050, %swap3A_1051], %swap3A_1054 {strides = array<i32>} : memref<40x128xf32, #tpu.memory_space<vmem>>, vector<1x16xf32>,
        %mul3A_1055 = arith.constant 2 : i32
        %mul3A_1056 = arith.muli %mul3A_1055, %scan3A_502 : i32
        %add3A_1057 = arith.constant 1 : i32
        %add3A_1058 = arith.addi %mul3A_1056, %add3A_1057 : i32
        %get3A_1059 = arith.index_cast %add3A_1058 : i32 to index
        %get3A_1060 = arith.constant 64 : index
        %get3A_1061 = tpu.vector_load %arg9[%get3A_1059, %get3A_1060] {strides = array<i32>} : memref<40x128xf32, #tpu.memory_space<vmem>>, vector<1x16xf32>,
        %get3A_1062 = vector.shape_cast %get3A_1061 : vector<1x16xf32> to vector<16xf32>
        %mul3A_1063 = arith.mulf %get3A_1062, %get3A_1036 : vector<16xf32>
        %mul3A_1064 = arith.constant 2 : i32
        %mul3A_1065 = arith.muli %mul3A_1064, %scan3A_502 : i32
        %add3A_1066 = arith.constant 1 : i32
        %add3A_1067 = arith.addi %mul3A_1065, %add3A_1066 : i32
        %swap3A_1068 = arith.index_cast %add3A_1067 : i32 to index
        %swap3A_1069 = arith.constant 64 : index
        %swap3A_1070 = tpu.vector_load %arg9[%swap3A_1068, %swap3A_1069] {strides = array<i32>} : memref<40x128xf32, #tpu.memory_space<vmem>>, vector<1x16xf32>,
        %swap3A_1071 = vector.shape_cast %swap3A_1070 : vector<1x16xf32> to vector<16xf32>
        %swap3A_1072 = vector.shape_cast %mul3A_1063 : vector<16xf32> to vector<1x16xf32>
        tpu.vector_store %arg9[%swap3A_1068, %swap3A_1069], %swap3A_1072 {strides = array<i32>} : memref<40x128xf32, #tpu.memory_space<vmem>>, vector<1x16xf32>,
        %mul3A_1073 = arith.constant 2 : i32
        %mul3A_1074 = arith.muli %mul3A_1073, %scan3A_502 : i32
        %add3A_1075 = arith.constant 1 : i32
        %add3A_1076 = arith.addi %mul3A_1074, %add3A_1075 : i32
        %get3A_1077 = arith.index_cast %add3A_1076 : i32 to index
        %get3A_1078 = arith.constant 80 : index
        %get3A_1079 = tpu.vector_load %arg10[%get3A_1077, %get3A_1078] {strides = array<i32>} : memref<40x128xf32, #tpu.memory_space<vmem>>, vector<1x16xf32>,
        %get3A_1080 = vector.shape_cast %get3A_1079 : vector<1x16xf32> to vector<16xf32>
        %mul3A_1081 = arith.constant 2 : i32
        %mul3A_1082 = arith.muli %mul3A_1081, %scan3A_502 : i32
        %add3A_1083 = arith.constant 1 : i32
        %add3A_1084 = arith.addi %mul3A_1082, %add3A_1083 : i32
        %get3A_1085 = arith.index_cast %add3A_1084 : i32 to index
        %get3A_1086 = arith.constant 80 : index
        %get3A_1087 = tpu.vector_load %arg8[%get3A_1085, %get3A_1086] {strides = array<i32>} : memref<40x128xf32, #tpu.memory_space<vmem>>, vector<1x16xf32>,
        %get3A_1088 = vector.shape_cast %get3A_1087 : vector<1x16xf32> to vector<16xf32>
        %mul3A_1089 = arith.mulf %get3A_1088, %get3A_1080 : vector<16xf32>
        %mul3A_1090 = arith.constant 2 : i32
        %mul3A_1091 = arith.muli %mul3A_1090, %scan3A_502 : i32
        %add3A_1092 = arith.constant 1 : i32
        %add3A_1093 = arith.addi %mul3A_1091, %add3A_1092 : i32
        %swap3A_1094 = arith.index_cast %add3A_1093 : i32 to index
        %swap3A_1095 = arith.constant 80 : index
        %swap3A_1096 = tpu.vector_load %arg8[%swap3A_1094, %swap3A_1095] {strides = array<i32>} : memref<40x128xf32, #tpu.memory_space<vmem>>, vector<1x16xf32>,
        %swap3A_1097 = vector.shape_cast %swap3A_1096 : vector<1x16xf32> to vector<16xf32>
        %swap3A_1098 = vector.shape_cast %mul3A_1089 : vector<16xf32> to vector<1x16xf32>
        tpu.vector_store %arg8[%swap3A_1094, %swap3A_1095], %swap3A_1098 {strides = array<i32>} : memref<40x128xf32, #tpu.memory_space<vmem>>, vector<1x16xf32>,
        %mul3A_1099 = arith.constant 2 : i32
        %mul3A_1100 = arith.muli %mul3A_1099, %scan3A_502 : i32
        %add3A_1101 = arith.constant 1 : i32
        %add3A_1102 = arith.addi %mul3A_1100, %add3A_1101 : i32
        %get3A_1103 = arith.index_cast %add3A_1102 : i32 to index
        %get3A_1104 = arith.constant 80 : index
        %get3A_1105 = tpu.vector_load %arg9[%get3A_1103, %get3A_1104] {strides = array<i32>} : memref<40x128xf32, #tpu.memory_space<vmem>>, vector<1x16xf32>,
        %get3A_1106 = vector.shape_cast %get3A_1105 : vector<1x16xf32> to vector<16xf32>
        %mul3A_1107 = arith.mulf %get3A_1106, %get3A_1080 : vector<16xf32>
        %mul3A_1108 = arith.constant 2 : i32
        %mul3A_1109 = arith.muli %mul3A_1108, %scan3A_502 : i32
        %add3A_1110 = arith.constant 1 : i32
        %add3A_1111 = arith.addi %mul3A_1109, %add3A_1110 : i32
        %swap3A_1112 = arith.index_cast %add3A_1111 : i32 to index
        %swap3A_1113 = arith.constant 80 : index
        %swap3A_1114 = tpu.vector_load %arg9[%swap3A_1112, %swap3A_1113] {strides = array<i32>} : memref<40x128xf32, #tpu.memory_space<vmem>>, vector<1x16xf32>,
        %swap3A_1115 = vector.shape_cast %swap3A_1114 : vector<1x16xf32> to vector<16xf32>
        %swap3A_1116 = vector.shape_cast %mul3A_1107 : vector<16xf32> to vector<1x16xf32>
        tpu.vector_store %arg9[%swap3A_1112, %swap3A_1113], %swap3A_1116 {strides = array<i32>} : memref<40x128xf32, #tpu.memory_space<vmem>>, vector<1x16xf32>,
        %mul3A_1117 = arith.constant 2 : i32
        %mul3A_1118 = arith.muli %mul3A_1117, %scan3A_502 : i32
        %add3A_1119 = arith.constant 1 : i32
        %add3A_1120 = arith.addi %mul3A_1118, %add3A_1119 : i32
        %get3A_1121 = arith.index_cast %add3A_1120 : i32 to index
        %get3A_1122 = arith.constant 96 : index
        %get3A_1123 = tpu.vector_load %arg10[%get3A_1121, %get3A_1122] {strides = array<i32>} : memref<40x128xf32, #tpu.memory_space<vmem>>, vector<1x16xf32>,
        %get3A_1124 = vector.shape_cast %get3A_1123 : vector<1x16xf32> to vector<16xf32>
        %mul3A_1125 = arith.constant 2 : i32
        %mul3A_1126 = arith.muli %mul3A_1125, %scan3A_502 : i32
        %add3A_1127 = arith.constant 1 : i32
        %add3A_1128 = arith.addi %mul3A_1126, %add3A_1127 : i32
        %get3A_1129 = arith.index_cast %add3A_1128 : i32 to index
        %get3A_1130 = arith.constant 96 : index
        %get3A_1131 = tpu.vector_load %arg8[%get3A_1129, %get3A_1130] {strides = array<i32>} : memref<40x128xf32, #tpu.memory_space<vmem>>, vector<1x16xf32>,
        %get3A_1132 = vector.shape_cast %get3A_1131 : vector<1x16xf32> to vector<16xf32>
        %mul3A_1133 = arith.mulf %get3A_1132, %get3A_1124 : vector<16xf32>
        %mul3A_1134 = arith.constant 2 : i32
        %mul3A_1135 = arith.muli %mul3A_1134, %scan3A_502 : i32
        %add3A_1136 = arith.constant 1 : i32
        %add3A_1137 = arith.addi %mul3A_1135, %add3A_1136 : i32
        %swap3A_1138 = arith.index_cast %add3A_1137 : i32 to index
        %swap3A_1139 = arith.constant 96 : index
        %swap3A_1140 = tpu.vector_load %arg8[%swap3A_1138, %swap3A_1139] {strides = array<i32>} : memref<40x128xf32, #tpu.memory_space<vmem>>, vector<1x16xf32>,
        %swap3A_1141 = vector.shape_cast %swap3A_1140 : vector<1x16xf32> to vector<16xf32>
        %swap3A_1142 = vector.shape_cast %mul3A_1133 : vector<16xf32> to vector<1x16xf32>
        tpu.vector_store %arg8[%swap3A_1138, %swap3A_1139], %swap3A_1142 {strides = array<i32>} : memref<40x128xf32, #tpu.memory_space<vmem>>, vector<1x16xf32>,
        %mul3A_1143 = arith.constant 2 : i32
        %mul3A_1144 = arith.muli %mul3A_1143, %scan3A_502 : i32
        %add3A_1145 = arith.constant 1 : i32
        %add3A_1146 = arith.addi %mul3A_1144, %add3A_1145 : i32
        %get3A_1147 = arith.index_cast %add3A_1146 : i32 to index
        %get3A_1148 = arith.constant 96 : index
        %get3A_1149 = tpu.vector_load %arg9[%get3A_1147, %get3A_1148] {strides = array<i32>} : memref<40x128xf32, #tpu.memory_space<vmem>>, vector<1x16xf32>,
        %get3A_1150 = vector.shape_cast %get3A_1149 : vector<1x16xf32> to vector<16xf32>
        %mul3A_1151 = arith.mulf %get3A_1150, %get3A_1124 : vector<16xf32>
        %mul3A_1152 = arith.constant 2 : i32
        %mul3A_1153 = arith.muli %mul3A_1152, %scan3A_502 : i32
        %add3A_1154 = arith.constant 1 : i32
        %add3A_1155 = arith.addi %mul3A_1153, %add3A_1154 : i32
        %swap3A_1156 = arith.index_cast %add3A_1155 : i32 to index
        %swap3A_1157 = arith.constant 96 : index
        %swap3A_1158 = tpu.vector_load %arg9[%swap3A_1156, %swap3A_1157] {strides = array<i32>} : memref<40x128xf32, #tpu.memory_space<vmem>>, vector<1x16xf32>,
        %swap3A_1159 = vector.shape_cast %swap3A_1158 : vector<1x16xf32> to vector<16xf32>
        %swap3A_1160 = vector.shape_cast %mul3A_1151 : vector<16xf32> to vector<1x16xf32>
        tpu.vector_store %arg9[%swap3A_1156, %swap3A_1157], %swap3A_1160 {strides = array<i32>} : memref<40x128xf32, #tpu.memory_space<vmem>>, vector<1x16xf32>,
        %mul3A_1161 = arith.constant 2 : i32
        %mul3A_1162 = arith.muli %mul3A_1161, %scan3A_502 : i32
        %add3A_1163 = arith.constant 1 : i32
        %add3A_1164 = arith.addi %mul3A_1162, %add3A_1163 : i32
        %get3A_1165 = arith.index_cast %add3A_1164 : i32 to index
        %get3A_1166 = arith.constant 112 : index
        %get3A_1167 = tpu.vector_load %arg10[%get3A_1165, %get3A_1166] {strides = array<i32>} : memref<40x128xf32, #tpu.memory_space<vmem>>, vector<1x16xf32>,
        %get3A_1168 = vector.shape_cast %get3A_1167 : vector<1x16xf32> to vector<16xf32>
        %mul3A_1169 = arith.constant 2 : i32
        %mul3A_1170 = arith.muli %mul3A_1169, %scan3A_502 : i32
        %add3A_1171 = arith.constant 1 : i32
        %add3A_1172 = arith.addi %mul3A_1170, %add3A_1171 : i32
        %get3A_1173 = arith.index_cast %add3A_1172 : i32 to index
        %get3A_1174 = arith.constant 112 : index
        %get3A_1175 = tpu.vector_load %arg8[%get3A_1173, %get3A_1174] {strides = array<i32>} : memref<40x128xf32, #tpu.memory_space<vmem>>, vector<1x16xf32>,
        %get3A_1176 = vector.shape_cast %get3A_1175 : vector<1x16xf32> to vector<16xf32>
        %mul3A_1177 = arith.mulf %get3A_1176, %get3A_1168 : vector<16xf32>
        %mul3A_1178 = arith.constant 2 : i32
        %mul3A_1179 = arith.muli %mul3A_1178, %scan3A_502 : i32
        %add3A_1180 = arith.constant 1 : i32
        %add3A_1181 = arith.addi %mul3A_1179, %add3A_1180 : i32
        %swap3A_1182 = arith.index_cast %add3A_1181 : i32 to index
        %swap3A_1183 = arith.constant 112 : index
        %swap3A_1184 = tpu.vector_load %arg8[%swap3A_1182, %swap3A_1183] {strides = array<i32>} : memref<40x128xf32, #tpu.memory_space<vmem>>, vector<1x16xf32>,
        %swap3A_1185 = vector.shape_cast %swap3A_1184 : vector<1x16xf32> to vector<16xf32>
        %swap3A_1186 = vector.shape_cast %mul3A_1177 : vector<16xf32> to vector<1x16xf32>
        tpu.vector_store %arg8[%swap3A_1182, %swap3A_1183], %swap3A_1186 {strides = array<i32>} : memref<40x128xf32, #tpu.memory_space<vmem>>, vector<1x16xf32>,
        %mul3A_1187 = arith.constant 2 : i32
        %mul3A_1188 = arith.muli %mul3A_1187, %scan3A_502 : i32
        %add3A_1189 = arith.constant 1 : i32
        %add3A_1190 = arith.addi %mul3A_1188, %add3A_1189 : i32
        %get3A_1191 = arith.index_cast %add3A_1190 : i32 to index
        %get3A_1192 = arith.constant 112 : index
        %get3A_1193 = tpu.vector_load %arg9[%get3A_1191, %get3A_1192] {strides = array<i32>} : memref<40x128xf32, #tpu.memory_space<vmem>>, vector<1x16xf32>,
        %get3A_1194 = vector.shape_cast %get3A_1193 : vector<1x16xf32> to vector<16xf32>
        %mul3A_1195 = arith.mulf %get3A_1194, %get3A_1168 : vector<16xf32>
        %mul3A_1196 = arith.constant 2 : i32
        %mul3A_1197 = arith.muli %mul3A_1196, %scan3A_502 : i32
        %add3A_1198 = arith.constant 1 : i32
        %add3A_1199 = arith.addi %mul3A_1197, %add3A_1198 : i32
        %swap3A_1200 = arith.index_cast %add3A_1199 : i32 to index
        %swap3A_1201 = arith.constant 112 : index
        %swap3A_1202 = tpu.vector_load %arg9[%swap3A_1200, %swap3A_1201] {strides = array<i32>} : memref<40x128xf32, #tpu.memory_space<vmem>>, vector<1x16xf32>,
        %swap3A_1203 = vector.shape_cast %swap3A_1202 : vector<1x16xf32> to vector<16xf32>
        %swap3A_1204 = vector.shape_cast %mul3A_1195 : vector<16xf32> to vector<1x16xf32>
        tpu.vector_store %arg9[%swap3A_1200, %swap3A_1201], %swap3A_1204 {strides = array<i32>} : memref<40x128xf32, #tpu.memory_space<vmem>>, vector<1x16xf32>,
      }
      %scan3A_323 = arith.constant 20 : i32
      %rem3A_324 = arith.constant 10 : i32
      %rem3A_325 = arith.remsi %mul3A_242, %rem3A_324 : i32
      %mul3A_326 = arith.constant 40 : i32
      %mul3A_327 = arith.muli %rem3A_325, %mul3A_326 : i32
      %jit3A_328 = arith.constant 10 : i32
      %div3A_329 = arith.divsi %mul3A_242, %jit3A_328 : i32
      %sign3A_330 = arith.constant 0 : i32
      %sign3A_331 = arith.cmpi sgt, %mul3A_242, %sign3A_330 : i32
      %sign3A_332 = arith.extui %sign3A_331 : i1 to i32
      %sign3A_333 = arith.constant 0 : i32
      %sign3A_334 = arith.cmpi slt, %mul3A_242, %sign3A_333 : i32
      %sign3A_335 = arith.extui %sign3A_334 : i1 to i32
      %sign3A_336 = arith.subi %sign3A_332, %sign3A_335 : i32
      %sign3A_337 = arith.constant 0 : i32
      %sign3A_338 = arith.cmpi sgt, %jit3A_328, %sign3A_337 : i32
      %sign3A_339 = arith.extui %sign3A_338 : i1 to i32
      %sign3A_340 = arith.constant 0 : i32
      %sign3A_341 = arith.cmpi slt, %jit3A_328, %sign3A_340 : i32
      %sign3A_342 = arith.extui %sign3A_341 : i1 to i32
      %sign3A_343 = arith.subi %sign3A_339, %sign3A_342 : i32
      %ne3A_344 = arith.cmpi ne, %sign3A_336, %sign3A_343 : i32
      %rem3A_345 = arith.remsi %mul3A_242, %jit3A_328 : i32
      %ne3A_346 = arith.constant 0 : i32
      %ne3A_347 = arith.cmpi ne, %rem3A_345, %ne3A_346 : i32
      %and3A_348 = arith.andi %ne3A_344, %ne3A_347 : i1
      %sub3A_349 = arith.constant 1 : i32
      %sub3A_350 = arith.subi %div3A_329, %sub3A_349 : i32
      %select_n3A_351 = arith.select %and3A_348, %sub3A_350, %div3A_329 : i32
      %rem3A_352 = arith.constant 2 : i32
      %rem3A_353 = arith.remsi %select_n3A_351, %rem3A_352 : i32
      %eq3A_354 = arith.constant 0 : i32
      %eq3A_355 = arith.cmpi eq, %rem3A_353, %eq3A_354 : i32
      %convert_element_type3A_356 = arith.extui %eq3A_355 : i1 to i32
      %cond3A_357 = arith.constant 0 : i32
      %cond3A_358 = arith.cmpi ne, %convert_element_type3A_356, %cond3A_357 : i32
      scf.if %cond3A_358 {
        %dma_start3A = tpu.memref_slice %arg19[%mul3A_327] : memref<400xi32, #tpu.memory_space<vmem>> -> memref<40xi32, #tpu.memory_space<vmem>>
        %dma_start3A_502 = arith.constant 0 : i32
        %dma_start3A_503 = arith.constant 0 : i32
        %dma_start3A_504 = tpu.memref_slice %arg7[%dma_start3A_502, %dma_start3A_503] : memref<10000x128xf32, #tpu.memory_space<vmem_shared>> -> memref<10000x128xf32, #tpu.memory_space<vmem_shared>>
        tpu.enqueue_indirect_dma source(%arg8 : memref<40x128xf32, #tpu.memory_space<vmem>>) target(%dma_start3A_504 : memref<10000x128xf32, #tpu.memory_space<vmem_shared>>) offsets(%dma_start3A : memref<40xi32, #tpu.memory_space<vmem>>) semaphore(%arg12 : memref<!tpu.dma_semaphore, #tpu.memory_space<semaphore_mem>>) {add = true}
        %dma_start3A_505 = tpu.memref_slice %arg18[%mul3A_327] : memref<400xi32, #tpu.memory_space<vmem>> -> memref<40xi32, #tpu.memory_space<vmem>>
        %dma_start3A_506 = arith.constant 0 : i32
        %dma_start3A_507 = arith.constant 0 : i32
        %dma_start3A_508 = tpu.memref_slice %arg7[%dma_start3A_506, %dma_start3A_507] : memref<10000x128xf32, #tpu.memory_space<vmem_shared>> -> memref<10000x128xf32, #tpu.memory_space<vmem_shared>>
        tpu.enqueue_indirect_dma source(%arg9 : memref<40x128xf32, #tpu.memory_space<vmem>>) target(%dma_start3A_508 : memref<10000x128xf32, #tpu.memory_space<vmem_shared>>) offsets(%dma_start3A_505 : memref<40xi32, #tpu.memory_space<vmem>>) semaphore(%arg12 : memref<!tpu.dma_semaphore, #tpu.memory_space<semaphore_mem>>) {add = true}
      } else {
      }
      %eq3A_359 = arith.constant 1 : i32
      %eq3A_360 = arith.cmpi eq, %rem3A_353, %eq3A_359 : i32
      %convert_element_type3A_361 = arith.extui %eq3A_360 : i1 to i32
      %cond3A_362 = arith.constant 0 : i32
      %cond3A_363 = arith.cmpi ne, %convert_element_type3A_361, %cond3A_362 : i32
      scf.if %cond3A_363 {
        %dma_start3A = tpu.memref_slice %arg21[%mul3A_327] : memref<400xi32, #tpu.memory_space<vmem>> -> memref<40xi32, #tpu.memory_space<vmem>>
        %dma_start3A_502 = arith.constant 0 : i32
        %dma_start3A_503 = arith.constant 0 : i32
        %dma_start3A_504 = tpu.memref_slice %arg7[%dma_start3A_502, %dma_start3A_503] : memref<10000x128xf32, #tpu.memory_space<vmem_shared>> -> memref<10000x128xf32, #tpu.memory_space<vmem_shared>>
        tpu.enqueue_indirect_dma source(%arg8 : memref<40x128xf32, #tpu.memory_space<vmem>>) target(%dma_start3A_504 : memref<10000x128xf32, #tpu.memory_space<vmem_shared>>) offsets(%dma_start3A : memref<40xi32, #tpu.memory_space<vmem>>) semaphore(%arg12 : memref<!tpu.dma_semaphore, #tpu.memory_space<semaphore_mem>>) {add = true}
        %dma_start3A_505 = tpu.memref_slice %arg20[%mul3A_327] : memref<400xi32, #tpu.memory_space<vmem>> -> memref<40xi32, #tpu.memory_space<vmem>>
        %dma_start3A_506 = arith.constant 0 : i32
        %dma_start3A_507 = arith.constant 0 : i32
        %dma_start3A_508 = tpu.memref_slice %arg7[%dma_start3A_506, %dma_start3A_507] : memref<10000x128xf32, #tpu.memory_space<vmem_shared>> -> memref<10000x128xf32, #tpu.memory_space<vmem_shared>>
        tpu.enqueue_indirect_dma source(%arg9 : memref<40x128xf32, #tpu.memory_space<vmem>>) target(%dma_start3A_508 : memref<10000x128xf32, #tpu.memory_space<vmem_shared>>) offsets(%dma_start3A_505 : memref<40xi32, #tpu.memory_space<vmem>>) semaphore(%arg12 : memref<!tpu.dma_semaphore, #tpu.memory_space<semaphore_mem>>) {add = true}
      } else {
      }
      %add3A_364 = arith.constant 1 : i32
      %add3A_365 = arith.addi %mul3A_242, %add3A_364 : i32
      %rem3A_366 = arith.constant 10 : i32
      %rem3A_367 = arith.remsi %add3A_365, %rem3A_366 : i32
      %mul3A_368 = arith.constant 40 : i32
      %mul3A_369 = arith.muli %rem3A_367, %mul3A_368 : i32
      %jit3A_370 = arith.constant 10 : i32
      %div3A_371 = arith.divsi %add3A_365, %jit3A_370 : i32
      %sign3A_372 = arith.constant 0 : i32
      %sign3A_373 = arith.cmpi sgt, %add3A_365, %sign3A_372 : i32
      %sign3A_374 = arith.extui %sign3A_373 : i1 to i32
      %sign3A_375 = arith.constant 0 : i32
      %sign3A_376 = arith.cmpi slt, %add3A_365, %sign3A_375 : i32
      %sign3A_377 = arith.extui %sign3A_376 : i1 to i32
      %sign3A_378 = arith.subi %sign3A_374, %sign3A_377 : i32
      %sign3A_379 = arith.constant 0 : i32
      %sign3A_380 = arith.cmpi sgt, %jit3A_370, %sign3A_379 : i32
      %sign3A_381 = arith.extui %sign3A_380 : i1 to i32
      %sign3A_382 = arith.constant 0 : i32
      %sign3A_383 = arith.cmpi slt, %jit3A_370, %sign3A_382 : i32
      %sign3A_384 = arith.extui %sign3A_383 : i1 to i32
      %sign3A_385 = arith.subi %sign3A_381, %sign3A_384 : i32
      %ne3A_386 = arith.cmpi ne, %sign3A_378, %sign3A_385 : i32
      %rem3A_387 = arith.remsi %add3A_365, %jit3A_370 : i32
      %ne3A_388 = arith.constant 0 : i32
      %ne3A_389 = arith.cmpi ne, %rem3A_387, %ne3A_388 : i32
      %and3A_390 = arith.andi %ne3A_386, %ne3A_389 : i1
      %sub3A_391 = arith.constant 1 : i32
      %sub3A_392 = arith.subi %div3A_371, %sub3A_391 : i32
      %select_n3A_393 = arith.select %and3A_390, %sub3A_392, %div3A_371 : i32
      %rem3A_394 = arith.constant 2 : i32
      %rem3A_395 = arith.remsi %select_n3A_393, %rem3A_394 : i32
      %eq3A_396 = arith.constant 0 : i32
      %eq3A_397 = arith.cmpi eq, %rem3A_395, %eq3A_396 : i32
      %convert_element_type3A_398 = arith.extui %eq3A_397 : i1 to i32
      %cond3A_399 = arith.constant 0 : i32
      %cond3A_400 = arith.cmpi ne, %convert_element_type3A_398, %cond3A_399 : i32
      scf.if %cond3A_400 {
        %dma_wait3A_502 = tpu.memref_slice %arg18[%mul3A_369] : memref<400xi32, #tpu.memory_space<vmem>> -> memref<40xi32, #tpu.memory_space<vmem>>
        %dma_wait3A_503 = arith.constant 0 : i32
        %dma_wait3A_504 = arith.constant 0 : i32
        %dma_wait3A_505 = tpu.memref_slice %arg2[%dma_wait3A_503, %dma_wait3A_504] : memref<10000x128xf32, #tpu.memory_space<hbm>> -> memref<10000x128xf32, #tpu.memory_space<hbm>>
        tpu.wait_indirect_dma semaphore(%arg16 : memref<!tpu.dma_semaphore, #tpu.memory_space<semaphore_mem>>) src(%dma_wait3A_505 : memref<10000x128xf32, #tpu.memory_space<hbm>>) dst(%arg13 : memref<40x128xf32, #tpu.memory_space<vmem>>)
        %dma_wait3A_506 = tpu.memref_slice %arg19[%mul3A_369] : memref<400xi32, #tpu.memory_space<vmem>> -> memref<40xi32, #tpu.memory_space<vmem>>
        %dma_wait3A_507 = arith.constant 0 : i32
        %dma_wait3A_508 = arith.constant 0 : i32
        %dma_wait3A_509 = tpu.memref_slice %arg2[%dma_wait3A_507, %dma_wait3A_508] : memref<10000x128xf32, #tpu.memory_space<hbm>> -> memref<10000x128xf32, #tpu.memory_space<hbm>>
        tpu.wait_indirect_dma semaphore(%arg16 : memref<!tpu.dma_semaphore, #tpu.memory_space<semaphore_mem>>) src(%dma_wait3A_509 : memref<10000x128xf32, #tpu.memory_space<hbm>>) dst(%arg14 : memref<40x128xf32, #tpu.memory_space<vmem>>)
        %mul3A_510 = arith.constant 40 : i32
        %mul3A_511 = arith.muli %add3A_365, %mul3A_510 : i32
        %add3A_512 = arith.addi %mul3A_2, %mul3A_511 : i32
        %dma_wait3A_513 = arith.constant 0 : i32
        %dma_wait3A_514 = tpu.memref_slice %arg3[%add3A_512, %dma_wait3A_513] : memref<320000x128xf32, #tpu.memory_space<hbm>> -> memref<40x128xf32, #tpu.memory_space<hbm>>
        %dma_wait3A_515 = arith.constant 0 : i32
        %dma_wait3A_516 = tpu.memref_slice %arg3[%add3A_512, %dma_wait3A_515] : memref<320000x128xf32, #tpu.memory_space<hbm>> -> memref<40x128xf32, #tpu.memory_space<hbm>>
        tpu.wait_dma2 semaphore(%arg16 : memref<!tpu.dma_semaphore, #tpu.memory_space<semaphore_mem>>) src(%dma_wait3A_516 : memref<40x128xf32, #tpu.memory_space<hbm>>) dst(%arg15 : memref<40x128xf32, #tpu.memory_space<vmem>>)
      } else {
      }
      %eq3A_401 = arith.constant 1 : i32
      %eq3A_402 = arith.cmpi eq, %rem3A_395, %eq3A_401 : i32
      %convert_element_type3A_403 = arith.extui %eq3A_402 : i1 to i32
      %cond3A_404 = arith.constant 0 : i32
      %cond3A_405 = arith.cmpi ne, %convert_element_type3A_403, %cond3A_404 : i32
      scf.if %cond3A_405 {
        %dma_wait3A_502 = tpu.memref_slice %arg20[%mul3A_369] : memref<400xi32, #tpu.memory_space<vmem>> -> memref<40xi32, #tpu.memory_space<vmem>>
        %dma_wait3A_503 = arith.constant 0 : i32
        %dma_wait3A_504 = arith.constant 0 : i32
        %dma_wait3A_505 = tpu.memref_slice %arg2[%dma_wait3A_503, %dma_wait3A_504] : memref<10000x128xf32, #tpu.memory_space<hbm>> -> memref<10000x128xf32, #tpu.memory_space<hbm>>
        tpu.wait_indirect_dma semaphore(%arg16 : memref<!tpu.dma_semaphore, #tpu.memory_space<semaphore_mem>>) src(%dma_wait3A_505 : memref<10000x128xf32, #tpu.memory_space<hbm>>) dst(%arg13 : memref<40x128xf32, #tpu.memory_space<vmem>>)
        %dma_wait3A_506 = tpu.memref_slice %arg21[%mul3A_369] : memref<400xi32, #tpu.memory_space<vmem>> -> memref<40xi32, #tpu.memory_space<vmem>>
        %dma_wait3A_507 = arith.constant 0 : i32
        %dma_wait3A_508 = arith.constant 0 : i32
        %dma_wait3A_509 = tpu.memref_slice %arg2[%dma_wait3A_507, %dma_wait3A_508] : memref<10000x128xf32, #tpu.memory_space<hbm>> -> memref<10000x128xf32, #tpu.memory_space<hbm>>
        tpu.wait_indirect_dma semaphore(%arg16 : memref<!tpu.dma_semaphore, #tpu.memory_space<semaphore_mem>>) src(%dma_wait3A_509 : memref<10000x128xf32, #tpu.memory_space<hbm>>) dst(%arg14 : memref<40x128xf32, #tpu.memory_space<vmem>>)
        %mul3A_510 = arith.constant 40 : i32
        %mul3A_511 = arith.muli %add3A_365, %mul3A_510 : i32
        %add3A_512 = arith.addi %mul3A_2, %mul3A_511 : i32
        %dma_wait3A_513 = arith.constant 0 : i32
        %dma_wait3A_514 = tpu.memref_slice %arg3[%add3A_512, %dma_wait3A_513] : memref<320000x128xf32, #tpu.memory_space<hbm>> -> memref<40x128xf32, #tpu.memory_space<hbm>>
        %dma_wait3A_515 = arith.constant 0 : i32
        %dma_wait3A_516 = tpu.memref_slice %arg3[%add3A_512, %dma_wait3A_515] : memref<320000x128xf32, #tpu.memory_space<hbm>> -> memref<40x128xf32, #tpu.memory_space<hbm>>
        tpu.wait_dma2 semaphore(%arg16 : memref<!tpu.dma_semaphore, #tpu.memory_space<semaphore_mem>>) src(%dma_wait3A_516 : memref<40x128xf32, #tpu.memory_space<hbm>>) dst(%arg15 : memref<40x128xf32, #tpu.memory_space<vmem>>)
      } else {
      }
      %add3A_406 = arith.constant 1 : i32
      %add3A_407 = arith.addi %mul3A_242, %add3A_406 : i32
      %scan3A_408 = arith.constant 0 : i32
      %scan3A_409 = arith.constant 0 : i32
      %scan3A_410 = arith.constant 20 : i32
      %scan3A_411 = arith.addi %scan3A_409, %scan3A_410 : i32
      %scan3A_412 = arith.constant 1 : i32
      scf.for %scan3A_502 = %scan3A_409 to %scan3A_411 step %scan3A_412  : i32 {
        %mul3A_503 = arith.constant 2 : i32
        %mul3A_504 = arith.muli %mul3A_503, %scan3A_502 : i32
        %add3A_505 = arith.constant 0 : i32
        %add3A_506 = arith.addi %mul3A_504, %add3A_505 : i32
        %get3A = arith.index_cast %add3A_506 : i32 to index
        %get3A_507 = arith.constant 0 : index
        %get3A_508 = tpu.vector_load %arg15[%get3A, %get3A_507] {strides = array<i32>} : memref<40x128xf32, #tpu.memory_space<vmem>>, vector<1x16xf32>,
        %get3A_509 = vector.shape_cast %get3A_508 : vector<1x16xf32> to vector<16xf32>
        %mul3A_510 = arith.constant 2 : i32
        %mul3A_511 = arith.muli %mul3A_510, %scan3A_502 : i32
        %add3A_512 = arith.constant 0 : i32
        %add3A_513 = arith.addi %mul3A_511, %add3A_512 : i32
        %get3A_514 = arith.index_cast %add3A_513 : i32 to index
        %get3A_515 = arith.constant 0 : index
        %get3A_516 = tpu.vector_load %arg13[%get3A_514, %get3A_515] {strides = array<i32>} : memref<40x128xf32, #tpu.memory_space<vmem>>, vector<1x16xf32>,
        %get3A_517 = vector.shape_cast %get3A_516 : vector<1x16xf32> to vector<16xf32>
        %mul3A_518 = arith.mulf %get3A_517, %get3A_509 : vector<16xf32>
        %mul3A_519 = arith.constant 2 : i32
        %mul3A_520 = arith.muli %mul3A_519, %scan3A_502 : i32
        %add3A_521 = arith.constant 0 : i32
        %add3A_522 = arith.addi %mul3A_520, %add3A_521 : i32
        %swap3A = arith.index_cast %add3A_522 : i32 to index
        %swap3A_523 = arith.constant 0 : index
        %swap3A_524 = tpu.vector_load %arg13[%swap3A, %swap3A_523] {strides = array<i32>} : memref<40x128xf32, #tpu.memory_space<vmem>>, vector<1x16xf32>,
        %swap3A_525 = vector.shape_cast %swap3A_524 : vector<1x16xf32> to vector<16xf32>
        %swap3A_526 = vector.shape_cast %mul3A_518 : vector<16xf32> to vector<1x16xf32>
        tpu.vector_store %arg13[%swap3A, %swap3A_523], %swap3A_526 {strides = array<i32>} : memref<40x128xf32, #tpu.memory_space<vmem>>, vector<1x16xf32>,
        %mul3A_527 = arith.constant 2 : i32
        %mul3A_528 = arith.muli %mul3A_527, %scan3A_502 : i32
        %add3A_529 = arith.constant 0 : i32
        %add3A_530 = arith.addi %mul3A_528, %add3A_529 : i32
        %get3A_531 = arith.index_cast %add3A_530 : i32 to index
        %get3A_532 = arith.constant 0 : index
        %get3A_533 = tpu.vector_load %arg14[%get3A_531, %get3A_532] {strides = array<i32>} : memref<40x128xf32, #tpu.memory_space<vmem>>, vector<1x16xf32>,
        %get3A_534 = vector.shape_cast %get3A_533 : vector<1x16xf32> to vector<16xf32>
        %mul3A_535 = arith.mulf %get3A_534, %get3A_509 : vector<16xf32>
        %mul3A_536 = arith.constant 2 : i32
        %mul3A_537 = arith.muli %mul3A_536, %scan3A_502 : i32
        %add3A_538 = arith.constant 0 : i32
        %add3A_539 = arith.addi %mul3A_537, %add3A_538 : i32
        %swap3A_540 = arith.index_cast %add3A_539 : i32 to index
        %swap3A_541 = arith.constant 0 : index
        %swap3A_542 = tpu.vector_load %arg14[%swap3A_540, %swap3A_541] {strides = array<i32>} : memref<40x128xf32, #tpu.memory_space<vmem>>, vector<1x16xf32>,
        %swap3A_543 = vector.shape_cast %swap3A_542 : vector<1x16xf32> to vector<16xf32>
        %swap3A_544 = vector.shape_cast %mul3A_535 : vector<16xf32> to vector<1x16xf32>
        tpu.vector_store %arg14[%swap3A_540, %swap3A_541], %swap3A_544 {strides = array<i32>} : memref<40x128xf32, #tpu.memory_space<vmem>>, vector<1x16xf32>,
        %mul3A_545 = arith.constant 2 : i32
        %mul3A_546 = arith.muli %mul3A_545, %scan3A_502 : i32
        %add3A_547 = arith.constant 0 : i32
        %add3A_548 = arith.addi %mul3A_546, %add3A_547 : i32
        %get3A_549 = arith.index_cast %add3A_548 : i32 to index
        %get3A_550 = arith.constant 16 : index
        %get3A_551 = tpu.vector_load %arg15[%get3A_549, %get3A_550] {strides = array<i32>} : memref<40x128xf32, #tpu.memory_space<vmem>>, vector<1x16xf32>,
        %get3A_552 = vector.shape_cast %get3A_551 : vector<1x16xf32> to vector<16xf32>
        %mul3A_553 = arith.constant 2 : i32
        %mul3A_554 = arith.muli %mul3A_553, %scan3A_502 : i32
        %add3A_555 = arith.constant 0 : i32
        %add3A_556 = arith.addi %mul3A_554, %add3A_555 : i32
        %get3A_557 = arith.index_cast %add3A_556 : i32 to index
        %get3A_558 = arith.constant 16 : index
        %get3A_559 = tpu.vector_load %arg13[%get3A_557, %get3A_558] {strides = array<i32>} : memref<40x128xf32, #tpu.memory_space<vmem>>, vector<1x16xf32>,
        %get3A_560 = vector.shape_cast %get3A_559 : vector<1x16xf32> to vector<16xf32>
        %mul3A_561 = arith.mulf %get3A_560, %get3A_552 : vector<16xf32>
        %mul3A_562 = arith.constant 2 : i32
        %mul3A_563 = arith.muli %mul3A_562, %scan3A_502 : i32
        %add3A_564 = arith.constant 0 : i32
        %add3A_565 = arith.addi %mul3A_563, %add3A_564 : i32
        %swap3A_566 = arith.index_cast %add3A_565 : i32 to index
        %swap3A_567 = arith.constant 16 : index
        %swap3A_568 = tpu.vector_load %arg13[%swap3A_566, %swap3A_567] {strides = array<i32>} : memref<40x128xf32, #tpu.memory_space<vmem>>, vector<1x16xf32>,
        %swap3A_569 = vector.shape_cast %swap3A_568 : vector<1x16xf32> to vector<16xf32>
        %swap3A_570 = vector.shape_cast %mul3A_561 : vector<16xf32> to vector<1x16xf32>
        tpu.vector_store %arg13[%swap3A_566, %swap3A_567], %swap3A_570 {strides = array<i32>} : memref<40x128xf32, #tpu.memory_space<vmem>>, vector<1x16xf32>,
        %mul3A_571 = arith.constant 2 : i32
        %mul3A_572 = arith.muli %mul3A_571, %scan3A_502 : i32
        %add3A_573 = arith.constant 0 : i32
        %add3A_574 = arith.addi %mul3A_572, %add3A_573 : i32
        %get3A_575 = arith.index_cast %add3A_574 : i32 to index
        %get3A_576 = arith.constant 16 : index
        %get3A_577 = tpu.vector_load %arg14[%get3A_575, %get3A_576] {strides = array<i32>} : memref<40x128xf32, #tpu.memory_space<vmem>>, vector<1x16xf32>,
        %get3A_578 = vector.shape_cast %get3A_577 : vector<1x16xf32> to vector<16xf32>
        %mul3A_579 = arith.mulf %get3A_578, %get3A_552 : vector<16xf32>
        %mul3A_580 = arith.constant 2 : i32
        %mul3A_581 = arith.muli %mul3A_580, %scan3A_502 : i32
        %add3A_582 = arith.constant 0 : i32
        %add3A_583 = arith.addi %mul3A_581, %add3A_582 : i32
        %swap3A_584 = arith.index_cast %add3A_583 : i32 to index
        %swap3A_585 = arith.constant 16 : index
        %swap3A_586 = tpu.vector_load %arg14[%swap3A_584, %swap3A_585] {strides = array<i32>} : memref<40x128xf32, #tpu.memory_space<vmem>>, vector<1x16xf32>,
        %swap3A_587 = vector.shape_cast %swap3A_586 : vector<1x16xf32> to vector<16xf32>
        %swap3A_588 = vector.shape_cast %mul3A_579 : vector<16xf32> to vector<1x16xf32>
        tpu.vector_store %arg14[%swap3A_584, %swap3A_585], %swap3A_588 {strides = array<i32>} : memref<40x128xf32, #tpu.memory_space<vmem>>, vector<1x16xf32>,
        %mul3A_589 = arith.constant 2 : i32
        %mul3A_590 = arith.muli %mul3A_589, %scan3A_502 : i32
        %add3A_591 = arith.constant 0 : i32
        %add3A_592 = arith.addi %mul3A_590, %add3A_591 : i32
        %get3A_593 = arith.index_cast %add3A_592 : i32 to index
        %get3A_594 = arith.constant 32 : index
        %get3A_595 = tpu.vector_load %arg15[%get3A_593, %get3A_594] {strides = array<i32>} : memref<40x128xf32, #tpu.memory_space<vmem>>, vector<1x16xf32>,
        %get3A_596 = vector.shape_cast %get3A_595 : vector<1x16xf32> to vector<16xf32>
        %mul3A_597 = arith.constant 2 : i32
        %mul3A_598 = arith.muli %mul3A_597, %scan3A_502 : i32
        %add3A_599 = arith.constant 0 : i32
        %add3A_600 = arith.addi %mul3A_598, %add3A_599 : i32
        %get3A_601 = arith.index_cast %add3A_600 : i32 to index
        %get3A_602 = arith.constant 32 : index
        %get3A_603 = tpu.vector_load %arg13[%get3A_601, %get3A_602] {strides = array<i32>} : memref<40x128xf32, #tpu.memory_space<vmem>>, vector<1x16xf32>,
        %get3A_604 = vector.shape_cast %get3A_603 : vector<1x16xf32> to vector<16xf32>
        %mul3A_605 = arith.mulf %get3A_604, %get3A_596 : vector<16xf32>
        %mul3A_606 = arith.constant 2 : i32
        %mul3A_607 = arith.muli %mul3A_606, %scan3A_502 : i32
        %add3A_608 = arith.constant 0 : i32
        %add3A_609 = arith.addi %mul3A_607, %add3A_608 : i32
        %swap3A_610 = arith.index_cast %add3A_609 : i32 to index
        %swap3A_611 = arith.constant 32 : index
        %swap3A_612 = tpu.vector_load %arg13[%swap3A_610, %swap3A_611] {strides = array<i32>} : memref<40x128xf32, #tpu.memory_space<vmem>>, vector<1x16xf32>,
        %swap3A_613 = vector.shape_cast %swap3A_612 : vector<1x16xf32> to vector<16xf32>
        %swap3A_614 = vector.shape_cast %mul3A_605 : vector<16xf32> to vector<1x16xf32>
        tpu.vector_store %arg13[%swap3A_610, %swap3A_611], %swap3A_614 {strides = array<i32>} : memref<40x128xf32, #tpu.memory_space<vmem>>, vector<1x16xf32>,
        %mul3A_615 = arith.constant 2 : i32
        %mul3A_616 = arith.muli %mul3A_615, %scan3A_502 : i32
        %add3A_617 = arith.constant 0 : i32
        %add3A_618 = arith.addi %mul3A_616, %add3A_617 : i32
        %get3A_619 = arith.index_cast %add3A_618 : i32 to index
        %get3A_620 = arith.constant 32 : index
        %get3A_621 = tpu.vector_load %arg14[%get3A_619, %get3A_620] {strides = array<i32>} : memref<40x128xf32, #tpu.memory_space<vmem>>, vector<1x16xf32>,
        %get3A_622 = vector.shape_cast %get3A_621 : vector<1x16xf32> to vector<16xf32>
        %mul3A_623 = arith.mulf %get3A_622, %get3A_596 : vector<16xf32>
        %mul3A_624 = arith.constant 2 : i32
        %mul3A_625 = arith.muli %mul3A_624, %scan3A_502 : i32
        %add3A_626 = arith.constant 0 : i32
        %add3A_627 = arith.addi %mul3A_625, %add3A_626 : i32
        %swap3A_628 = arith.index_cast %add3A_627 : i32 to index
        %swap3A_629 = arith.constant 32 : index
        %swap3A_630 = tpu.vector_load %arg14[%swap3A_628, %swap3A_629] {strides = array<i32>} : memref<40x128xf32, #tpu.memory_space<vmem>>, vector<1x16xf32>,
        %swap3A_631 = vector.shape_cast %swap3A_630 : vector<1x16xf32> to vector<16xf32>
        %swap3A_632 = vector.shape_cast %mul3A_623 : vector<16xf32> to vector<1x16xf32>
        tpu.vector_store %arg14[%swap3A_628, %swap3A_629], %swap3A_632 {strides = array<i32>} : memref<40x128xf32, #tpu.memory_space<vmem>>, vector<1x16xf32>,
        %mul3A_633 = arith.constant 2 : i32
        %mul3A_634 = arith.muli %mul3A_633, %scan3A_502 : i32
        %add3A_635 = arith.constant 0 : i32
        %add3A_636 = arith.addi %mul3A_634, %add3A_635 : i32
        %get3A_637 = arith.index_cast %add3A_636 : i32 to index
        %get3A_638 = arith.constant 48 : index
        %get3A_639 = tpu.vector_load %arg15[%get3A_637, %get3A_638] {strides = array<i32>} : memref<40x128xf32, #tpu.memory_space<vmem>>, vector<1x16xf32>,
        %get3A_640 = vector.shape_cast %get3A_639 : vector<1x16xf32> to vector<16xf32>
        %mul3A_641 = arith.constant 2 : i32
        %mul3A_642 = arith.muli %mul3A_641, %scan3A_502 : i32
        %add3A_643 = arith.constant 0 : i32
        %add3A_644 = arith.addi %mul3A_642, %add3A_643 : i32
        %get3A_645 = arith.index_cast %add3A_644 : i32 to index
        %get3A_646 = arith.constant 48 : index
        %get3A_647 = tpu.vector_load %arg13[%get3A_645, %get3A_646] {strides = array<i32>} : memref<40x128xf32, #tpu.memory_space<vmem>>, vector<1x16xf32>,
        %get3A_648 = vector.shape_cast %get3A_647 : vector<1x16xf32> to vector<16xf32>
        %mul3A_649 = arith.mulf %get3A_648, %get3A_640 : vector<16xf32>
        %mul3A_650 = arith.constant 2 : i32
        %mul3A_651 = arith.muli %mul3A_650, %scan3A_502 : i32
        %add3A_652 = arith.constant 0 : i32
        %add3A_653 = arith.addi %mul3A_651, %add3A_652 : i32
        %swap3A_654 = arith.index_cast %add3A_653 : i32 to index
        %swap3A_655 = arith.constant 48 : index
        %swap3A_656 = tpu.vector_load %arg13[%swap3A_654, %swap3A_655] {strides = array<i32>} : memref<40x128xf32, #tpu.memory_space<vmem>>, vector<1x16xf32>,
        %swap3A_657 = vector.shape_cast %swap3A_656 : vector<1x16xf32> to vector<16xf32>
        %swap3A_658 = vector.shape_cast %mul3A_649 : vector<16xf32> to vector<1x16xf32>
        tpu.vector_store %arg13[%swap3A_654, %swap3A_655], %swap3A_658 {strides = array<i32>} : memref<40x128xf32, #tpu.memory_space<vmem>>, vector<1x16xf32>,
        %mul3A_659 = arith.constant 2 : i32
        %mul3A_660 = arith.muli %mul3A_659, %scan3A_502 : i32
        %add3A_661 = arith.constant 0 : i32
        %add3A_662 = arith.addi %mul3A_660, %add3A_661 : i32
        %get3A_663 = arith.index_cast %add3A_662 : i32 to index
        %get3A_664 = arith.constant 48 : index
        %get3A_665 = tpu.vector_load %arg14[%get3A_663, %get3A_664] {strides = array<i32>} : memref<40x128xf32, #tpu.memory_space<vmem>>, vector<1x16xf32>,
        %get3A_666 = vector.shape_cast %get3A_665 : vector<1x16xf32> to vector<16xf32>
        %mul3A_667 = arith.mulf %get3A_666, %get3A_640 : vector<16xf32>
        %mul3A_668 = arith.constant 2 : i32
        %mul3A_669 = arith.muli %mul3A_668, %scan3A_502 : i32
        %add3A_670 = arith.constant 0 : i32
        %add3A_671 = arith.addi %mul3A_669, %add3A_670 : i32
        %swap3A_672 = arith.index_cast %add3A_671 : i32 to index
        %swap3A_673 = arith.constant 48 : index
        %swap3A_674 = tpu.vector_load %arg14[%swap3A_672, %swap3A_673] {strides = array<i32>} : memref<40x128xf32, #tpu.memory_space<vmem>>, vector<1x16xf32>,
        %swap3A_675 = vector.shape_cast %swap3A_674 : vector<1x16xf32> to vector<16xf32>
        %swap3A_676 = vector.shape_cast %mul3A_667 : vector<16xf32> to vector<1x16xf32>
        tpu.vector_store %arg14[%swap3A_672, %swap3A_673], %swap3A_676 {strides = array<i32>} : memref<40x128xf32, #tpu.memory_space<vmem>>, vector<1x16xf32>,
        %mul3A_677 = arith.constant 2 : i32
        %mul3A_678 = arith.muli %mul3A_677, %scan3A_502 : i32
        %add3A_679 = arith.constant 0 : i32
        %add3A_680 = arith.addi %mul3A_678, %add3A_679 : i32
        %get3A_681 = arith.index_cast %add3A_680 : i32 to index
        %get3A_682 = arith.constant 64 : index
        %get3A_683 = tpu.vector_load %arg15[%get3A_681, %get3A_682] {strides = array<i32>} : memref<40x128xf32, #tpu.memory_space<vmem>>, vector<1x16xf32>,
        %get3A_684 = vector.shape_cast %get3A_683 : vector<1x16xf32> to vector<16xf32>
        %mul3A_685 = arith.constant 2 : i32
        %mul3A_686 = arith.muli %mul3A_685, %scan3A_502 : i32
        %add3A_687 = arith.constant 0 : i32
        %add3A_688 = arith.addi %mul3A_686, %add3A_687 : i32
        %get3A_689 = arith.index_cast %add3A_688 : i32 to index
        %get3A_690 = arith.constant 64 : index
        %get3A_691 = tpu.vector_load %arg13[%get3A_689, %get3A_690] {strides = array<i32>} : memref<40x128xf32, #tpu.memory_space<vmem>>, vector<1x16xf32>,
        %get3A_692 = vector.shape_cast %get3A_691 : vector<1x16xf32> to vector<16xf32>
        %mul3A_693 = arith.mulf %get3A_692, %get3A_684 : vector<16xf32>
        %mul3A_694 = arith.constant 2 : i32
        %mul3A_695 = arith.muli %mul3A_694, %scan3A_502 : i32
        %add3A_696 = arith.constant 0 : i32
        %add3A_697 = arith.addi %mul3A_695, %add3A_696 : i32
        %swap3A_698 = arith.index_cast %add3A_697 : i32 to index
        %swap3A_699 = arith.constant 64 : index
        %swap3A_700 = tpu.vector_load %arg13[%swap3A_698, %swap3A_699] {strides = array<i32>} : memref<40x128xf32, #tpu.memory_space<vmem>>, vector<1x16xf32>,
        %swap3A_701 = vector.shape_cast %swap3A_700 : vector<1x16xf32> to vector<16xf32>
        %swap3A_702 = vector.shape_cast %mul3A_693 : vector<16xf32> to vector<1x16xf32>
        tpu.vector_store %arg13[%swap3A_698, %swap3A_699], %swap3A_702 {strides = array<i32>} : memref<40x128xf32, #tpu.memory_space<vmem>>, vector<1x16xf32>,
        %mul3A_703 = arith.constant 2 : i32
        %mul3A_704 = arith.muli %mul3A_703, %scan3A_502 : i32
        %add3A_705 = arith.constant 0 : i32
        %add3A_706 = arith.addi %mul3A_704, %add3A_705 : i32
        %get3A_707 = arith.index_cast %add3A_706 : i32 to index
        %get3A_708 = arith.constant 64 : index
        %get3A_709 = tpu.vector_load %arg14[%get3A_707, %get3A_708] {strides = array<i32>} : memref<40x128xf32, #tpu.memory_space<vmem>>, vector<1x16xf32>,
        %get3A_710 = vector.shape_cast %get3A_709 : vector<1x16xf32> to vector<16xf32>
        %mul3A_711 = arith.mulf %get3A_710, %get3A_684 : vector<16xf32>
        %mul3A_712 = arith.constant 2 : i32
        %mul3A_713 = arith.muli %mul3A_712, %scan3A_502 : i32
        %add3A_714 = arith.constant 0 : i32
        %add3A_715 = arith.addi %mul3A_713, %add3A_714 : i32
        %swap3A_716 = arith.index_cast %add3A_715 : i32 to index
        %swap3A_717 = arith.constant 64 : index
        %swap3A_718 = tpu.vector_load %arg14[%swap3A_716, %swap3A_717] {strides = array<i32>} : memref<40x128xf32, #tpu.memory_space<vmem>>, vector<1x16xf32>,
        %swap3A_719 = vector.shape_cast %swap3A_718 : vector<1x16xf32> to vector<16xf32>
        %swap3A_720 = vector.shape_cast %mul3A_711 : vector<16xf32> to vector<1x16xf32>
        tpu.vector_store %arg14[%swap3A_716, %swap3A_717], %swap3A_720 {strides = array<i32>} : memref<40x128xf32, #tpu.memory_space<vmem>>, vector<1x16xf32>,
        %mul3A_721 = arith.constant 2 : i32
        %mul3A_722 = arith.muli %mul3A_721, %scan3A_502 : i32
        %add3A_723 = arith.constant 0 : i32
        %add3A_724 = arith.addi %mul3A_722, %add3A_723 : i32
        %get3A_725 = arith.index_cast %add3A_724 : i32 to index
        %get3A_726 = arith.constant 80 : index
        %get3A_727 = tpu.vector_load %arg15[%get3A_725, %get3A_726] {strides = array<i32>} : memref<40x128xf32, #tpu.memory_space<vmem>>, vector<1x16xf32>,
        %get3A_728 = vector.shape_cast %get3A_727 : vector<1x16xf32> to vector<16xf32>
        %mul3A_729 = arith.constant 2 : i32
        %mul3A_730 = arith.muli %mul3A_729, %scan3A_502 : i32
        %add3A_731 = arith.constant 0 : i32
        %add3A_732 = arith.addi %mul3A_730, %add3A_731 : i32
        %get3A_733 = arith.index_cast %add3A_732 : i32 to index
        %get3A_734 = arith.constant 80 : index
        %get3A_735 = tpu.vector_load %arg13[%get3A_733, %get3A_734] {strides = array<i32>} : memref<40x128xf32, #tpu.memory_space<vmem>>, vector<1x16xf32>,
        %get3A_736 = vector.shape_cast %get3A_735 : vector<1x16xf32> to vector<16xf32>
        %mul3A_737 = arith.mulf %get3A_736, %get3A_728 : vector<16xf32>
        %mul3A_738 = arith.constant 2 : i32
        %mul3A_739 = arith.muli %mul3A_738, %scan3A_502 : i32
        %add3A_740 = arith.constant 0 : i32
        %add3A_741 = arith.addi %mul3A_739, %add3A_740 : i32
        %swap3A_742 = arith.index_cast %add3A_741 : i32 to index
        %swap3A_743 = arith.constant 80 : index
        %swap3A_744 = tpu.vector_load %arg13[%swap3A_742, %swap3A_743] {strides = array<i32>} : memref<40x128xf32, #tpu.memory_space<vmem>>, vector<1x16xf32>,
        %swap3A_745 = vector.shape_cast %swap3A_744 : vector<1x16xf32> to vector<16xf32>
        %swap3A_746 = vector.shape_cast %mul3A_737 : vector<16xf32> to vector<1x16xf32>
        tpu.vector_store %arg13[%swap3A_742, %swap3A_743], %swap3A_746 {strides = array<i32>} : memref<40x128xf32, #tpu.memory_space<vmem>>, vector<1x16xf32>,
        %mul3A_747 = arith.constant 2 : i32
        %mul3A_748 = arith.muli %mul3A_747, %scan3A_502 : i32
        %add3A_749 = arith.constant 0 : i32
        %add3A_750 = arith.addi %mul3A_748, %add3A_749 : i32
        %get3A_751 = arith.index_cast %add3A_750 : i32 to index
        %get3A_752 = arith.constant 80 : index
        %get3A_753 = tpu.vector_load %arg14[%get3A_751, %get3A_752] {strides = array<i32>} : memref<40x128xf32, #tpu.memory_space<vmem>>, vector<1x16xf32>,
        %get3A_754 = vector.shape_cast %get3A_753 : vector<1x16xf32> to vector<16xf32>
        %mul3A_755 = arith.mulf %get3A_754, %get3A_728 : vector<16xf32>
        %mul3A_756 = arith.constant 2 : i32
        %mul3A_757 = arith.muli %mul3A_756, %scan3A_502 : i32
        %add3A_758 = arith.constant 0 : i32
        %add3A_759 = arith.addi %mul3A_757, %add3A_758 : i32
        %swap3A_760 = arith.index_cast %add3A_759 : i32 to index
        %swap3A_761 = arith.constant 80 : index
        %swap3A_762 = tpu.vector_load %arg14[%swap3A_760, %swap3A_761] {strides = array<i32>} : memref<40x128xf32, #tpu.memory_space<vmem>>, vector<1x16xf32>,
        %swap3A_763 = vector.shape_cast %swap3A_762 : vector<1x16xf32> to vector<16xf32>
        %swap3A_764 = vector.shape_cast %mul3A_755 : vector<16xf32> to vector<1x16xf32>
        tpu.vector_store %arg14[%swap3A_760, %swap3A_761], %swap3A_764 {strides = array<i32>} : memref<40x128xf32, #tpu.memory_space<vmem>>, vector<1x16xf32>,
        %mul3A_765 = arith.constant 2 : i32
        %mul3A_766 = arith.muli %mul3A_765, %scan3A_502 : i32
        %add3A_767 = arith.constant 0 : i32
        %add3A_768 = arith.addi %mul3A_766, %add3A_767 : i32
        %get3A_769 = arith.index_cast %add3A_768 : i32 to index
        %get3A_770 = arith.constant 96 : index
        %get3A_771 = tpu.vector_load %arg15[%get3A_769, %get3A_770] {strides = array<i32>} : memref<40x128xf32, #tpu.memory_space<vmem>>, vector<1x16xf32>,
        %get3A_772 = vector.shape_cast %get3A_771 : vector<1x16xf32> to vector<16xf32>
        %mul3A_773 = arith.constant 2 : i32
        %mul3A_774 = arith.muli %mul3A_773, %scan3A_502 : i32
        %add3A_775 = arith.constant 0 : i32
        %add3A_776 = arith.addi %mul3A_774, %add3A_775 : i32
        %get3A_777 = arith.index_cast %add3A_776 : i32 to index
        %get3A_778 = arith.constant 96 : index
        %get3A_779 = tpu.vector_load %arg13[%get3A_777, %get3A_778] {strides = array<i32>} : memref<40x128xf32, #tpu.memory_space<vmem>>, vector<1x16xf32>,
        %get3A_780 = vector.shape_cast %get3A_779 : vector<1x16xf32> to vector<16xf32>
        %mul3A_781 = arith.mulf %get3A_780, %get3A_772 : vector<16xf32>
        %mul3A_782 = arith.constant 2 : i32
        %mul3A_783 = arith.muli %mul3A_782, %scan3A_502 : i32
        %add3A_784 = arith.constant 0 : i32
        %add3A_785 = arith.addi %mul3A_783, %add3A_784 : i32
        %swap3A_786 = arith.index_cast %add3A_785 : i32 to index
        %swap3A_787 = arith.constant 96 : index
        %swap3A_788 = tpu.vector_load %arg13[%swap3A_786, %swap3A_787] {strides = array<i32>} : memref<40x128xf32, #tpu.memory_space<vmem>>, vector<1x16xf32>,
        %swap3A_789 = vector.shape_cast %swap3A_788 : vector<1x16xf32> to vector<16xf32>
        %swap3A_790 = vector.shape_cast %mul3A_781 : vector<16xf32> to vector<1x16xf32>
        tpu.vector_store %arg13[%swap3A_786, %swap3A_787], %swap3A_790 {strides = array<i32>} : memref<40x128xf32, #tpu.memory_space<vmem>>, vector<1x16xf32>,
        %mul3A_791 = arith.constant 2 : i32
        %mul3A_792 = arith.muli %mul3A_791, %scan3A_502 : i32
        %add3A_793 = arith.constant 0 : i32
        %add3A_794 = arith.addi %mul3A_792, %add3A_793 : i32
        %get3A_795 = arith.index_cast %add3A_794 : i32 to index
        %get3A_796 = arith.constant 96 : index
        %get3A_797 = tpu.vector_load %arg14[%get3A_795, %get3A_796] {strides = array<i32>} : memref<40x128xf32, #tpu.memory_space<vmem>>, vector<1x16xf32>,
        %get3A_798 = vector.shape_cast %get3A_797 : vector<1x16xf32> to vector<16xf32>
        %mul3A_799 = arith.mulf %get3A_798, %get3A_772 : vector<16xf32>
        %mul3A_800 = arith.constant 2 : i32
        %mul3A_801 = arith.muli %mul3A_800, %scan3A_502 : i32
        %add3A_802 = arith.constant 0 : i32
        %add3A_803 = arith.addi %mul3A_801, %add3A_802 : i32
        %swap3A_804 = arith.index_cast %add3A_803 : i32 to index
        %swap3A_805 = arith.constant 96 : index
        %swap3A_806 = tpu.vector_load %arg14[%swap3A_804, %swap3A_805] {strides = array<i32>} : memref<40x128xf32, #tpu.memory_space<vmem>>, vector<1x16xf32>,
        %swap3A_807 = vector.shape_cast %swap3A_806 : vector<1x16xf32> to vector<16xf32>
        %swap3A_808 = vector.shape_cast %mul3A_799 : vector<16xf32> to vector<1x16xf32>
        tpu.vector_store %arg14[%swap3A_804, %swap3A_805], %swap3A_808 {strides = array<i32>} : memref<40x128xf32, #tpu.memory_space<vmem>>, vector<1x16xf32>,
        %mul3A_809 = arith.constant 2 : i32
        %mul3A_810 = arith.muli %mul3A_809, %scan3A_502 : i32
        %add3A_811 = arith.constant 0 : i32
        %add3A_812 = arith.addi %mul3A_810, %add3A_811 : i32
        %get3A_813 = arith.index_cast %add3A_812 : i32 to index
        %get3A_814 = arith.constant 112 : index
        %get3A_815 = tpu.vector_load %arg15[%get3A_813, %get3A_814] {strides = array<i32>} : memref<40x128xf32, #tpu.memory_space<vmem>>, vector<1x16xf32>,
        %get3A_816 = vector.shape_cast %get3A_815 : vector<1x16xf32> to vector<16xf32>
        %mul3A_817 = arith.constant 2 : i32
        %mul3A_818 = arith.muli %mul3A_817, %scan3A_502 : i32
        %add3A_819 = arith.constant 0 : i32
        %add3A_820 = arith.addi %mul3A_818, %add3A_819 : i32
        %get3A_821 = arith.index_cast %add3A_820 : i32 to index
        %get3A_822 = arith.constant 112 : index
        %get3A_823 = tpu.vector_load %arg13[%get3A_821, %get3A_822] {strides = array<i32>} : memref<40x128xf32, #tpu.memory_space<vmem>>, vector<1x16xf32>,
        %get3A_824 = vector.shape_cast %get3A_823 : vector<1x16xf32> to vector<16xf32>
        %mul3A_825 = arith.mulf %get3A_824, %get3A_816 : vector<16xf32>
        %mul3A_826 = arith.constant 2 : i32
        %mul3A_827 = arith.muli %mul3A_826, %scan3A_502 : i32
        %add3A_828 = arith.constant 0 : i32
        %add3A_829 = arith.addi %mul3A_827, %add3A_828 : i32
        %swap3A_830 = arith.index_cast %add3A_829 : i32 to index
        %swap3A_831 = arith.constant 112 : index
        %swap3A_832 = tpu.vector_load %arg13[%swap3A_830, %swap3A_831] {strides = array<i32>} : memref<40x128xf32, #tpu.memory_space<vmem>>, vector<1x16xf32>,
        %swap3A_833 = vector.shape_cast %swap3A_832 : vector<1x16xf32> to vector<16xf32>
        %swap3A_834 = vector.shape_cast %mul3A_825 : vector<16xf32> to vector<1x16xf32>
        tpu.vector_store %arg13[%swap3A_830, %swap3A_831], %swap3A_834 {strides = array<i32>} : memref<40x128xf32, #tpu.memory_space<vmem>>, vector<1x16xf32>,
        %mul3A_835 = arith.constant 2 : i32
        %mul3A_836 = arith.muli %mul3A_835, %scan3A_502 : i32
        %add3A_837 = arith.constant 0 : i32
        %add3A_838 = arith.addi %mul3A_836, %add3A_837 : i32
        %get3A_839 = arith.index_cast %add3A_838 : i32 to index
        %get3A_840 = arith.constant 112 : index
        %get3A_841 = tpu.vector_load %arg14[%get3A_839, %get3A_840] {strides = array<i32>} : memref<40x128xf32, #tpu.memory_space<vmem>>, vector<1x16xf32>,
        %get3A_842 = vector.shape_cast %get3A_841 : vector<1x16xf32> to vector<16xf32>
        %mul3A_843 = arith.mulf %get3A_842, %get3A_816 : vector<16xf32>
        %mul3A_844 = arith.constant 2 : i32
        %mul3A_845 = arith.muli %mul3A_844, %scan3A_502 : i32
        %add3A_846 = arith.constant 0 : i32
        %add3A_847 = arith.addi %mul3A_845, %add3A_846 : i32
        %swap3A_848 = arith.index_cast %add3A_847 : i32 to index
        %swap3A_849 = arith.constant 112 : index
        %swap3A_850 = tpu.vector_load %arg14[%swap3A_848, %swap3A_849] {strides = array<i32>} : memref<40x128xf32, #tpu.memory_space<vmem>>, vector<1x16xf32>,
        %swap3A_851 = vector.shape_cast %swap3A_850 : vector<1x16xf32> to vector<16xf32>
        %swap3A_852 = vector.shape_cast %mul3A_843 : vector<16xf32> to vector<1x16xf32>
        tpu.vector_store %arg14[%swap3A_848, %swap3A_849], %swap3A_852 {strides = array<i32>} : memref<40x128xf32, #tpu.memory_space<vmem>>, vector<1x16xf32>,
        %mul3A_853 = arith.constant 2 : i32
        %mul3A_854 = arith.muli %mul3A_853, %scan3A_502 : i32
        %add3A_855 = arith.constant 1 : i32
        %add3A_856 = arith.addi %mul3A_854, %add3A_855 : i32
        %get3A_857 = arith.index_cast %add3A_856 : i32 to index
        %get3A_858 = arith.constant 0 : index
        %get3A_859 = tpu.vector_load %arg15[%get3A_857, %get3A_858] {strides = array<i32>} : memref<40x128xf32, #tpu.memory_space<vmem>>, vector<1x16xf32>,
        %get3A_860 = vector.shape_cast %get3A_859 : vector<1x16xf32> to vector<16xf32>
        %mul3A_861 = arith.constant 2 : i32
        %mul3A_862 = arith.muli %mul3A_861, %scan3A_502 : i32
        %add3A_863 = arith.constant 1 : i32
        %add3A_864 = arith.addi %mul3A_862, %add3A_863 : i32
        %get3A_865 = arith.index_cast %add3A_864 : i32 to index
        %get3A_866 = arith.constant 0 : index
        %get3A_867 = tpu.vector_load %arg13[%get3A_865, %get3A_866] {strides = array<i32>} : memref<40x128xf32, #tpu.memory_space<vmem>>, vector<1x16xf32>,
        %get3A_868 = vector.shape_cast %get3A_867 : vector<1x16xf32> to vector<16xf32>
        %mul3A_869 = arith.mulf %get3A_868, %get3A_860 : vector<16xf32>
        %mul3A_870 = arith.constant 2 : i32
        %mul3A_871 = arith.muli %mul3A_870, %scan3A_502 : i32
        %add3A_872 = arith.constant 1 : i32
        %add3A_873 = arith.addi %mul3A_871, %add3A_872 : i32
        %swap3A_874 = arith.index_cast %add3A_873 : i32 to index
        %swap3A_875 = arith.constant 0 : index
        %swap3A_876 = tpu.vector_load %arg13[%swap3A_874, %swap3A_875] {strides = array<i32>} : memref<40x128xf32, #tpu.memory_space<vmem>>, vector<1x16xf32>,
        %swap3A_877 = vector.shape_cast %swap3A_876 : vector<1x16xf32> to vector<16xf32>
        %swap3A_878 = vector.shape_cast %mul3A_869 : vector<16xf32> to vector<1x16xf32>
        tpu.vector_store %arg13[%swap3A_874, %swap3A_875], %swap3A_878 {strides = array<i32>} : memref<40x128xf32, #tpu.memory_space<vmem>>, vector<1x16xf32>,
        %mul3A_879 = arith.constant 2 : i32
        %mul3A_880 = arith.muli %mul3A_879, %scan3A_502 : i32
        %add3A_881 = arith.constant 1 : i32
        %add3A_882 = arith.addi %mul3A_880, %add3A_881 : i32
        %get3A_883 = arith.index_cast %add3A_882 : i32 to index
        %get3A_884 = arith.constant 0 : index
        %get3A_885 = tpu.vector_load %arg14[%get3A_883, %get3A_884] {strides = array<i32>} : memref<40x128xf32, #tpu.memory_space<vmem>>, vector<1x16xf32>,
        %get3A_886 = vector.shape_cast %get3A_885 : vector<1x16xf32> to vector<16xf32>
        %mul3A_887 = arith.mulf %get3A_886, %get3A_860 : vector<16xf32>
        %mul3A_888 = arith.constant 2 : i32
        %mul3A_889 = arith.muli %mul3A_888, %scan3A_502 : i32
        %add3A_890 = arith.constant 1 : i32
        %add3A_891 = arith.addi %mul3A_889, %add3A_890 : i32
        %swap3A_892 = arith.index_cast %add3A_891 : i32 to index
        %swap3A_893 = arith.constant 0 : index
        %swap3A_894 = tpu.vector_load %arg14[%swap3A_892, %swap3A_893] {strides = array<i32>} : memref<40x128xf32, #tpu.memory_space<vmem>>, vector<1x16xf32>,
        %swap3A_895 = vector.shape_cast %swap3A_894 : vector<1x16xf32> to vector<16xf32>
        %swap3A_896 = vector.shape_cast %mul3A_887 : vector<16xf32> to vector<1x16xf32>
        tpu.vector_store %arg14[%swap3A_892, %swap3A_893], %swap3A_896 {strides = array<i32>} : memref<40x128xf32, #tpu.memory_space<vmem>>, vector<1x16xf32>,
        %mul3A_897 = arith.constant 2 : i32
        %mul3A_898 = arith.muli %mul3A_897, %scan3A_502 : i32
        %add3A_899 = arith.constant 1 : i32
        %add3A_900 = arith.addi %mul3A_898, %add3A_899 : i32
        %get3A_901 = arith.index_cast %add3A_900 : i32 to index
        %get3A_902 = arith.constant 16 : index
        %get3A_903 = tpu.vector_load %arg15[%get3A_901, %get3A_902] {strides = array<i32>} : memref<40x128xf32, #tpu.memory_space<vmem>>, vector<1x16xf32>,
        %get3A_904 = vector.shape_cast %get3A_903 : vector<1x16xf32> to vector<16xf32>
        %mul3A_905 = arith.constant 2 : i32
        %mul3A_906 = arith.muli %mul3A_905, %scan3A_502 : i32
        %add3A_907 = arith.constant 1 : i32
        %add3A_908 = arith.addi %mul3A_906, %add3A_907 : i32
        %get3A_909 = arith.index_cast %add3A_908 : i32 to index
        %get3A_910 = arith.constant 16 : index
        %get3A_911 = tpu.vector_load %arg13[%get3A_909, %get3A_910] {strides = array<i32>} : memref<40x128xf32, #tpu.memory_space<vmem>>, vector<1x16xf32>,
        %get3A_912 = vector.shape_cast %get3A_911 : vector<1x16xf32> to vector<16xf32>
        %mul3A_913 = arith.mulf %get3A_912, %get3A_904 : vector<16xf32>
        %mul3A_914 = arith.constant 2 : i32
        %mul3A_915 = arith.muli %mul3A_914, %scan3A_502 : i32
        %add3A_916 = arith.constant 1 : i32
        %add3A_917 = arith.addi %mul3A_915, %add3A_916 : i32
        %swap3A_918 = arith.index_cast %add3A_917 : i32 to index
        %swap3A_919 = arith.constant 16 : index
        %swap3A_920 = tpu.vector_load %arg13[%swap3A_918, %swap3A_919] {strides = array<i32>} : memref<40x128xf32, #tpu.memory_space<vmem>>, vector<1x16xf32>,
        %swap3A_921 = vector.shape_cast %swap3A_920 : vector<1x16xf32> to vector<16xf32>
        %swap3A_922 = vector.shape_cast %mul3A_913 : vector<16xf32> to vector<1x16xf32>
        tpu.vector_store %arg13[%swap3A_918, %swap3A_919], %swap3A_922 {strides = array<i32>} : memref<40x128xf32, #tpu.memory_space<vmem>>, vector<1x16xf32>,
        %mul3A_923 = arith.constant 2 : i32
        %mul3A_924 = arith.muli %mul3A_923, %scan3A_502 : i32
        %add3A_925 = arith.constant 1 : i32
        %add3A_926 = arith.addi %mul3A_924, %add3A_925 : i32
        %get3A_927 = arith.index_cast %add3A_926 : i32 to index
        %get3A_928 = arith.constant 16 : index
        %get3A_929 = tpu.vector_load %arg14[%get3A_927, %get3A_928] {strides = array<i32>} : memref<40x128xf32, #tpu.memory_space<vmem>>, vector<1x16xf32>,
        %get3A_930 = vector.shape_cast %get3A_929 : vector<1x16xf32> to vector<16xf32>
        %mul3A_931 = arith.mulf %get3A_930, %get3A_904 : vector<16xf32>
        %mul3A_932 = arith.constant 2 : i32
        %mul3A_933 = arith.muli %mul3A_932, %scan3A_502 : i32
        %add3A_934 = arith.constant 1 : i32
        %add3A_935 = arith.addi %mul3A_933, %add3A_934 : i32
        %swap3A_936 = arith.index_cast %add3A_935 : i32 to index
        %swap3A_937 = arith.constant 16 : index
        %swap3A_938 = tpu.vector_load %arg14[%swap3A_936, %swap3A_937] {strides = array<i32>} : memref<40x128xf32, #tpu.memory_space<vmem>>, vector<1x16xf32>,
        %swap3A_939 = vector.shape_cast %swap3A_938 : vector<1x16xf32> to vector<16xf32>
        %swap3A_940 = vector.shape_cast %mul3A_931 : vector<16xf32> to vector<1x16xf32>
        tpu.vector_store %arg14[%swap3A_936, %swap3A_937], %swap3A_940 {strides = array<i32>} : memref<40x128xf32, #tpu.memory_space<vmem>>, vector<1x16xf32>,
        %mul3A_941 = arith.constant 2 : i32
        %mul3A_942 = arith.muli %mul3A_941, %scan3A_502 : i32
        %add3A_943 = arith.constant 1 : i32
        %add3A_944 = arith.addi %mul3A_942, %add3A_943 : i32
        %get3A_945 = arith.index_cast %add3A_944 : i32 to index
        %get3A_946 = arith.constant 32 : index
        %get3A_947 = tpu.vector_load %arg15[%get3A_945, %get3A_946] {strides = array<i32>} : memref<40x128xf32, #tpu.memory_space<vmem>>, vector<1x16xf32>,
        %get3A_948 = vector.shape_cast %get3A_947 : vector<1x16xf32> to vector<16xf32>
        %mul3A_949 = arith.constant 2 : i32
        %mul3A_950 = arith.muli %mul3A_949, %scan3A_502 : i32
        %add3A_951 = arith.constant 1 : i32
        %add3A_952 = arith.addi %mul3A_950, %add3A_951 : i32
        %get3A_953 = arith.index_cast %add3A_952 : i32 to index
        %get3A_954 = arith.constant 32 : index
        %get3A_955 = tpu.vector_load %arg13[%get3A_953, %get3A_954] {strides = array<i32>} : memref<40x128xf32, #tpu.memory_space<vmem>>, vector<1x16xf32>,
        %get3A_956 = vector.shape_cast %get3A_955 : vector<1x16xf32> to vector<16xf32>
        %mul3A_957 = arith.mulf %get3A_956, %get3A_948 : vector<16xf32>
        %mul3A_958 = arith.constant 2 : i32
        %mul3A_959 = arith.muli %mul3A_958, %scan3A_502 : i32
        %add3A_960 = arith.constant 1 : i32
        %add3A_961 = arith.addi %mul3A_959, %add3A_960 : i32
        %swap3A_962 = arith.index_cast %add3A_961 : i32 to index
        %swap3A_963 = arith.constant 32 : index
        %swap3A_964 = tpu.vector_load %arg13[%swap3A_962, %swap3A_963] {strides = array<i32>} : memref<40x128xf32, #tpu.memory_space<vmem>>, vector<1x16xf32>,
        %swap3A_965 = vector.shape_cast %swap3A_964 : vector<1x16xf32> to vector<16xf32>
        %swap3A_966 = vector.shape_cast %mul3A_957 : vector<16xf32> to vector<1x16xf32>
        tpu.vector_store %arg13[%swap3A_962, %swap3A_963], %swap3A_966 {strides = array<i32>} : memref<40x128xf32, #tpu.memory_space<vmem>>, vector<1x16xf32>,
        %mul3A_967 = arith.constant 2 : i32
        %mul3A_968 = arith.muli %mul3A_967, %scan3A_502 : i32
        %add3A_969 = arith.constant 1 : i32
        %add3A_970 = arith.addi %mul3A_968, %add3A_969 : i32
        %get3A_971 = arith.index_cast %add3A_970 : i32 to index
        %get3A_972 = arith.constant 32 : index
        %get3A_973 = tpu.vector_load %arg14[%get3A_971, %get3A_972] {strides = array<i32>} : memref<40x128xf32, #tpu.memory_space<vmem>>, vector<1x16xf32>,
        %get3A_974 = vector.shape_cast %get3A_973 : vector<1x16xf32> to vector<16xf32>
        %mul3A_975 = arith.mulf %get3A_974, %get3A_948 : vector<16xf32>
        %mul3A_976 = arith.constant 2 : i32
        %mul3A_977 = arith.muli %mul3A_976, %scan3A_502 : i32
        %add3A_978 = arith.constant 1 : i32
        %add3A_979 = arith.addi %mul3A_977, %add3A_978 : i32
        %swap3A_980 = arith.index_cast %add3A_979 : i32 to index
        %swap3A_981 = arith.constant 32 : index
        %swap3A_982 = tpu.vector_load %arg14[%swap3A_980, %swap3A_981] {strides = array<i32>} : memref<40x128xf32, #tpu.memory_space<vmem>>, vector<1x16xf32>,
        %swap3A_983 = vector.shape_cast %swap3A_982 : vector<1x16xf32> to vector<16xf32>
        %swap3A_984 = vector.shape_cast %mul3A_975 : vector<16xf32> to vector<1x16xf32>
        tpu.vector_store %arg14[%swap3A_980, %swap3A_981], %swap3A_984 {strides = array<i32>} : memref<40x128xf32, #tpu.memory_space<vmem>>, vector<1x16xf32>,
        %mul3A_985 = arith.constant 2 : i32
        %mul3A_986 = arith.muli %mul3A_985, %scan3A_502 : i32
        %add3A_987 = arith.constant 1 : i32
        %add3A_988 = arith.addi %mul3A_986, %add3A_987 : i32
        %get3A_989 = arith.index_cast %add3A_988 : i32 to index
        %get3A_990 = arith.constant 48 : index
        %get3A_991 = tpu.vector_load %arg15[%get3A_989, %get3A_990] {strides = array<i32>} : memref<40x128xf32, #tpu.memory_space<vmem>>, vector<1x16xf32>,
        %get3A_992 = vector.shape_cast %get3A_991 : vector<1x16xf32> to vector<16xf32>
        %mul3A_993 = arith.constant 2 : i32
        %mul3A_994 = arith.muli %mul3A_993, %scan3A_502 : i32
        %add3A_995 = arith.constant 1 : i32
        %add3A_996 = arith.addi %mul3A_994, %add3A_995 : i32
        %get3A_997 = arith.index_cast %add3A_996 : i32 to index
        %get3A_998 = arith.constant 48 : index
        %get3A_999 = tpu.vector_load %arg13[%get3A_997, %get3A_998] {strides = array<i32>} : memref<40x128xf32, #tpu.memory_space<vmem>>, vector<1x16xf32>,
        %get3A_1000 = vector.shape_cast %get3A_999 : vector<1x16xf32> to vector<16xf32>
        %mul3A_1001 = arith.mulf %get3A_1000, %get3A_992 : vector<16xf32>
        %mul3A_1002 = arith.constant 2 : i32
        %mul3A_1003 = arith.muli %mul3A_1002, %scan3A_502 : i32
        %add3A_1004 = arith.constant 1 : i32
        %add3A_1005 = arith.addi %mul3A_1003, %add3A_1004 : i32
        %swap3A_1006 = arith.index_cast %add3A_1005 : i32 to index
        %swap3A_1007 = arith.constant 48 : index
        %swap3A_1008 = tpu.vector_load %arg13[%swap3A_1006, %swap3A_1007] {strides = array<i32>} : memref<40x128xf32, #tpu.memory_space<vmem>>, vector<1x16xf32>,
        %swap3A_1009 = vector.shape_cast %swap3A_1008 : vector<1x16xf32> to vector<16xf32>
        %swap3A_1010 = vector.shape_cast %mul3A_1001 : vector<16xf32> to vector<1x16xf32>
        tpu.vector_store %arg13[%swap3A_1006, %swap3A_1007], %swap3A_1010 {strides = array<i32>} : memref<40x128xf32, #tpu.memory_space<vmem>>, vector<1x16xf32>,
        %mul3A_1011 = arith.constant 2 : i32
        %mul3A_1012 = arith.muli %mul3A_1011, %scan3A_502 : i32
        %add3A_1013 = arith.constant 1 : i32
        %add3A_1014 = arith.addi %mul3A_1012, %add3A_1013 : i32
        %get3A_1015 = arith.index_cast %add3A_1014 : i32 to index
        %get3A_1016 = arith.constant 48 : index
        %get3A_1017 = tpu.vector_load %arg14[%get3A_1015, %get3A_1016] {strides = array<i32>} : memref<40x128xf32, #tpu.memory_space<vmem>>, vector<1x16xf32>,
        %get3A_1018 = vector.shape_cast %get3A_1017 : vector<1x16xf32> to vector<16xf32>
        %mul3A_1019 = arith.mulf %get3A_1018, %get3A_992 : vector<16xf32>
        %mul3A_1020 = arith.constant 2 : i32
        %mul3A_1021 = arith.muli %mul3A_1020, %scan3A_502 : i32
        %add3A_1022 = arith.constant 1 : i32
        %add3A_1023 = arith.addi %mul3A_1021, %add3A_1022 : i32
        %swap3A_1024 = arith.index_cast %add3A_1023 : i32 to index
        %swap3A_1025 = arith.constant 48 : index
        %swap3A_1026 = tpu.vector_load %arg14[%swap3A_1024, %swap3A_1025] {strides = array<i32>} : memref<40x128xf32, #tpu.memory_space<vmem>>, vector<1x16xf32>,
        %swap3A_1027 = vector.shape_cast %swap3A_1026 : vector<1x16xf32> to vector<16xf32>
        %swap3A_1028 = vector.shape_cast %mul3A_1019 : vector<16xf32> to vector<1x16xf32>
        tpu.vector_store %arg14[%swap3A_1024, %swap3A_1025], %swap3A_1028 {strides = array<i32>} : memref<40x128xf32, #tpu.memory_space<vmem>>, vector<1x16xf32>,
        %mul3A_1029 = arith.constant 2 : i32
        %mul3A_1030 = arith.muli %mul3A_1029, %scan3A_502 : i32
        %add3A_1031 = arith.constant 1 : i32
        %add3A_1032 = arith.addi %mul3A_1030, %add3A_1031 : i32
        %get3A_1033 = arith.index_cast %add3A_1032 : i32 to index
        %get3A_1034 = arith.constant 64 : index
        %get3A_1035 = tpu.vector_load %arg15[%get3A_1033, %get3A_1034] {strides = array<i32>} : memref<40x128xf32, #tpu.memory_space<vmem>>, vector<1x16xf32>,
        %get3A_1036 = vector.shape_cast %get3A_1035 : vector<1x16xf32> to vector<16xf32>
        %mul3A_1037 = arith.constant 2 : i32
        %mul3A_1038 = arith.muli %mul3A_1037, %scan3A_502 : i32
        %add3A_1039 = arith.constant 1 : i32
        %add3A_1040 = arith.addi %mul3A_1038, %add3A_1039 : i32
        %get3A_1041 = arith.index_cast %add3A_1040 : i32 to index
        %get3A_1042 = arith.constant 64 : index
        %get3A_1043 = tpu.vector_load %arg13[%get3A_1041, %get3A_1042] {strides = array<i32>} : memref<40x128xf32, #tpu.memory_space<vmem>>, vector<1x16xf32>,
        %get3A_1044 = vector.shape_cast %get3A_1043 : vector<1x16xf32> to vector<16xf32>
        %mul3A_1045 = arith.mulf %get3A_1044, %get3A_1036 : vector<16xf32>
        %mul3A_1046 = arith.constant 2 : i32
        %mul3A_1047 = arith.muli %mul3A_1046, %scan3A_502 : i32
        %add3A_1048 = arith.constant 1 : i32
        %add3A_1049 = arith.addi %mul3A_1047, %add3A_1048 : i32
        %swap3A_1050 = arith.index_cast %add3A_1049 : i32 to index
        %swap3A_1051 = arith.constant 64 : index
        %swap3A_1052 = tpu.vector_load %arg13[%swap3A_1050, %swap3A_1051] {strides = array<i32>} : memref<40x128xf32, #tpu.memory_space<vmem>>, vector<1x16xf32>,
        %swap3A_1053 = vector.shape_cast %swap3A_1052 : vector<1x16xf32> to vector<16xf32>
        %swap3A_1054 = vector.shape_cast %mul3A_1045 : vector<16xf32> to vector<1x16xf32>
        tpu.vector_store %arg13[%swap3A_1050, %swap3A_1051], %swap3A_1054 {strides = array<i32>} : memref<40x128xf32, #tpu.memory_space<vmem>>, vector<1x16xf32>,
        %mul3A_1055 = arith.constant 2 : i32
        %mul3A_1056 = arith.muli %mul3A_1055, %scan3A_502 : i32
        %add3A_1057 = arith.constant 1 : i32
        %add3A_1058 = arith.addi %mul3A_1056, %add3A_1057 : i32
        %get3A_1059 = arith.index_cast %add3A_1058 : i32 to index
        %get3A_1060 = arith.constant 64 : index
        %get3A_1061 = tpu.vector_load %arg14[%get3A_1059, %get3A_1060] {strides = array<i32>} : memref<40x128xf32, #tpu.memory_space<vmem>>, vector<1x16xf32>,
        %get3A_1062 = vector.shape_cast %get3A_1061 : vector<1x16xf32> to vector<16xf32>
        %mul3A_1063 = arith.mulf %get3A_1062, %get3A_1036 : vector<16xf32>
        %mul3A_1064 = arith.constant 2 : i32
        %mul3A_1065 = arith.muli %mul3A_1064, %scan3A_502 : i32
        %add3A_1066 = arith.constant 1 : i32
        %add3A_1067 = arith.addi %mul3A_1065, %add3A_1066 : i32
        %swap3A_1068 = arith.index_cast %add3A_1067 : i32 to index
        %swap3A_1069 = arith.constant 64 : index
        %swap3A_1070 = tpu.vector_load %arg14[%swap3A_1068, %swap3A_1069] {strides = array<i32>} : memref<40x128xf32, #tpu.memory_space<vmem>>, vector<1x16xf32>,
        %swap3A_1071 = vector.shape_cast %swap3A_1070 : vector<1x16xf32> to vector<16xf32>
        %swap3A_1072 = vector.shape_cast %mul3A_1063 : vector<16xf32> to vector<1x16xf32>
        tpu.vector_store %arg14[%swap3A_1068, %swap3A_1069], %swap3A_1072 {strides = array<i32>} : memref<40x128xf32, #tpu.memory_space<vmem>>, vector<1x16xf32>,
        %mul3A_1073 = arith.constant 2 : i32
        %mul3A_1074 = arith.muli %mul3A_1073, %scan3A_502 : i32
        %add3A_1075 = arith.constant 1 : i32
        %add3A_1076 = arith.addi %mul3A_1074, %add3A_1075 : i32
        %get3A_1077 = arith.index_cast %add3A_1076 : i32 to index
        %get3A_1078 = arith.constant 80 : index
        %get3A_1079 = tpu.vector_load %arg15[%get3A_1077, %get3A_1078] {strides = array<i32>} : memref<40x128xf32, #tpu.memory_space<vmem>>, vector<1x16xf32>,
        %get3A_1080 = vector.shape_cast %get3A_1079 : vector<1x16xf32> to vector<16xf32>
        %mul3A_1081 = arith.constant 2 : i32
        %mul3A_1082 = arith.muli %mul3A_1081, %scan3A_502 : i32
        %add3A_1083 = arith.constant 1 : i32
        %add3A_1084 = arith.addi %mul3A_1082, %add3A_1083 : i32
        %get3A_1085 = arith.index_cast %add3A_1084 : i32 to index
        %get3A_1086 = arith.constant 80 : index
        %get3A_1087 = tpu.vector_load %arg13[%get3A_1085, %get3A_1086] {strides = array<i32>} : memref<40x128xf32, #tpu.memory_space<vmem>>, vector<1x16xf32>,
        %get3A_1088 = vector.shape_cast %get3A_1087 : vector<1x16xf32> to vector<16xf32>
        %mul3A_1089 = arith.mulf %get3A_1088, %get3A_1080 : vector<16xf32>
        %mul3A_1090 = arith.constant 2 : i32
        %mul3A_1091 = arith.muli %mul3A_1090, %scan3A_502 : i32
        %add3A_1092 = arith.constant 1 : i32
        %add3A_1093 = arith.addi %mul3A_1091, %add3A_1092 : i32
        %swap3A_1094 = arith.index_cast %add3A_1093 : i32 to index
        %swap3A_1095 = arith.constant 80 : index
        %swap3A_1096 = tpu.vector_load %arg13[%swap3A_1094, %swap3A_1095] {strides = array<i32>} : memref<40x128xf32, #tpu.memory_space<vmem>>, vector<1x16xf32>,
        %swap3A_1097 = vector.shape_cast %swap3A_1096 : vector<1x16xf32> to vector<16xf32>
        %swap3A_1098 = vector.shape_cast %mul3A_1089 : vector<16xf32> to vector<1x16xf32>
        tpu.vector_store %arg13[%swap3A_1094, %swap3A_1095], %swap3A_1098 {strides = array<i32>} : memref<40x128xf32, #tpu.memory_space<vmem>>, vector<1x16xf32>,
        %mul3A_1099 = arith.constant 2 : i32
        %mul3A_1100 = arith.muli %mul3A_1099, %scan3A_502 : i32
        %add3A_1101 = arith.constant 1 : i32
        %add3A_1102 = arith.addi %mul3A_1100, %add3A_1101 : i32
        %get3A_1103 = arith.index_cast %add3A_1102 : i32 to index
        %get3A_1104 = arith.constant 80 : index
        %get3A_1105 = tpu.vector_load %arg14[%get3A_1103, %get3A_1104] {strides = array<i32>} : memref<40x128xf32, #tpu.memory_space<vmem>>, vector<1x16xf32>,
        %get3A_1106 = vector.shape_cast %get3A_1105 : vector<1x16xf32> to vector<16xf32>
        %mul3A_1107 = arith.mulf %get3A_1106, %get3A_1080 : vector<16xf32>
        %mul3A_1108 = arith.constant 2 : i32
        %mul3A_1109 = arith.muli %mul3A_1108, %scan3A_502 : i32
        %add3A_1110 = arith.constant 1 : i32
        %add3A_1111 = arith.addi %mul3A_1109, %add3A_1110 : i32
        %swap3A_1112 = arith.index_cast %add3A_1111 : i32 to index
        %swap3A_1113 = arith.constant 80 : index
        %swap3A_1114 = tpu.vector_load %arg14[%swap3A_1112, %swap3A_1113] {strides = array<i32>} : memref<40x128xf32, #tpu.memory_space<vmem>>, vector<1x16xf32>,
        %swap3A_1115 = vector.shape_cast %swap3A_1114 : vector<1x16xf32> to vector<16xf32>
        %swap3A_1116 = vector.shape_cast %mul3A_1107 : vector<16xf32> to vector<1x16xf32>
        tpu.vector_store %arg14[%swap3A_1112, %swap3A_1113], %swap3A_1116 {strides = array<i32>} : memref<40x128xf32, #tpu.memory_space<vmem>>, vector<1x16xf32>,
        %mul3A_1117 = arith.constant 2 : i32
        %mul3A_1118 = arith.muli %mul3A_1117, %scan3A_502 : i32
        %add3A_1119 = arith.constant 1 : i32
        %add3A_1120 = arith.addi %mul3A_1118, %add3A_1119 : i32
        %get3A_1121 = arith.index_cast %add3A_1120 : i32 to index
        %get3A_1122 = arith.constant 96 : index
        %get3A_1123 = tpu.vector_load %arg15[%get3A_1121, %get3A_1122] {strides = array<i32>} : memref<40x128xf32, #tpu.memory_space<vmem>>, vector<1x16xf32>,
        %get3A_1124 = vector.shape_cast %get3A_1123 : vector<1x16xf32> to vector<16xf32>
        %mul3A_1125 = arith.constant 2 : i32
        %mul3A_1126 = arith.muli %mul3A_1125, %scan3A_502 : i32
        %add3A_1127 = arith.constant 1 : i32
        %add3A_1128 = arith.addi %mul3A_1126, %add3A_1127 : i32
        %get3A_1129 = arith.index_cast %add3A_1128 : i32 to index
        %get3A_1130 = arith.constant 96 : index
        %get3A_1131 = tpu.vector_load %arg13[%get3A_1129, %get3A_1130] {strides = array<i32>} : memref<40x128xf32, #tpu.memory_space<vmem>>, vector<1x16xf32>,
        %get3A_1132 = vector.shape_cast %get3A_1131 : vector<1x16xf32> to vector<16xf32>
        %mul3A_1133 = arith.mulf %get3A_1132, %get3A_1124 : vector<16xf32>
        %mul3A_1134 = arith.constant 2 : i32
        %mul3A_1135 = arith.muli %mul3A_1134, %scan3A_502 : i32
        %add3A_1136 = arith.constant 1 : i32
        %add3A_1137 = arith.addi %mul3A_1135, %add3A_1136 : i32
        %swap3A_1138 = arith.index_cast %add3A_1137 : i32 to index
        %swap3A_1139 = arith.constant 96 : index
        %swap3A_1140 = tpu.vector_load %arg13[%swap3A_1138, %swap3A_1139] {strides = array<i32>} : memref<40x128xf32, #tpu.memory_space<vmem>>, vector<1x16xf32>,
        %swap3A_1141 = vector.shape_cast %swap3A_1140 : vector<1x16xf32> to vector<16xf32>
        %swap3A_1142 = vector.shape_cast %mul3A_1133 : vector<16xf32> to vector<1x16xf32>
        tpu.vector_store %arg13[%swap3A_1138, %swap3A_1139], %swap3A_1142 {strides = array<i32>} : memref<40x128xf32, #tpu.memory_space<vmem>>, vector<1x16xf32>,
        %mul3A_1143 = arith.constant 2 : i32
        %mul3A_1144 = arith.muli %mul3A_1143, %scan3A_502 : i32
        %add3A_1145 = arith.constant 1 : i32
        %add3A_1146 = arith.addi %mul3A_1144, %add3A_1145 : i32
        %get3A_1147 = arith.index_cast %add3A_1146 : i32 to index
        %get3A_1148 = arith.constant 96 : index
        %get3A_1149 = tpu.vector_load %arg14[%get3A_1147, %get3A_1148] {strides = array<i32>} : memref<40x128xf32, #tpu.memory_space<vmem>>, vector<1x16xf32>,
        %get3A_1150 = vector.shape_cast %get3A_1149 : vector<1x16xf32> to vector<16xf32>
        %mul3A_1151 = arith.mulf %get3A_1150, %get3A_1124 : vector<16xf32>
        %mul3A_1152 = arith.constant 2 : i32
        %mul3A_1153 = arith.muli %mul3A_1152, %scan3A_502 : i32
        %add3A_1154 = arith.constant 1 : i32
        %add3A_1155 = arith.addi %mul3A_1153, %add3A_1154 : i32
        %swap3A_1156 = arith.index_cast %add3A_1155 : i32 to index
        %swap3A_1157 = arith.constant 96 : index
        %swap3A_1158 = tpu.vector_load %arg14[%swap3A_1156, %swap3A_1157] {strides = array<i32>} : memref<40x128xf32, #tpu.memory_space<vmem>>, vector<1x16xf32>,
        %swap3A_1159 = vector.shape_cast %swap3A_1158 : vector<1x16xf32> to vector<16xf32>
        %swap3A_1160 = vector.shape_cast %mul3A_1151 : vector<16xf32> to vector<1x16xf32>
        tpu.vector_store %arg14[%swap3A_1156, %swap3A_1157], %swap3A_1160 {strides = array<i32>} : memref<40x128xf32, #tpu.memory_space<vmem>>, vector<1x16xf32>,
        %mul3A_1161 = arith.constant 2 : i32
        %mul3A_1162 = arith.muli %mul3A_1161, %scan3A_502 : i32
        %add3A_1163 = arith.constant 1 : i32
        %add3A_1164 = arith.addi %mul3A_1162, %add3A_1163 : i32
        %get3A_1165 = arith.index_cast %add3A_1164 : i32 to index
        %get3A_1166 = arith.constant 112 : index
        %get3A_1167 = tpu.vector_load %arg15[%get3A_1165, %get3A_1166] {strides = array<i32>} : memref<40x128xf32, #tpu.memory_space<vmem>>, vector<1x16xf32>,
        %get3A_1168 = vector.shape_cast %get3A_1167 : vector<1x16xf32> to vector<16xf32>
        %mul3A_1169 = arith.constant 2 : i32
        %mul3A_1170 = arith.muli %mul3A_1169, %scan3A_502 : i32
        %add3A_1171 = arith.constant 1 : i32
        %add3A_1172 = arith.addi %mul3A_1170, %add3A_1171 : i32
        %get3A_1173 = arith.index_cast %add3A_1172 : i32 to index
        %get3A_1174 = arith.constant 112 : index
        %get3A_1175 = tpu.vector_load %arg13[%get3A_1173, %get3A_1174] {strides = array<i32>} : memref<40x128xf32, #tpu.memory_space<vmem>>, vector<1x16xf32>,
        %get3A_1176 = vector.shape_cast %get3A_1175 : vector<1x16xf32> to vector<16xf32>
        %mul3A_1177 = arith.mulf %get3A_1176, %get3A_1168 : vector<16xf32>
        %mul3A_1178 = arith.constant 2 : i32
        %mul3A_1179 = arith.muli %mul3A_1178, %scan3A_502 : i32
        %add3A_1180 = arith.constant 1 : i32
        %add3A_1181 = arith.addi %mul3A_1179, %add3A_1180 : i32
        %swap3A_1182 = arith.index_cast %add3A_1181 : i32 to index
        %swap3A_1183 = arith.constant 112 : index
        %swap3A_1184 = tpu.vector_load %arg13[%swap3A_1182, %swap3A_1183] {strides = array<i32>} : memref<40x128xf32, #tpu.memory_space<vmem>>, vector<1x16xf32>,
        %swap3A_1185 = vector.shape_cast %swap3A_1184 : vector<1x16xf32> to vector<16xf32>
        %swap3A_1186 = vector.shape_cast %mul3A_1177 : vector<16xf32> to vector<1x16xf32>
        tpu.vector_store %arg13[%swap3A_1182, %swap3A_1183], %swap3A_1186 {strides = array<i32>} : memref<40x128xf32, #tpu.memory_space<vmem>>, vector<1x16xf32>,
        %mul3A_1187 = arith.constant 2 : i32
        %mul3A_1188 = arith.muli %mul3A_1187, %scan3A_502 : i32
        %add3A_1189 = arith.constant 1 : i32
        %add3A_1190 = arith.addi %mul3A_1188, %add3A_1189 : i32
        %get3A_1191 = arith.index_cast %add3A_1190 : i32 to index
        %get3A_1192 = arith.constant 112 : index
        %get3A_1193 = tpu.vector_load %arg14[%get3A_1191, %get3A_1192] {strides = array<i32>} : memref<40x128xf32, #tpu.memory_space<vmem>>, vector<1x16xf32>,
        %get3A_1194 = vector.shape_cast %get3A_1193 : vector<1x16xf32> to vector<16xf32>
        %mul3A_1195 = arith.mulf %get3A_1194, %get3A_1168 : vector<16xf32>
        %mul3A_1196 = arith.constant 2 : i32
        %mul3A_1197 = arith.muli %mul3A_1196, %scan3A_502 : i32
        %add3A_1198 = arith.constant 1 : i32
        %add3A_1199 = arith.addi %mul3A_1197, %add3A_1198 : i32
        %swap3A_1200 = arith.index_cast %add3A_1199 : i32 to index
        %swap3A_1201 = arith.constant 112 : index
        %swap3A_1202 = tpu.vector_load %arg14[%swap3A_1200, %swap3A_1201] {strides = array<i32>} : memref<40x128xf32, #tpu.memory_space<vmem>>, vector<1x16xf32>,
        %swap3A_1203 = vector.shape_cast %swap3A_1202 : vector<1x16xf32> to vector<16xf32>
        %swap3A_1204 = vector.shape_cast %mul3A_1195 : vector<16xf32> to vector<1x16xf32>
        tpu.vector_store %arg14[%swap3A_1200, %swap3A_1201], %swap3A_1204 {strides = array<i32>} : memref<40x128xf32, #tpu.memory_space<vmem>>, vector<1x16xf32>,
      }
      %scan3A_413 = arith.constant 20 : i32
      %rem3A_414 = arith.constant 10 : i32
      %rem3A_415 = arith.remsi %add3A_407, %rem3A_414 : i32
      %mul3A_416 = arith.constant 40 : i32
      %mul3A_417 = arith.muli %rem3A_415, %mul3A_416 : i32
      %jit3A_418 = arith.constant 10 : i32
      %div3A_419 = arith.divsi %add3A_407, %jit3A_418 : i32
      %sign3A_420 = arith.constant 0 : i32
      %sign3A_421 = arith.cmpi sgt, %add3A_407, %sign3A_420 : i32
      %sign3A_422 = arith.extui %sign3A_421 : i1 to i32
      %sign3A_423 = arith.constant 0 : i32
      %sign3A_424 = arith.cmpi slt, %add3A_407, %sign3A_423 : i32
      %sign3A_425 = arith.extui %sign3A_424 : i1 to i32
      %sign3A_426 = arith.subi %sign3A_422, %sign3A_425 : i32
      %sign3A_427 = arith.constant 0 : i32
      %sign3A_428 = arith.cmpi sgt, %jit3A_418, %sign3A_427 : i32
      %sign3A_429 = arith.extui %sign3A_428 : i1 to i32
      %sign3A_430 = arith.constant 0 : i32
      %sign3A_431 = arith.cmpi slt, %jit3A_418, %sign3A_430 : i32
      %sign3A_432 = arith.extui %sign3A_431 : i1 to i32
      %sign3A_433 = arith.subi %sign3A_429, %sign3A_432 : i32
      %ne3A_434 = arith.cmpi ne, %sign3A_426, %sign3A_433 : i32
      %rem3A_435 = arith.remsi %add3A_407, %jit3A_418 : i32
      %ne3A_436 = arith.constant 0 : i32
      %ne3A_437 = arith.cmpi ne, %rem3A_435, %ne3A_436 : i32
      %and3A_438 = arith.andi %ne3A_434, %ne3A_437 : i1
      %sub3A_439 = arith.constant 1 : i32
      %sub3A_440 = arith.subi %div3A_419, %sub3A_439 : i32
      %select_n3A_441 = arith.select %and3A_438, %sub3A_440, %div3A_419 : i32
      %rem3A_442 = arith.constant 2 : i32
      %rem3A_443 = arith.remsi %select_n3A_441, %rem3A_442 : i32
      %eq3A_444 = arith.constant 0 : i32
      %eq3A_445 = arith.cmpi eq, %rem3A_443, %eq3A_444 : i32
      %convert_element_type3A_446 = arith.extui %eq3A_445 : i1 to i32
      %cond3A_447 = arith.constant 0 : i32
      %cond3A_448 = arith.cmpi ne, %convert_element_type3A_446, %cond3A_447 : i32
      scf.if %cond3A_448 {
        %dma_start3A = tpu.memref_slice %arg19[%mul3A_417] : memref<400xi32, #tpu.memory_space<vmem>> -> memref<40xi32, #tpu.memory_space<vmem>>
        %dma_start3A_502 = arith.constant 0 : i32
        %dma_start3A_503 = arith.constant 0 : i32
        %dma_start3A_504 = tpu.memref_slice %arg7[%dma_start3A_502, %dma_start3A_503] : memref<10000x128xf32, #tpu.memory_space<vmem_shared>> -> memref<10000x128xf32, #tpu.memory_space<vmem_shared>>
        tpu.enqueue_indirect_dma source(%arg13 : memref<40x128xf32, #tpu.memory_space<vmem>>) target(%dma_start3A_504 : memref<10000x128xf32, #tpu.memory_space<vmem_shared>>) offsets(%dma_start3A : memref<40xi32, #tpu.memory_space<vmem>>) semaphore(%arg17 : memref<!tpu.dma_semaphore, #tpu.memory_space<semaphore_mem>>) {add = true}
        %dma_start3A_505 = tpu.memref_slice %arg18[%mul3A_417] : memref<400xi32, #tpu.memory_space<vmem>> -> memref<40xi32, #tpu.memory_space<vmem>>
        %dma_start3A_506 = arith.constant 0 : i32
        %dma_start3A_507 = arith.constant 0 : i32
        %dma_start3A_508 = tpu.memref_slice %arg7[%dma_start3A_506, %dma_start3A_507] : memref<10000x128xf32, #tpu.memory_space<vmem_shared>> -> memref<10000x128xf32, #tpu.memory_space<vmem_shared>>
        tpu.enqueue_indirect_dma source(%arg14 : memref<40x128xf32, #tpu.memory_space<vmem>>) target(%dma_start3A_508 : memref<10000x128xf32, #tpu.memory_space<vmem_shared>>) offsets(%dma_start3A_505 : memref<40xi32, #tpu.memory_space<vmem>>) semaphore(%arg17 : memref<!tpu.dma_semaphore, #tpu.memory_space<semaphore_mem>>) {add = true}
      } else {
      }
      %eq3A_449 = arith.constant 1 : i32
      %eq3A_450 = arith.cmpi eq, %rem3A_443, %eq3A_449 : i32
      %convert_element_type3A_451 = arith.extui %eq3A_450 : i1 to i32
      %cond3A_452 = arith.constant 0 : i32
      %cond3A_453 = arith.cmpi ne, %convert_element_type3A_451, %cond3A_452 : i32
      scf.if %cond3A_453 {
        %dma_start3A = tpu.memref_slice %arg21[%mul3A_417] : memref<400xi32, #tpu.memory_space<vmem>> -> memref<40xi32, #tpu.memory_space<vmem>>
        %dma_start3A_502 = arith.constant 0 : i32
        %dma_start3A_503 = arith.constant 0 : i32
        %dma_start3A_504 = tpu.memref_slice %arg7[%dma_start3A_502, %dma_start3A_503] : memref<10000x128xf32, #tpu.memory_space<vmem_shared>> -> memref<10000x128xf32, #tpu.memory_space<vmem_shared>>
        tpu.enqueue_indirect_dma source(%arg13 : memref<40x128xf32, #tpu.memory_space<vmem>>) target(%dma_start3A_504 : memref<10000x128xf32, #tpu.memory_space<vmem_shared>>) offsets(%dma_start3A : memref<40xi32, #tpu.memory_space<vmem>>) semaphore(%arg17 : memref<!tpu.dma_semaphore, #tpu.memory_space<semaphore_mem>>) {add = true}
        %dma_start3A_505 = tpu.memref_slice %arg20[%mul3A_417] : memref<400xi32, #tpu.memory_space<vmem>> -> memref<40xi32, #tpu.memory_space<vmem>>
        %dma_start3A_506 = arith.constant 0 : i32
        %dma_start3A_507 = arith.constant 0 : i32
        %dma_start3A_508 = tpu.memref_slice %arg7[%dma_start3A_506, %dma_start3A_507] : memref<10000x128xf32, #tpu.memory_space<vmem_shared>> -> memref<10000x128xf32, #tpu.memory_space<vmem_shared>>
        tpu.enqueue_indirect_dma source(%arg14 : memref<40x128xf32, #tpu.memory_space<vmem>>) target(%dma_start3A_508 : memref<10000x128xf32, #tpu.memory_space<vmem_shared>>) offsets(%dma_start3A_505 : memref<40xi32, #tpu.memory_space<vmem>>) semaphore(%arg17 : memref<!tpu.dma_semaphore, #tpu.memory_space<semaphore_mem>>) {add = true}
      } else {
      }
      %eq3A_454 = arith.constant 8 : i32
      %eq3A_455 = arith.cmpi eq, %rem3A_244, %eq3A_454 : i32
      %jit3A_456 = arith.constant 10 : i32
      %div3A_457 = arith.divsi %mul3A_242, %jit3A_456 : i32
      %sign3A_458 = arith.constant 0 : i32
      %sign3A_459 = arith.cmpi sgt, %mul3A_242, %sign3A_458 : i32
      %sign3A_460 = arith.extui %sign3A_459 : i1 to i32
      %sign3A_461 = arith.constant 0 : i32
      %sign3A_462 = arith.cmpi slt, %mul3A_242, %sign3A_461 : i32
      %sign3A_463 = arith.extui %sign3A_462 : i1 to i32
      %sign3A_464 = arith.subi %sign3A_460, %sign3A_463 : i32
      %sign3A_465 = arith.constant 0 : i32
      %sign3A_466 = arith.cmpi sgt, %jit3A_456, %sign3A_465 : i32
      %sign3A_467 = arith.extui %sign3A_466 : i1 to i32
      %sign3A_468 = arith.constant 0 : i32
      %sign3A_469 = arith.cmpi slt, %jit3A_456, %sign3A_468 : i32
      %sign3A_470 = arith.extui %sign3A_469 : i1 to i32
      %sign3A_471 = arith.subi %sign3A_467, %sign3A_470 : i32
      %ne3A_472 = arith.cmpi ne, %sign3A_464, %sign3A_471 : i32
      %rem3A_473 = arith.remsi %mul3A_242, %jit3A_456 : i32
      %ne3A_474 = arith.constant 0 : i32
      %ne3A_475 = arith.cmpi ne, %rem3A_473, %ne3A_474 : i32
      %and3A_476 = arith.andi %ne3A_472, %ne3A_475 : i1
      %sub3A_477 = arith.constant 1 : i32
      %sub3A_478 = arith.subi %div3A_457, %sub3A_477 : i32
      %select_n3A_479 = arith.select %and3A_476, %sub3A_478, %div3A_457 : i32
      %add3A_480 = arith.constant 1 : i32
      %add3A_481 = arith.addi %select_n3A_479, %add3A_480 : i32
      %lt3A_482 = arith.constant 25 : i32
      %lt3A_483 = arith.cmpi slt, %add3A_481, %lt3A_482 : i32
      %and3A_484 = arith.andi %eq3A_455, %lt3A_483 : i1
      %convert_element_type3A_485 = arith.extui %and3A_484 : i1 to i32
      %cond3A_486 = arith.constant 0 : i32
      %cond3A_487 = arith.cmpi ne, %convert_element_type3A_485, %cond3A_486 : i32
      scf.if %cond3A_487 {
        %dma_wait3A_502 = arith.constant 0 : i32
        %dma_wait3A_503 = tpu.memref_slice %arg4[%dma_wait3A_502] : memref<320000xi32, #tpu.memory_space<hbm>> -> memref<400xi32, #tpu.memory_space<hbm>>
        %dma_wait3A_504 = arith.constant 0 : i32
        %dma_wait3A_505 = tpu.memref_slice %arg4[%dma_wait3A_504] : memref<320000xi32, #tpu.memory_space<hbm>> -> memref<400xi32, #tpu.memory_space<hbm>>
        tpu.wait_dma2 semaphore(%arg22 : memref<!tpu.dma_semaphore, #tpu.memory_space<semaphore_mem>>) src(%dma_wait3A_505 : memref<400xi32, #tpu.memory_space<hbm>>) dst(%arg18 : memref<400xi32, #tpu.memory_space<vmem>>)
        %dma_wait3A_506 = arith.constant 0 : i32
        %dma_wait3A_507 = tpu.memref_slice %arg5[%dma_wait3A_506] : memref<320000xi32, #tpu.memory_space<hbm>> -> memref<400xi32, #tpu.memory_space<hbm>>
        %dma_wait3A_508 = arith.constant 0 : i32
        %dma_wait3A_509 = tpu.memref_slice %arg5[%dma_wait3A_508] : memref<320000xi32, #tpu.memory_space<hbm>> -> memref<400xi32, #tpu.memory_space<hbm>>
        tpu.wait_dma2 semaphore(%arg22 : memref<!tpu.dma_semaphore, #tpu.memory_space<semaphore_mem>>) src(%dma_wait3A_509 : memref<400xi32, #tpu.memory_space<hbm>>) dst(%arg19 : memref<400xi32, #tpu.memory_space<vmem>>)
      } else {
      }
      %add3A_488 = arith.constant 2 : i32
      %add3A_489 = arith.addi %mul3A_242, %add3A_488 : i32
      %lt3A_490 = arith.constant 250 : i32
      %lt3A_491 = arith.cmpi slt, %add3A_489, %lt3A_490 : i32
      %convert_element_type3A_492 = arith.extui %lt3A_491 : i1 to i32
      %cond3A_493 = arith.constant 0 : i32
      %cond3A_494 = arith.cmpi ne, %convert_element_type3A_492, %cond3A_493 : i32
      scf.if %cond3A_494 {
        %rem3A_502 = arith.constant 10 : i32
        %rem3A_503 = arith.remsi %mul3A_242, %rem3A_502 : i32
        %mul3A_504 = arith.constant 40 : i32
        %mul3A_505 = arith.muli %rem3A_503, %mul3A_504 : i32
        %jit3A_506 = arith.constant 10 : i32
        %div3A_507 = arith.divsi %mul3A_242, %jit3A_506 : i32
        %sign3A_508 = arith.constant 0 : i32
        %sign3A_509 = arith.cmpi sgt, %mul3A_242, %sign3A_508 : i32
        %sign3A_510 = arith.extui %sign3A_509 : i1 to i32
        %sign3A_511 = arith.constant 0 : i32
        %sign3A_512 = arith.cmpi slt, %mul3A_242, %sign3A_511 : i32
        %sign3A_513 = arith.extui %sign3A_512 : i1 to i32
        %sign3A_514 = arith.subi %sign3A_510, %sign3A_513 : i32
        %sign3A_515 = arith.constant 0 : i32
        %sign3A_516 = arith.cmpi sgt, %jit3A_506, %sign3A_515 : i32
        %sign3A_517 = arith.extui %sign3A_516 : i1 to i32
        %sign3A_518 = arith.constant 0 : i32
        %sign3A_519 = arith.cmpi slt, %jit3A_506, %sign3A_518 : i32
        %sign3A_520 = arith.extui %sign3A_519 : i1 to i32
        %sign3A_521 = arith.subi %sign3A_517, %sign3A_520 : i32
        %ne3A_522 = arith.cmpi ne, %sign3A_514, %sign3A_521 : i32
        %rem3A_523 = arith.remsi %mul3A_242, %jit3A_506 : i32
        %ne3A_524 = arith.constant 0 : i32
        %ne3A_525 = arith.cmpi ne, %rem3A_523, %ne3A_524 : i32
        %and3A_526 = arith.andi %ne3A_522, %ne3A_525 : i1
        %sub3A_527 = arith.constant 1 : i32
        %sub3A_528 = arith.subi %div3A_507, %sub3A_527 : i32
        %select_n3A_529 = arith.select %and3A_526, %sub3A_528, %div3A_507 : i32
        %rem3A_530 = arith.constant 2 : i32
        %rem3A_531 = arith.remsi %select_n3A_529, %rem3A_530 : i32
        %eq3A_532 = arith.constant 0 : i32
        %eq3A_533 = arith.cmpi eq, %rem3A_531, %eq3A_532 : i32
        %convert_element_type3A_534 = arith.extui %eq3A_533 : i1 to i32
        %cond3A_535 = arith.constant 0 : i32
        %cond3A_536 = arith.cmpi ne, %convert_element_type3A_534, %cond3A_535 : i32
        scf.if %cond3A_536 {
          %dma_wait3A_584 = tpu.memref_slice %arg19[%mul3A_505] : memref<400xi32, #tpu.memory_space<vmem>> -> memref<40xi32, #tpu.memory_space<vmem>>
          %dma_wait3A_585 = arith.constant 0 : i32
          %dma_wait3A_586 = arith.constant 0 : i32
          %dma_wait3A_587 = tpu.memref_slice %arg7[%dma_wait3A_585, %dma_wait3A_586] : memref<10000x128xf32, #tpu.memory_space<vmem_shared>> -> memref<10000x128xf32, #tpu.memory_space<vmem_shared>>
          tpu.wait_indirect_dma semaphore(%arg12 : memref<!tpu.dma_semaphore, #tpu.memory_space<semaphore_mem>>) src(%arg8 : memref<40x128xf32, #tpu.memory_space<vmem>>) dst(%dma_wait3A_587 : memref<10000x128xf32, #tpu.memory_space<vmem_shared>>)
          %dma_wait3A_588 = tpu.memref_slice %arg18[%mul3A_505] : memref<400xi32, #tpu.memory_space<vmem>> -> memref<40xi32, #tpu.memory_space<vmem>>
          %dma_wait3A_589 = arith.constant 0 : i32
          %dma_wait3A_590 = arith.constant 0 : i32
          %dma_wait3A_591 = tpu.memref_slice %arg7[%dma_wait3A_589, %dma_wait3A_590] : memref<10000x128xf32, #tpu.memory_space<vmem_shared>> -> memref<10000x128xf32, #tpu.memory_space<vmem_shared>>
          tpu.wait_indirect_dma semaphore(%arg12 : memref<!tpu.dma_semaphore, #tpu.memory_space<semaphore_mem>>) src(%arg9 : memref<40x128xf32, #tpu.memory_space<vmem>>) dst(%dma_wait3A_591 : memref<10000x128xf32, #tpu.memory_space<vmem_shared>>)
        } else {
        }
        %eq3A_537 = arith.constant 1 : i32
        %eq3A_538 = arith.cmpi eq, %rem3A_531, %eq3A_537 : i32
        %convert_element_type3A_539 = arith.extui %eq3A_538 : i1 to i32
        %cond3A_540 = arith.constant 0 : i32
        %cond3A_541 = arith.cmpi ne, %convert_element_type3A_539, %cond3A_540 : i32
        scf.if %cond3A_541 {
          %dma_wait3A_584 = tpu.memref_slice %arg21[%mul3A_505] : memref<400xi32, #tpu.memory_space<vmem>> -> memref<40xi32, #tpu.memory_space<vmem>>
          %dma_wait3A_585 = arith.constant 0 : i32
          %dma_wait3A_586 = arith.constant 0 : i32
          %dma_wait3A_587 = tpu.memref_slice %arg7[%dma_wait3A_585, %dma_wait3A_586] : memref<10000x128xf32, #tpu.memory_space<vmem_shared>> -> memref<10000x128xf32, #tpu.memory_space<vmem_shared>>
          tpu.wait_indirect_dma semaphore(%arg12 : memref<!tpu.dma_semaphore, #tpu.memory_space<semaphore_mem>>) src(%arg8 : memref<40x128xf32, #tpu.memory_space<vmem>>) dst(%dma_wait3A_587 : memref<10000x128xf32, #tpu.memory_space<vmem_shared>>)
          %dma_wait3A_588 = tpu.memref_slice %arg20[%mul3A_505] : memref<400xi32, #tpu.memory_space<vmem>> -> memref<40xi32, #tpu.memory_space<vmem>>
          %dma_wait3A_589 = arith.constant 0 : i32
          %dma_wait3A_590 = arith.constant 0 : i32
          %dma_wait3A_591 = tpu.memref_slice %arg7[%dma_wait3A_589, %dma_wait3A_590] : memref<10000x128xf32, #tpu.memory_space<vmem_shared>> -> memref<10000x128xf32, #tpu.memory_space<vmem_shared>>
          tpu.wait_indirect_dma semaphore(%arg12 : memref<!tpu.dma_semaphore, #tpu.memory_space<semaphore_mem>>) src(%arg9 : memref<40x128xf32, #tpu.memory_space<vmem>>) dst(%dma_wait3A_591 : memref<10000x128xf32, #tpu.memory_space<vmem_shared>>)
        } else {
        }
        %add3A_542 = arith.constant 2 : i32
        %add3A_543 = arith.addi %mul3A_242, %add3A_542 : i32
        %rem3A_544 = arith.constant 10 : i32
        %rem3A_545 = arith.remsi %add3A_543, %rem3A_544 : i32
        %mul3A_546 = arith.constant 40 : i32
        %mul3A_547 = arith.muli %rem3A_545, %mul3A_546 : i32
        %jit3A_548 = arith.constant 10 : i32
        %div3A_549 = arith.divsi %add3A_543, %jit3A_548 : i32
        %sign3A_550 = arith.constant 0 : i32
        %sign3A_551 = arith.cmpi sgt, %add3A_543, %sign3A_550 : i32
        %sign3A_552 = arith.extui %sign3A_551 : i1 to i32
        %sign3A_553 = arith.constant 0 : i32
        %sign3A_554 = arith.cmpi slt, %add3A_543, %sign3A_553 : i32
        %sign3A_555 = arith.extui %sign3A_554 : i1 to i32
        %sign3A_556 = arith.subi %sign3A_552, %sign3A_555 : i32
        %sign3A_557 = arith.constant 0 : i32
        %sign3A_558 = arith.cmpi sgt, %jit3A_548, %sign3A_557 : i32
        %sign3A_559 = arith.extui %sign3A_558 : i1 to i32
        %sign3A_560 = arith.constant 0 : i32
        %sign3A_561 = arith.cmpi slt, %jit3A_548, %sign3A_560 : i32
        %sign3A_562 = arith.extui %sign3A_561 : i1 to i32
        %sign3A_563 = arith.subi %sign3A_559, %sign3A_562 : i32
        %ne3A_564 = arith.cmpi ne, %sign3A_556, %sign3A_563 : i32
        %rem3A_565 = arith.remsi %add3A_543, %jit3A_548 : i32
        %ne3A_566 = arith.constant 0 : i32
        %ne3A_567 = arith.cmpi ne, %rem3A_565, %ne3A_566 : i32
        %and3A_568 = arith.andi %ne3A_564, %ne3A_567 : i1
        %sub3A_569 = arith.constant 1 : i32
        %sub3A_570 = arith.subi %div3A_549, %sub3A_569 : i32
        %select_n3A_571 = arith.select %and3A_568, %sub3A_570, %div3A_549 : i32
        %rem3A_572 = arith.constant 2 : i32
        %rem3A_573 = arith.remsi %select_n3A_571, %rem3A_572 : i32
        %eq3A_574 = arith.constant 0 : i32
        %eq3A_575 = arith.cmpi eq, %rem3A_573, %eq3A_574 : i32
        %convert_element_type3A_576 = arith.extui %eq3A_575 : i1 to i32
        %cond3A_577 = arith.constant 0 : i32
        %cond3A_578 = arith.cmpi ne, %convert_element_type3A_576, %cond3A_577 : i32
        scf.if %cond3A_578 {
          %dma_start3A = tpu.memref_slice %arg18[%mul3A_547] : memref<400xi32, #tpu.memory_space<vmem>> -> memref<40xi32, #tpu.memory_space<vmem>>
          %dma_start3A_584 = arith.constant 0 : i32
          %dma_start3A_585 = arith.constant 0 : i32
          %dma_start3A_586 = tpu.memref_slice %arg2[%dma_start3A_584, %dma_start3A_585] : memref<10000x128xf32, #tpu.memory_space<hbm>> -> memref<10000x128xf32, #tpu.memory_space<hbm>>
          tpu.enqueue_indirect_dma source(%dma_start3A_586 : memref<10000x128xf32, #tpu.memory_space<hbm>>) target(%arg8 : memref<40x128xf32, #tpu.memory_space<vmem>>) offsets(%dma_start3A : memref<40xi32, #tpu.memory_space<vmem>>) semaphore(%arg11 : memref<!tpu.dma_semaphore, #tpu.memory_space<semaphore_mem>>)
          %dma_start3A_587 = tpu.memref_slice %arg19[%mul3A_547] : memref<400xi32, #tpu.memory_space<vmem>> -> memref<40xi32, #tpu.memory_space<vmem>>
          %dma_start3A_588 = arith.constant 0 : i32
          %dma_start3A_589 = arith.constant 0 : i32
          %dma_start3A_590 = tpu.memref_slice %arg2[%dma_start3A_588, %dma_start3A_589] : memref<10000x128xf32, #tpu.memory_space<hbm>> -> memref<10000x128xf32, #tpu.memory_space<hbm>>
          tpu.enqueue_indirect_dma source(%dma_start3A_590 : memref<10000x128xf32, #tpu.memory_space<hbm>>) target(%arg9 : memref<40x128xf32, #tpu.memory_space<vmem>>) offsets(%dma_start3A_587 : memref<40xi32, #tpu.memory_space<vmem>>) semaphore(%arg11 : memref<!tpu.dma_semaphore, #tpu.memory_space<semaphore_mem>>)
          %mul3A_591 = arith.constant 40 : i32
          %mul3A_592 = arith.muli %add3A_543, %mul3A_591 : i32
          %add3A_593 = arith.addi %mul3A_2, %mul3A_592 : i32
          %dma_start3A_594 = arith.constant 0 : i32
          %dma_start3A_595 = tpu.memref_slice %arg3[%add3A_593, %dma_start3A_594] : memref<320000x128xf32, #tpu.memory_space<hbm>> -> memref<40x128xf32, #tpu.memory_space<hbm>>
          %dma_start3A_596 = arith.constant 0 : i32
          %dma_start3A_597 = tpu.memref_slice %arg3[%add3A_593, %dma_start3A_596] : memref<320000x128xf32, #tpu.memory_space<hbm>> -> memref<40x128xf32, #tpu.memory_space<hbm>>
          tpu.enqueue_dma source(%dma_start3A_597 : memref<40x128xf32, #tpu.memory_space<hbm>>) target(%arg10 : memref<40x128xf32, #tpu.memory_space<vmem>>) target_semaphore(%arg11 : memref<!tpu.dma_semaphore, #tpu.memory_space<semaphore_mem>>)
        } else {
        }
        %eq3A_579 = arith.constant 1 : i32
        %eq3A_580 = arith.cmpi eq, %rem3A_573, %eq3A_579 : i32
        %convert_element_type3A_581 = arith.extui %eq3A_580 : i1 to i32
        %cond3A_582 = arith.constant 0 : i32
        %cond3A_583 = arith.cmpi ne, %convert_element_type3A_581, %cond3A_582 : i32
        scf.if %cond3A_583 {
          %dma_start3A = tpu.memref_slice %arg20[%mul3A_547] : memref<400xi32, #tpu.memory_space<vmem>> -> memref<40xi32, #tpu.memory_space<vmem>>
          %dma_start3A_584 = arith.constant 0 : i32
          %dma_start3A_585 = arith.constant 0 : i32
          %dma_start3A_586 = tpu.memref_slice %arg2[%dma_start3A_584, %dma_start3A_585] : memref<10000x128xf32, #tpu.memory_space<hbm>> -> memref<10000x128xf32, #tpu.memory_space<hbm>>
          tpu.enqueue_indirect_dma source(%dma_start3A_586 : memref<10000x128xf32, #tpu.memory_space<hbm>>) target(%arg8 : memref<40x128xf32, #tpu.memory_space<vmem>>) offsets(%dma_start3A : memref<40xi32, #tpu.memory_space<vmem>>) semaphore(%arg11 : memref<!tpu.dma_semaphore, #tpu.memory_space<semaphore_mem>>)
          %dma_start3A_587 = tpu.memref_slice %arg21[%mul3A_547] : memref<400xi32, #tpu.memory_space<vmem>> -> memref<40xi32, #tpu.memory_space<vmem>>
          %dma_start3A_588 = arith.constant 0 : i32
          %dma_start3A_589 = arith.constant 0 : i32
          %dma_start3A_590 = tpu.memref_slice %arg2[%dma_start3A_588, %dma_start3A_589] : memref<10000x128xf32, #tpu.memory_space<hbm>> -> memref<10000x128xf32, #tpu.memory_space<hbm>>
          tpu.enqueue_indirect_dma source(%dma_start3A_590 : memref<10000x128xf32, #tpu.memory_space<hbm>>) target(%arg9 : memref<40x128xf32, #tpu.memory_space<vmem>>) offsets(%dma_start3A_587 : memref<40xi32, #tpu.memory_space<vmem>>) semaphore(%arg11 : memref<!tpu.dma_semaphore, #tpu.memory_space<semaphore_mem>>)
          %mul3A_591 = arith.constant 40 : i32
          %mul3A_592 = arith.muli %add3A_543, %mul3A_591 : i32
          %add3A_593 = arith.addi %mul3A_2, %mul3A_592 : i32
          %dma_start3A_594 = arith.constant 0 : i32
          %dma_start3A_595 = tpu.memref_slice %arg3[%add3A_593, %dma_start3A_594] : memref<320000x128xf32, #tpu.memory_space<hbm>> -> memref<40x128xf32, #tpu.memory_space<hbm>>
          %dma_start3A_596 = arith.constant 0 : i32
          %dma_start3A_597 = tpu.memref_slice %arg3[%add3A_593, %dma_start3A_596] : memref<320000x128xf32, #tpu.memory_space<hbm>> -> memref<40x128xf32, #tpu.memory_space<hbm>>
          tpu.enqueue_dma source(%dma_start3A_597 : memref<40x128xf32, #tpu.memory_space<hbm>>) target(%arg10 : memref<40x128xf32, #tpu.memory_space<vmem>>) target_semaphore(%arg11 : memref<!tpu.dma_semaphore, #tpu.memory_space<semaphore_mem>>)
        } else {
        }
      } else {
      }
      %add3A_495 = arith.constant 3 : i32
      %add3A_496 = arith.addi %mul3A_242, %add3A_495 : i32
      %lt3A_497 = arith.constant 250 : i32
      %lt3A_498 = arith.cmpi slt, %add3A_496, %lt3A_497 : i32
      %convert_element_type3A_499 = arith.extui %lt3A_498 : i1 to i32
      %cond3A_500 = arith.constant 0 : i32
      %cond3A_501 = arith.cmpi ne, %convert_element_type3A_499, %cond3A_500 : i32
      scf.if %cond3A_501 {
        %add3A_502 = arith.constant 1 : i32
        %add3A_503 = arith.addi %mul3A_242, %add3A_502 : i32
        %rem3A_504 = arith.constant 10 : i32
        %rem3A_505 = arith.remsi %add3A_503, %rem3A_504 : i32
        %mul3A_506 = arith.constant 40 : i32
        %mul3A_507 = arith.muli %rem3A_505, %mul3A_506 : i32
        %jit3A_508 = arith.constant 10 : i32
        %div3A_509 = arith.divsi %add3A_503, %jit3A_508 : i32
        %sign3A_510 = arith.constant 0 : i32
        %sign3A_511 = arith.cmpi sgt, %add3A_503, %sign3A_510 : i32
        %sign3A_512 = arith.extui %sign3A_511 : i1 to i32
        %sign3A_513 = arith.constant 0 : i32
        %sign3A_514 = arith.cmpi slt, %add3A_503, %sign3A_513 : i32
        %sign3A_515 = arith.extui %sign3A_514 : i1 to i32
        %sign3A_516 = arith.subi %sign3A_512, %sign3A_515 : i32
        %sign3A_517 = arith.constant 0 : i32
        %sign3A_518 = arith.cmpi sgt, %jit3A_508, %sign3A_517 : i32
        %sign3A_519 = arith.extui %sign3A_518 : i1 to i32
        %sign3A_520 = arith.constant 0 : i32
        %sign3A_521 = arith.cmpi slt, %jit3A_508, %sign3A_520 : i32
        %sign3A_522 = arith.extui %sign3A_521 : i1 to i32
        %sign3A_523 = arith.subi %sign3A_519, %sign3A_522 : i32
        %ne3A_524 = arith.cmpi ne, %sign3A_516, %sign3A_523 : i32
        %rem3A_525 = arith.remsi %add3A_503, %jit3A_508 : i32
        %ne3A_526 = arith.constant 0 : i32
        %ne3A_527 = arith.cmpi ne, %rem3A_525, %ne3A_526 : i32
        %and3A_528 = arith.andi %ne3A_524, %ne3A_527 : i1
        %sub3A_529 = arith.constant 1 : i32
        %sub3A_530 = arith.subi %div3A_509, %sub3A_529 : i32
        %select_n3A_531 = arith.select %and3A_528, %sub3A_530, %div3A_509 : i32
        %rem3A_532 = arith.constant 2 : i32
        %rem3A_533 = arith.remsi %select_n3A_531, %rem3A_532 : i32
        %eq3A_534 = arith.constant 0 : i32
        %eq3A_535 = arith.cmpi eq, %rem3A_533, %eq3A_534 : i32
        %convert_element_type3A_536 = arith.extui %eq3A_535 : i1 to i32
        %cond3A_537 = arith.constant 0 : i32
        %cond3A_538 = arith.cmpi ne, %convert_element_type3A_536, %cond3A_537 : i32
        scf.if %cond3A_538 {
          %dma_wait3A_586 = tpu.memref_slice %arg19[%mul3A_507] : memref<400xi32, #tpu.memory_space<vmem>> -> memref<40xi32, #tpu.memory_space<vmem>>
          %dma_wait3A_587 = arith.constant 0 : i32
          %dma_wait3A_588 = arith.constant 0 : i32
          %dma_wait3A_589 = tpu.memref_slice %arg7[%dma_wait3A_587, %dma_wait3A_588] : memref<10000x128xf32, #tpu.memory_space<vmem_shared>> -> memref<10000x128xf32, #tpu.memory_space<vmem_shared>>
          tpu.wait_indirect_dma semaphore(%arg17 : memref<!tpu.dma_semaphore, #tpu.memory_space<semaphore_mem>>) src(%arg13 : memref<40x128xf32, #tpu.memory_space<vmem>>) dst(%dma_wait3A_589 : memref<10000x128xf32, #tpu.memory_space<vmem_shared>>)
          %dma_wait3A_590 = tpu.memref_slice %arg18[%mul3A_507] : memref<400xi32, #tpu.memory_space<vmem>> -> memref<40xi32, #tpu.memory_space<vmem>>
          %dma_wait3A_591 = arith.constant 0 : i32
          %dma_wait3A_592 = arith.constant 0 : i32
          %dma_wait3A_593 = tpu.memref_slice %arg7[%dma_wait3A_591, %dma_wait3A_592] : memref<10000x128xf32, #tpu.memory_space<vmem_shared>> -> memref<10000x128xf32, #tpu.memory_space<vmem_shared>>
          tpu.wait_indirect_dma semaphore(%arg17 : memref<!tpu.dma_semaphore, #tpu.memory_space<semaphore_mem>>) src(%arg14 : memref<40x128xf32, #tpu.memory_space<vmem>>) dst(%dma_wait3A_593 : memref<10000x128xf32, #tpu.memory_space<vmem_shared>>)
        } else {
        }
        %eq3A_539 = arith.constant 1 : i32
        %eq3A_540 = arith.cmpi eq, %rem3A_533, %eq3A_539 : i32
        %convert_element_type3A_541 = arith.extui %eq3A_540 : i1 to i32
        %cond3A_542 = arith.constant 0 : i32
        %cond3A_543 = arith.cmpi ne, %convert_element_type3A_541, %cond3A_542 : i32
        scf.if %cond3A_543 {
          %dma_wait3A_586 = tpu.memref_slice %arg21[%mul3A_507] : memref<400xi32, #tpu.memory_space<vmem>> -> memref<40xi32, #tpu.memory_space<vmem>>
          %dma_wait3A_587 = arith.constant 0 : i32
          %dma_wait3A_588 = arith.constant 0 : i32
          %dma_wait3A_589 = tpu.memref_slice %arg7[%dma_wait3A_587, %dma_wait3A_588] : memref<10000x128xf32, #tpu.memory_space<vmem_shared>> -> memref<10000x128xf32, #tpu.memory_space<vmem_shared>>
          tpu.wait_indirect_dma semaphore(%arg17 : memref<!tpu.dma_semaphore, #tpu.memory_space<semaphore_mem>>) src(%arg13 : memref<40x128xf32, #tpu.memory_space<vmem>>) dst(%dma_wait3A_589 : memref<10000x128xf32, #tpu.memory_space<vmem_shared>>)
          %dma_wait3A_590 = tpu.memref_slice %arg20[%mul3A_507] : memref<400xi32, #tpu.memory_space<vmem>> -> memref<40xi32, #tpu.memory_space<vmem>>
          %dma_wait3A_591 = arith.constant 0 : i32
          %dma_wait3A_592 = arith.constant 0 : i32
          %dma_wait3A_593 = tpu.memref_slice %arg7[%dma_wait3A_591, %dma_wait3A_592] : memref<10000x128xf32, #tpu.memory_space<vmem_shared>> -> memref<10000x128xf32, #tpu.memory_space<vmem_shared>>
          tpu.wait_indirect_dma semaphore(%arg17 : memref<!tpu.dma_semaphore, #tpu.memory_space<semaphore_mem>>) src(%arg14 : memref<40x128xf32, #tpu.memory_space<vmem>>) dst(%dma_wait3A_593 : memref<10000x128xf32, #tpu.memory_space<vmem_shared>>)
        } else {
        }
        %add3A_544 = arith.constant 3 : i32
        %add3A_545 = arith.addi %mul3A_242, %add3A_544 : i32
        %rem3A_546 = arith.constant 10 : i32
        %rem3A_547 = arith.remsi %add3A_545, %rem3A_546 : i32
        %mul3A_548 = arith.constant 40 : i32
        %mul3A_549 = arith.muli %rem3A_547, %mul3A_548 : i32
        %jit3A_550 = arith.constant 10 : i32
        %div3A_551 = arith.divsi %add3A_545, %jit3A_550 : i32
        %sign3A_552 = arith.constant 0 : i32
        %sign3A_553 = arith.cmpi sgt, %add3A_545, %sign3A_552 : i32
        %sign3A_554 = arith.extui %sign3A_553 : i1 to i32
        %sign3A_555 = arith.constant 0 : i32
        %sign3A_556 = arith.cmpi slt, %add3A_545, %sign3A_555 : i32
        %sign3A_557 = arith.extui %sign3A_556 : i1 to i32
        %sign3A_558 = arith.subi %sign3A_554, %sign3A_557 : i32
        %sign3A_559 = arith.constant 0 : i32
        %sign3A_560 = arith.cmpi sgt, %jit3A_550, %sign3A_559 : i32
        %sign3A_561 = arith.extui %sign3A_560 : i1 to i32
        %sign3A_562 = arith.constant 0 : i32
        %sign3A_563 = arith.cmpi slt, %jit3A_550, %sign3A_562 : i32
        %sign3A_564 = arith.extui %sign3A_563 : i1 to i32
        %sign3A_565 = arith.subi %sign3A_561, %sign3A_564 : i32
        %ne3A_566 = arith.cmpi ne, %sign3A_558, %sign3A_565 : i32
        %rem3A_567 = arith.remsi %add3A_545, %jit3A_550 : i32
        %ne3A_568 = arith.constant 0 : i32
        %ne3A_569 = arith.cmpi ne, %rem3A_567, %ne3A_568 : i32
        %and3A_570 = arith.andi %ne3A_566, %ne3A_569 : i1
        %sub3A_571 = arith.constant 1 : i32
        %sub3A_572 = arith.subi %div3A_551, %sub3A_571 : i32
        %select_n3A_573 = arith.select %and3A_570, %sub3A_572, %div3A_551 : i32
        %rem3A_574 = arith.constant 2 : i32
        %rem3A_575 = arith.remsi %select_n3A_573, %rem3A_574 : i32
        %eq3A_576 = arith.constant 0 : i32
        %eq3A_577 = arith.cmpi eq, %rem3A_575, %eq3A_576 : i32
        %convert_element_type3A_578 = arith.extui %eq3A_577 : i1 to i32
        %cond3A_579 = arith.constant 0 : i32
        %cond3A_580 = arith.cmpi ne, %convert_element_type3A_578, %cond3A_579 : i32
        scf.if %cond3A_580 {
          %dma_start3A = tpu.memref_slice %arg18[%mul3A_549] : memref<400xi32, #tpu.memory_space<vmem>> -> memref<40xi32, #tpu.memory_space<vmem>>
          %dma_start3A_586 = arith.constant 0 : i32
          %dma_start3A_587 = arith.constant 0 : i32
          %dma_start3A_588 = tpu.memref_slice %arg2[%dma_start3A_586, %dma_start3A_587] : memref<10000x128xf32, #tpu.memory_space<hbm>> -> memref<10000x128xf32, #tpu.memory_space<hbm>>
          tpu.enqueue_indirect_dma source(%dma_start3A_588 : memref<10000x128xf32, #tpu.memory_space<hbm>>) target(%arg13 : memref<40x128xf32, #tpu.memory_space<vmem>>) offsets(%dma_start3A : memref<40xi32, #tpu.memory_space<vmem>>) semaphore(%arg16 : memref<!tpu.dma_semaphore, #tpu.memory_space<semaphore_mem>>)
          %dma_start3A_589 = tpu.memref_slice %arg19[%mul3A_549] : memref<400xi32, #tpu.memory_space<vmem>> -> memref<40xi32, #tpu.memory_space<vmem>>
          %dma_start3A_590 = arith.constant 0 : i32
          %dma_start3A_591 = arith.constant 0 : i32
          %dma_start3A_592 = tpu.memref_slice %arg2[%dma_start3A_590, %dma_start3A_591] : memref<10000x128xf32, #tpu.memory_space<hbm>> -> memref<10000x128xf32, #tpu.memory_space<hbm>>
          tpu.enqueue_indirect_dma source(%dma_start3A_592 : memref<10000x128xf32, #tpu.memory_space<hbm>>) target(%arg14 : memref<40x128xf32, #tpu.memory_space<vmem>>) offsets(%dma_start3A_589 : memref<40xi32, #tpu.memory_space<vmem>>) semaphore(%arg16 : memref<!tpu.dma_semaphore, #tpu.memory_space<semaphore_mem>>)
          %mul3A_593 = arith.constant 40 : i32
          %mul3A_594 = arith.muli %add3A_545, %mul3A_593 : i32
          %add3A_595 = arith.addi %mul3A_2, %mul3A_594 : i32
          %dma_start3A_596 = arith.constant 0 : i32
          %dma_start3A_597 = tpu.memref_slice %arg3[%add3A_595, %dma_start3A_596] : memref<320000x128xf32, #tpu.memory_space<hbm>> -> memref<40x128xf32, #tpu.memory_space<hbm>>
          %dma_start3A_598 = arith.constant 0 : i32
          %dma_start3A_599 = tpu.memref_slice %arg3[%add3A_595, %dma_start3A_598] : memref<320000x128xf32, #tpu.memory_space<hbm>> -> memref<40x128xf32, #tpu.memory_space<hbm>>
          tpu.enqueue_dma source(%dma_start3A_599 : memref<40x128xf32, #tpu.memory_space<hbm>>) target(%arg15 : memref<40x128xf32, #tpu.memory_space<vmem>>) target_semaphore(%arg16 : memref<!tpu.dma_semaphore, #tpu.memory_space<semaphore_mem>>)
        } else {
        }
        %eq3A_581 = arith.constant 1 : i32
        %eq3A_582 = arith.cmpi eq, %rem3A_575, %eq3A_581 : i32
        %convert_element_type3A_583 = arith.extui %eq3A_582 : i1 to i32
        %cond3A_584 = arith.constant 0 : i32
        %cond3A_585 = arith.cmpi ne, %convert_element_type3A_583, %cond3A_584 : i32
        scf.if %cond3A_585 {
          %dma_start3A = tpu.memref_slice %arg20[%mul3A_549] : memref<400xi32, #tpu.memory_space<vmem>> -> memref<40xi32, #tpu.memory_space<vmem>>
          %dma_start3A_586 = arith.constant 0 : i32
          %dma_start3A_587 = arith.constant 0 : i32
          %dma_start3A_588 = tpu.memref_slice %arg2[%dma_start3A_586, %dma_start3A_587] : memref<10000x128xf32, #tpu.memory_space<hbm>> -> memref<10000x128xf32, #tpu.memory_space<hbm>>
          tpu.enqueue_indirect_dma source(%dma_start3A_588 : memref<10000x128xf32, #tpu.memory_space<hbm>>) target(%arg13 : memref<40x128xf32, #tpu.memory_space<vmem>>) offsets(%dma_start3A : memref<40xi32, #tpu.memory_space<vmem>>) semaphore(%arg16 : memref<!tpu.dma_semaphore, #tpu.memory_space<semaphore_mem>>)
          %dma_start3A_589 = tpu.memref_slice %arg21[%mul3A_549] : memref<400xi32, #tpu.memory_space<vmem>> -> memref<40xi32, #tpu.memory_space<vmem>>
          %dma_start3A_590 = arith.constant 0 : i32
          %dma_start3A_591 = arith.constant 0 : i32
          %dma_start3A_592 = tpu.memref_slice %arg2[%dma_start3A_590, %dma_start3A_591] : memref<10000x128xf32, #tpu.memory_space<hbm>> -> memref<10000x128xf32, #tpu.memory_space<hbm>>
          tpu.enqueue_indirect_dma source(%dma_start3A_592 : memref<10000x128xf32, #tpu.memory_space<hbm>>) target(%arg14 : memref<40x128xf32, #tpu.memory_space<vmem>>) offsets(%dma_start3A_589 : memref<40xi32, #tpu.memory_space<vmem>>) semaphore(%arg16 : memref<!tpu.dma_semaphore, #tpu.memory_space<semaphore_mem>>)
          %mul3A_593 = arith.constant 40 : i32
          %mul3A_594 = arith.muli %add3A_545, %mul3A_593 : i32
          %add3A_595 = arith.addi %mul3A_2, %mul3A_594 : i32
          %dma_start3A_596 = arith.constant 0 : i32
          %dma_start3A_597 = tpu.memref_slice %arg3[%add3A_595, %dma_start3A_596] : memref<320000x128xf32, #tpu.memory_space<hbm>> -> memref<40x128xf32, #tpu.memory_space<hbm>>
          %dma_start3A_598 = arith.constant 0 : i32
          %dma_start3A_599 = tpu.memref_slice %arg3[%add3A_595, %dma_start3A_598] : memref<320000x128xf32, #tpu.memory_space<hbm>> -> memref<40x128xf32, #tpu.memory_space<hbm>>
          tpu.enqueue_dma source(%dma_start3A_599 : memref<40x128xf32, #tpu.memory_space<hbm>>) target(%arg15 : memref<40x128xf32, #tpu.memory_space<vmem>>) target_semaphore(%arg16 : memref<!tpu.dma_semaphore, #tpu.memory_space<semaphore_mem>>)
        } else {
        }
      } else {
      }
    }
    %scan3A_148 = arith.constant 125 : i32
    %rem3A_149 = arith.constant 248 : i32
    %rem3A_150 = arith.constant 10 : i32
    %rem3A_151 = arith.remsi %rem3A_149, %rem3A_150 : i32
    %mul3A_152 = arith.constant 40 : i32
    %mul3A_153 = arith.muli %rem3A_151, %mul3A_152 : i32
    %jit3A_154 = arith.constant 248 : i32
    %jit3A_155 = arith.constant 10 : i32
    %div3A_156 = arith.divsi %jit3A_154, %jit3A_155 : i32
    %sign3A_157 = arith.constant 0 : i32
    %sign3A_158 = arith.cmpi sgt, %jit3A_154, %sign3A_157 : i32
    %sign3A_159 = arith.extui %sign3A_158 : i1 to i32
    %sign3A_160 = arith.constant 0 : i32
    %sign3A_161 = arith.cmpi slt, %jit3A_154, %sign3A_160 : i32
    %sign3A_162 = arith.extui %sign3A_161 : i1 to i32
    %sign3A_163 = arith.subi %sign3A_159, %sign3A_162 : i32
    %sign3A_164 = arith.constant 0 : i32
    %sign3A_165 = arith.cmpi sgt, %jit3A_155, %sign3A_164 : i32
    %sign3A_166 = arith.extui %sign3A_165 : i1 to i32
    %sign3A_167 = arith.constant 0 : i32
    %sign3A_168 = arith.cmpi slt, %jit3A_155, %sign3A_167 : i32
    %sign3A_169 = arith.extui %sign3A_168 : i1 to i32
    %sign3A_170 = arith.subi %sign3A_166, %sign3A_169 : i32
    %ne3A_171 = arith.cmpi ne, %sign3A_163, %sign3A_170 : i32
    %rem3A_172 = arith.remsi %jit3A_154, %jit3A_155 : i32
    %ne3A_173 = arith.constant 0 : i32
    %ne3A_174 = arith.cmpi ne, %rem3A_172, %ne3A_173 : i32
    %and3A_175 = arith.andi %ne3A_171, %ne3A_174 : i1
    %sub3A_176 = arith.constant 1 : i32
    %sub3A_177 = arith.subi %div3A_156, %sub3A_176 : i32
    %select_n3A_178 = arith.select %and3A_175, %sub3A_177, %div3A_156 : i32
    %rem3A_179 = arith.constant 2 : i32
    %rem3A_180 = arith.remsi %select_n3A_178, %rem3A_179 : i32
    %eq3A_181 = arith.constant 0 : i32
    %eq3A_182 = arith.cmpi eq, %rem3A_180, %eq3A_181 : i32
    %convert_element_type3A_183 = arith.extui %eq3A_182 : i1 to i32
    %cond3A_184 = arith.constant 0 : i32
    %cond3A_185 = arith.cmpi ne, %convert_element_type3A_183, %cond3A_184 : i32
    scf.if %cond3A_185 {
      %dma_wait3A_240 = tpu.memref_slice %arg19[%mul3A_153] : memref<400xi32, #tpu.memory_space<vmem>> -> memref<40xi32, #tpu.memory_space<vmem>>
      %dma_wait3A_241 = arith.constant 0 : i32
      %dma_wait3A_242 = arith.constant 0 : i32
      %dma_wait3A_243 = tpu.memref_slice %arg7[%dma_wait3A_241, %dma_wait3A_242] : memref<10000x128xf32, #tpu.memory_space<vmem_shared>> -> memref<10000x128xf32, #tpu.memory_space<vmem_shared>>
      tpu.wait_indirect_dma semaphore(%arg12 : memref<!tpu.dma_semaphore, #tpu.memory_space<semaphore_mem>>) src(%arg8 : memref<40x128xf32, #tpu.memory_space<vmem>>) dst(%dma_wait3A_243 : memref<10000x128xf32, #tpu.memory_space<vmem_shared>>)
      %dma_wait3A_244 = tpu.memref_slice %arg18[%mul3A_153] : memref<400xi32, #tpu.memory_space<vmem>> -> memref<40xi32, #tpu.memory_space<vmem>>
      %dma_wait3A_245 = arith.constant 0 : i32
      %dma_wait3A_246 = arith.constant 0 : i32
      %dma_wait3A_247 = tpu.memref_slice %arg7[%dma_wait3A_245, %dma_wait3A_246] : memref<10000x128xf32, #tpu.memory_space<vmem_shared>> -> memref<10000x128xf32, #tpu.memory_space<vmem_shared>>
      tpu.wait_indirect_dma semaphore(%arg12 : memref<!tpu.dma_semaphore, #tpu.memory_space<semaphore_mem>>) src(%arg9 : memref<40x128xf32, #tpu.memory_space<vmem>>) dst(%dma_wait3A_247 : memref<10000x128xf32, #tpu.memory_space<vmem_shared>>)
    } else {
    }
    %eq3A_186 = arith.constant 1 : i32
    %eq3A_187 = arith.cmpi eq, %rem3A_180, %eq3A_186 : i32
    %convert_element_type3A_188 = arith.extui %eq3A_187 : i1 to i32
    %cond3A_189 = arith.constant 0 : i32
    %cond3A_190 = arith.cmpi ne, %convert_element_type3A_188, %cond3A_189 : i32
    scf.if %cond3A_190 {
      %dma_wait3A_240 = tpu.memref_slice %arg21[%mul3A_153] : memref<400xi32, #tpu.memory_space<vmem>> -> memref<40xi32, #tpu.memory_space<vmem>>
      %dma_wait3A_241 = arith.constant 0 : i32
      %dma_wait3A_242 = arith.constant 0 : i32
      %dma_wait3A_243 = tpu.memref_slice %arg7[%dma_wait3A_241, %dma_wait3A_242] : memref<10000x128xf32, #tpu.memory_space<vmem_shared>> -> memref<10000x128xf32, #tpu.memory_space<vmem_shared>>
      tpu.wait_indirect_dma semaphore(%arg12 : memref<!tpu.dma_semaphore, #tpu.memory_space<semaphore_mem>>) src(%arg8 : memref<40x128xf32, #tpu.memory_space<vmem>>) dst(%dma_wait3A_243 : memref<10000x128xf32, #tpu.memory_space<vmem_shared>>)
      %dma_wait3A_244 = tpu.memref_slice %arg20[%mul3A_153] : memref<400xi32, #tpu.memory_space<vmem>> -> memref<40xi32, #tpu.memory_space<vmem>>
      %dma_wait3A_245 = arith.constant 0 : i32
      %dma_wait3A_246 = arith.constant 0 : i32
      %dma_wait3A_247 = tpu.memref_slice %arg7[%dma_wait3A_245, %dma_wait3A_246] : memref<10000x128xf32, #tpu.memory_space<vmem_shared>> -> memref<10000x128xf32, #tpu.memory_space<vmem_shared>>
      tpu.wait_indirect_dma semaphore(%arg12 : memref<!tpu.dma_semaphore, #tpu.memory_space<semaphore_mem>>) src(%arg9 : memref<40x128xf32, #tpu.memory_space<vmem>>) dst(%dma_wait3A_247 : memref<10000x128xf32, #tpu.memory_space<vmem_shared>>)
    } else {
    }
    %rem3A_191 = arith.constant 249 : i32
    %rem3A_192 = arith.constant 10 : i32
    %rem3A_193 = arith.remsi %rem3A_191, %rem3A_192 : i32
    %mul3A_194 = arith.constant 40 : i32
    %mul3A_195 = arith.muli %rem3A_193, %mul3A_194 : i32
    %jit3A_196 = arith.constant 249 : i32
    %jit3A_197 = arith.constant 10 : i32
    %div3A_198 = arith.divsi %jit3A_196, %jit3A_197 : i32
    %sign3A_199 = arith.constant 0 : i32
    %sign3A_200 = arith.cmpi sgt, %jit3A_196, %sign3A_199 : i32
    %sign3A_201 = arith.extui %sign3A_200 : i1 to i32
    %sign3A_202 = arith.constant 0 : i32
    %sign3A_203 = arith.cmpi slt, %jit3A_196, %sign3A_202 : i32
    %sign3A_204 = arith.extui %sign3A_203 : i1 to i32
    %sign3A_205 = arith.subi %sign3A_201, %sign3A_204 : i32
    %sign3A_206 = arith.constant 0 : i32
    %sign3A_207 = arith.cmpi sgt, %jit3A_197, %sign3A_206 : i32
    %sign3A_208 = arith.extui %sign3A_207 : i1 to i32
    %sign3A_209 = arith.constant 0 : i32
    %sign3A_210 = arith.cmpi slt, %jit3A_197, %sign3A_209 : i32
    %sign3A_211 = arith.extui %sign3A_210 : i1 to i32
    %sign3A_212 = arith.subi %sign3A_208, %sign3A_211 : i32
    %ne3A_213 = arith.cmpi ne, %sign3A_205, %sign3A_212 : i32
    %rem3A_214 = arith.remsi %jit3A_196, %jit3A_197 : i32
    %ne3A_215 = arith.constant 0 : i32
    %ne3A_216 = arith.cmpi ne, %rem3A_214, %ne3A_215 : i32
    %and3A_217 = arith.andi %ne3A_213, %ne3A_216 : i1
    %sub3A_218 = arith.constant 1 : i32
    %sub3A_219 = arith.subi %div3A_198, %sub3A_218 : i32
    %select_n3A_220 = arith.select %and3A_217, %sub3A_219, %div3A_198 : i32
    %rem3A_221 = arith.constant 2 : i32
    %rem3A_222 = arith.remsi %select_n3A_220, %rem3A_221 : i32
    %eq3A_223 = arith.constant 0 : i32
    %eq3A_224 = arith.cmpi eq, %rem3A_222, %eq3A_223 : i32
    %convert_element_type3A_225 = arith.extui %eq3A_224 : i1 to i32
    %cond3A_226 = arith.constant 0 : i32
    %cond3A_227 = arith.cmpi ne, %convert_element_type3A_225, %cond3A_226 : i32
    scf.if %cond3A_227 {
      %dma_wait3A_240 = tpu.memref_slice %arg19[%mul3A_195] : memref<400xi32, #tpu.memory_space<vmem>> -> memref<40xi32, #tpu.memory_space<vmem>>
      %dma_wait3A_241 = arith.constant 0 : i32
      %dma_wait3A_242 = arith.constant 0 : i32
      %dma_wait3A_243 = tpu.memref_slice %arg7[%dma_wait3A_241, %dma_wait3A_242] : memref<10000x128xf32, #tpu.memory_space<vmem_shared>> -> memref<10000x128xf32, #tpu.memory_space<vmem_shared>>
      tpu.wait_indirect_dma semaphore(%arg17 : memref<!tpu.dma_semaphore, #tpu.memory_space<semaphore_mem>>) src(%arg13 : memref<40x128xf32, #tpu.memory_space<vmem>>) dst(%dma_wait3A_243 : memref<10000x128xf32, #tpu.memory_space<vmem_shared>>)
      %dma_wait3A_244 = tpu.memref_slice %arg18[%mul3A_195] : memref<400xi32, #tpu.memory_space<vmem>> -> memref<40xi32, #tpu.memory_space<vmem>>
      %dma_wait3A_245 = arith.constant 0 : i32
      %dma_wait3A_246 = arith.constant 0 : i32
      %dma_wait3A_247 = tpu.memref_slice %arg7[%dma_wait3A_245, %dma_wait3A_246] : memref<10000x128xf32, #tpu.memory_space<vmem_shared>> -> memref<10000x128xf32, #tpu.memory_space<vmem_shared>>
      tpu.wait_indirect_dma semaphore(%arg17 : memref<!tpu.dma_semaphore, #tpu.memory_space<semaphore_mem>>) src(%arg14 : memref<40x128xf32, #tpu.memory_space<vmem>>) dst(%dma_wait3A_247 : memref<10000x128xf32, #tpu.memory_space<vmem_shared>>)
    } else {
    }
    %eq3A_228 = arith.constant 1 : i32
    %eq3A_229 = arith.cmpi eq, %rem3A_222, %eq3A_228 : i32
    %convert_element_type3A_230 = arith.extui %eq3A_229 : i1 to i32
    %cond3A_231 = arith.constant 0 : i32
    %cond3A_232 = arith.cmpi ne, %convert_element_type3A_230, %cond3A_231 : i32
    scf.if %cond3A_232 {
      %dma_wait3A_240 = tpu.memref_slice %arg21[%mul3A_195] : memref<400xi32, #tpu.memory_space<vmem>> -> memref<40xi32, #tpu.memory_space<vmem>>
      %dma_wait3A_241 = arith.constant 0 : i32
      %dma_wait3A_242 = arith.constant 0 : i32
      %dma_wait3A_243 = tpu.memref_slice %arg7[%dma_wait3A_241, %dma_wait3A_242] : memref<10000x128xf32, #tpu.memory_space<vmem_shared>> -> memref<10000x128xf32, #tpu.memory_space<vmem_shared>>
      tpu.wait_indirect_dma semaphore(%arg17 : memref<!tpu.dma_semaphore, #tpu.memory_space<semaphore_mem>>) src(%arg13 : memref<40x128xf32, #tpu.memory_space<vmem>>) dst(%dma_wait3A_243 : memref<10000x128xf32, #tpu.memory_space<vmem_shared>>)
      %dma_wait3A_244 = tpu.memref_slice %arg20[%mul3A_195] : memref<400xi32, #tpu.memory_space<vmem>> -> memref<40xi32, #tpu.memory_space<vmem>>
      %dma_wait3A_245 = arith.constant 0 : i32
      %dma_wait3A_246 = arith.constant 0 : i32
      %dma_wait3A_247 = tpu.memref_slice %arg7[%dma_wait3A_245, %dma_wait3A_246] : memref<10000x128xf32, #tpu.memory_space<vmem_shared>> -> memref<10000x128xf32, #tpu.memory_space<vmem_shared>>
      tpu.wait_indirect_dma semaphore(%arg17 : memref<!tpu.dma_semaphore, #tpu.memory_space<semaphore_mem>>) src(%arg14 : memref<40x128xf32, #tpu.memory_space<vmem>>) dst(%dma_wait3A_247 : memref<10000x128xf32, #tpu.memory_space<vmem_shared>>)
    } else {
    }
    %barrier3A_233 = arith.constant 0 : index
    tpu.barrier barrier_id(%barrier3A_233)
    %scan3A_234 = arith.constant 0 : i32
    %scan3A_235 = arith.constant 0 : i32
    %scan3A_236 = arith.constant 16 : i32
    %scan3A_237 = arith.addi %scan3A_235, %scan3A_236 : i32
    %scan3A_238 = arith.constant 1 : i32
    scf.for %scan3A_240 = %scan3A_235 to %scan3A_237 step %scan3A_238  : i32 {
      %mul3A_241 = arith.constant 16 : i32
      %mul3A_242 = arith.muli %scan3A_240, %mul3A_241 : i32
      %add3A_243 = arith.addi %mul3A_242, %arg1 : i32
      %lt3A = arith.constant 250 : i32
      %lt3A_244 = arith.cmpi slt, %add3A_243, %lt3A : i32
      %convert_element_type3A_245 = arith.extui %lt3A_244 : i1 to i32
      %cond3A_246 = arith.constant 0 : i32
      %cond3A_247 = arith.cmpi ne, %convert_element_type3A_245, %cond3A_246 : i32
      scf.if %cond3A_247 {
        %mul3A_248 = arith.constant 40 : i32
        %mul3A_249 = arith.muli %add3A_243, %mul3A_248 : i32
        %mul3A_250 = arith.constant 40 : i32
        %mul3A_251 = arith.muli %add3A_243, %mul3A_250 : i32
        "tpu.region"() ({
          %run_scoped3A = tpu.sem_alloc : memref<!tpu.dma_semaphore, #tpu.memory_space<semaphore_mem>>
          %dma_start3A = arith.constant 0 : i32
          %dma_start3A_252 = tpu.memref_slice %arg6[%arg0, %mul3A_251, %dma_start3A] : memref<2x10000x128xf32, #tpu.memory_space<hbm>> -> memref<1x40x128xf32, #tpu.memory_space<hbm>>
          %dma_start3A_253 = tpu.memref_squeeze %dma_start3A_252 : memref<1x40x128xf32, #tpu.memory_space<hbm>> -> memref<40x128xf32, #tpu.memory_space<hbm>>
          %dma_start3A_254 = arith.constant 0 : i32
          %dma_start3A_255 = tpu.memref_slice %arg7[%mul3A_249, %dma_start3A_254] : memref<10000x128xf32, #tpu.memory_space<vmem_shared>> -> memref<40x128xf32, #tpu.memory_space<vmem_shared>>
          tpu.enqueue_dma source(%dma_start3A_255 : memref<40x128xf32, #tpu.memory_space<vmem_shared>>) target(%dma_start3A_253 : memref<40x128xf32, #tpu.memory_space<hbm>>) target_semaphore(%run_scoped3A : memref<!tpu.dma_semaphore, #tpu.memory_space<semaphore_mem>>)
          %dma_wait3A_256 = arith.constant 0 : i32
          %dma_wait3A_257 = tpu.memref_slice %arg6[%arg0, %mul3A_251, %dma_wait3A_256] : memref<2x10000x128xf32, #tpu.memory_space<hbm>> -> memref<1x40x128xf32, #tpu.memory_space<hbm>>
          %dma_wait3A_258 = tpu.memref_squeeze %dma_wait3A_257 : memref<1x40x128xf32, #tpu.memory_space<hbm>> -> memref<40x128xf32, #tpu.memory_space<hbm>>
          %dma_wait3A_259 = arith.constant 0 : i32
          %dma_wait3A_260 = tpu.memref_slice %arg7[%mul3A_249, %dma_wait3A_259] : memref<10000x128xf32, #tpu.memory_space<vmem_shared>> -> memref<40x128xf32, #tpu.memory_space<vmem_shared>>
          tpu.wait_dma2 semaphore(%run_scoped3A : memref<!tpu.dma_semaphore, #tpu.memory_space<semaphore_mem>>) src(%dma_wait3A_260 : memref<40x128xf32, #tpu.memory_space<vmem_shared>>) dst(%dma_wait3A_258 : memref<40x128xf32, #tpu.memory_space<hbm>>)
          tpu.yield
        }) : () -> ()
      } else {
      }
    }
    %scan3A_239 = arith.constant 16 : i32
    return
  }
}

module attributes {stable_mosaic.version = 14 : i64} {
  func.func @_h_body(%arg0: i32, %arg1: memref<2000x128xf32, #tpu.memory_space<vmem>>, %arg2: memref<128x128xf32, #tpu.memory_space<vmem>>, %arg3: memref<2000x128xf32, #tpu.memory_space<vmem>>) attributes {dimension_semantics = [#tpu.dimension_semantics<arbitrary>], iteration_bounds = array<i64: 5>, scalar_prefetch = 0 : i64, scratch_operands = 0 : i64, tpu.core_type = #tpu.core_type<tc>, window_params = [{transform_indices = @transform_0, window_bounds = array<i64: 2000, 128>}, {pipeline_mode = #tpu.pipeline_mode<synchronous>, transform_indices = @transform_1, window_bounds = array<i64: 128, 128>}, {transform_indices = @transform_2, window_bounds = array<i64: 2000, 128>}]} {
    %get3A = arith.constant 0 : index
    %get3A_0 = arith.constant 0 : index
    %get3A_1 = vector.load %arg1[%get3A, %get3A_0] : memref<2000x128xf32, #tpu.memory_space<vmem>>, vector<2000x128xf32>
    %get3A_2 = arith.constant 0 : index
    %get3A_3 = arith.constant 0 : index
    %get3A_4 = vector.load %arg2[%get3A_2, %get3A_3] : memref<128x128xf32, #tpu.memory_space<vmem>>, vector<128x128xf32>
    %dot_general3A = arith.constant dense<0.000000e+00> : vector<2000x128xf32>
    %dot_general3A_5 = tpu.matmul %get3A_1, %get3A_4, %dot_general3A {dimension_numbers = #tpu.dot_dimension_numbers<[1], [1], [0], [0], [0, 0, 1, 0], [], []>, transpose_lhs_hint = false} : vector<2000x128xf32>, vector<128x128xf32>, vector<2000x128xf32> -> vector<2000x128xf32>
    %swap3A = arith.constant 0 : index
    %swap3A_6 = arith.constant 0 : index
    %swap3A_7 = vector.load %arg3[%swap3A, %swap3A_6] : memref<2000x128xf32, #tpu.memory_space<vmem>>, vector<2000x128xf32>
    tpu.vector_store %arg3[%swap3A, %swap3A_6], %dot_general3A_5 {strides = array<i32>} : memref<2000x128xf32, #tpu.memory_space<vmem>>, vector<2000x128xf32>,
    return
  }
  func.func @transform_0(%arg0: i32) -> (i32, i32) {
    %c0_i32 = arith.constant 0 : i32
    %c0_i32_0 = arith.constant 0 : i32
    return %arg0, %c0_i32 : i32, i32
  }
  func.func @transform_1(%arg0: i32) -> (i32, i32) {
    %c0_i32 = arith.constant 0 : i32
    %c0_i32_0 = arith.constant 0 : i32
    %c0_i32_1 = arith.constant 0 : i32
    return %c0_i32, %c0_i32_0 : i32, i32
  }
  func.func @transform_2(%arg0: i32) -> (i32, i32) {
    %c0_i32 = arith.constant 0 : i32
    %c0_i32_0 = arith.constant 0 : i32
    return %arg0, %c0_i32 : i32, i32
  }
}

module attributes {stable_mosaic.version = 14 : i64} {
  func.func @_mlp_body(%arg0: i32, %arg1: memref<2000x16xf32, #tpu.memory_space<vmem>>, %arg2: memref<128x16xf32, #tpu.memory_space<vmem>>, %arg3: memref<1x128xf32, #tpu.memory_space<vmem>>, %arg4: memref<128x128xf32, #tpu.memory_space<vmem>>, %arg5: memref<1x128xf32, #tpu.memory_space<vmem>>, %arg6: memref<2000x128xf32, #tpu.memory_space<vmem>>) attributes {dimension_semantics = [#tpu.dimension_semantics<arbitrary>], iteration_bounds = array<i64: 160>, scalar_prefetch = 0 : i64, scratch_operands = 0 : i64, tpu.core_type = #tpu.core_type<tc>, window_params = [{transform_indices = @transform_0, window_bounds = array<i64: 2000, 16>}, {pipeline_mode = #tpu.pipeline_mode<synchronous>, transform_indices = @transform_1, window_bounds = array<i64: 128, 16>}, {pipeline_mode = #tpu.pipeline_mode<synchronous>, transform_indices = @transform_2, window_bounds = array<i64: 1, 128>}, {pipeline_mode = #tpu.pipeline_mode<synchronous>, transform_indices = @transform_3, window_bounds = array<i64: 128, 128>}, {pipeline_mode = #tpu.pipeline_mode<synchronous>, transform_indices = @transform_4, window_bounds = array<i64: 1, 128>}, {transform_indices = @transform_5, window_bounds = array<i64: 2000, 128>}]} {
    %get3A = arith.constant 0 : index
    %get3A_0 = arith.constant 0 : index
    %get3A_1 = vector.load %arg1[%get3A, %get3A_0] : memref<2000x16xf32, #tpu.memory_space<vmem>>, vector<2000x16xf32>
    %get3A_2 = arith.constant 0 : index
    %get3A_3 = arith.constant 0 : index
    %get3A_4 = vector.load %arg2[%get3A_2, %get3A_3] : memref<128x16xf32, #tpu.memory_space<vmem>>, vector<128x16xf32>
    %dot_general3A = arith.constant dense<0.000000e+00> : vector<2000x128xf32>
    %dot_general3A_5 = tpu.matmul %get3A_1, %get3A_4, %dot_general3A {dimension_numbers = #tpu.dot_dimension_numbers<[1], [1], [0], [0], [0, 0, 1, 0], [], []>, transpose_lhs_hint = false} : vector<2000x16xf32>, vector<128x16xf32>, vector<2000x128xf32> -> vector<2000x128xf32>
    %get3A_6 = arith.constant 0 : index
    %get3A_7 = arith.constant 0 : index
    %get3A_8 = vector.load %arg3[%get3A_6, %get3A_7] : memref<1x128xf32, #tpu.memory_space<vmem>>, vector<1x128xf32>
    %add3A = vector.broadcast %get3A_8 : vector<1x128xf32> to vector<2000x128xf32>
    %add3A_9 = arith.addf %dot_general3A_5, %add3A : vector<2000x128xf32>
    %custom_jvp_call3A = arith.constant 0.000000e+00 : f32
    %max3A = vector.broadcast %custom_jvp_call3A : f32 to vector<2000x128xf32>
    %max3A_10 = arith.maximumf %add3A_9, %max3A : vector<2000x128xf32>
    %sub3A = vector.broadcast %custom_jvp_call3A : f32 to vector<2000x128xf32>
    %sub3A_11 = arith.subf %add3A_9, %sub3A : vector<2000x128xf32>
    %ne3A = arith.cmpf one, %sub3A_11, %sub3A_11 : vector<2000x128xf32>
    %add3A_12 = vector.broadcast %custom_jvp_call3A : f32 to vector<2000x128xf32>
    %add3A_13 = arith.addf %add3A_9, %add3A_12 : vector<2000x128xf32>
    %abs3A = math.absf %sub3A_11 : vector<2000x128xf32>
    %neg3A = arith.constant 0.000000e+00 : f32
    %neg3A_14 = vector.broadcast %neg3A : f32 to vector<2000x128xf32>
    %neg3A_15 = arith.subf %neg3A_14, %abs3A : vector<2000x128xf32>
    %exp3A = math.exp %neg3A_15 : vector<2000x128xf32>
    %log1p3A = math.log1p %exp3A : vector<2000x128xf32>
    %add3A_16 = arith.addf %max3A_10, %log1p3A : vector<2000x128xf32>
    %select_n3A = arith.select %ne3A, %add3A_13, %add3A_16 : vector<2000x128xi1>, vector<2000x128xf32>
    %sub3A_17 = arith.constant 0.693147182 : f32
    %sub3A_18 = vector.broadcast %sub3A_17 : f32 to vector<2000x128xf32>
    %sub3A_19 = arith.subf %select_n3A, %sub3A_18 : vector<2000x128xf32>
    %get3A_20 = arith.constant 0 : index
    %get3A_21 = arith.constant 0 : index
    %get3A_22 = vector.load %arg4[%get3A_20, %get3A_21] : memref<128x128xf32, #tpu.memory_space<vmem>>, vector<128x128xf32>
    %dot_general3A_23 = arith.constant dense<0.000000e+00> : vector<2000x128xf32>
    %dot_general3A_24 = tpu.matmul %sub3A_19, %get3A_22, %dot_general3A_23 {dimension_numbers = #tpu.dot_dimension_numbers<[1], [1], [0], [0], [0, 0, 1, 0], [], []>, transpose_lhs_hint = false} : vector<2000x128xf32>, vector<128x128xf32>, vector<2000x128xf32> -> vector<2000x128xf32>
    %get3A_25 = arith.constant 0 : index
    %get3A_26 = arith.constant 0 : index
    %get3A_27 = vector.load %arg5[%get3A_25, %get3A_26] : memref<1x128xf32, #tpu.memory_space<vmem>>, vector<1x128xf32>
    %add3A_28 = vector.broadcast %get3A_27 : vector<1x128xf32> to vector<2000x128xf32>
    %add3A_29 = arith.addf %dot_general3A_24, %add3A_28 : vector<2000x128xf32>
    %swap3A = arith.constant 0 : index
    %swap3A_30 = arith.constant 0 : index
    %swap3A_31 = vector.load %arg6[%swap3A, %swap3A_30] : memref<2000x128xf32, #tpu.memory_space<vmem>>, vector<2000x128xf32>
    tpu.vector_store %arg6[%swap3A, %swap3A_30], %add3A_29 {strides = array<i32>} : memref<2000x128xf32, #tpu.memory_space<vmem>>, vector<2000x128xf32>,
    return
  }
  func.func @transform_0(%arg0: i32) -> (i32, i32) {
    %c0_i32 = arith.constant 0 : i32
    %c0_i32_0 = arith.constant 0 : i32
    return %arg0, %c0_i32 : i32, i32
  }
  func.func @transform_1(%arg0: i32) -> (i32, i32) {
    %c0_i32 = arith.constant 0 : i32
    %c0_i32_0 = arith.constant 0 : i32
    %c0_i32_1 = arith.constant 0 : i32
    return %c0_i32, %c0_i32_0 : i32, i32
  }
  func.func @transform_2(%arg0: i32) -> (i32, i32) {
    %c0_i32 = arith.constant 0 : i32
    %c0_i32_0 = arith.constant 0 : i32
    %c0_i32_1 = arith.constant 0 : i32
    return %c0_i32, %c0_i32_0 : i32, i32
  }
  func.func @transform_3(%arg0: i32) -> (i32, i32) {
    %c0_i32 = arith.constant 0 : i32
    %c0_i32_0 = arith.constant 0 : i32
    %c0_i32_1 = arith.constant 0 : i32
    return %c0_i32, %c0_i32_0 : i32, i32
  }
  func.func @transform_4(%arg0: i32) -> (i32, i32) {
    %c0_i32 = arith.constant 0 : i32
    %c0_i32_0 = arith.constant 0 : i32
    %c0_i32_1 = arith.constant 0 : i32
    return %c0_i32, %c0_i32_0 : i32, i32
  }
  func.func @transform_5(%arg0: i32) -> (i32, i32) {
    %c0_i32 = arith.constant 0 : i32
    %c0_i32_0 = arith.constant 0 : i32
    return %arg0, %c0_i32 : i32, i32
  }
}

module attributes {stable_mosaic.version = 14 : i64} {
  func.func @_head_body(%arg0: i32, %arg1: memref<2000x128xf32, #tpu.memory_space<vmem>>, %arg2: memref<2000x128xf32, #tpu.memory_space<vmem>>, %arg3: memref<128x128xf32, #tpu.memory_space<vmem>>, %arg4: memref<1x128xf32, #tpu.memory_space<vmem>>, %arg5: memref<128x128xf32, #tpu.memory_space<vmem>>, %arg6: memref<1x128xf32, #tpu.memory_space<vmem>>, %arg7: memref<2000x128xf32, #tpu.memory_space<vmem>>) attributes {dimension_semantics = [#tpu.dimension_semantics<arbitrary>], iteration_bounds = array<i64: 5>, scalar_prefetch = 0 : i64, scratch_operands = 0 : i64, tpu.core_type = #tpu.core_type<tc>, window_params = [{transform_indices = @transform_0, window_bounds = array<i64: 2000, 128>}, {transform_indices = @transform_1, window_bounds = array<i64: 2000, 128>}, {pipeline_mode = #tpu.pipeline_mode<synchronous>, transform_indices = @transform_2, window_bounds = array<i64: 128, 128>}, {pipeline_mode = #tpu.pipeline_mode<synchronous>, transform_indices = @transform_3, window_bounds = array<i64: 1, 128>}, {pipeline_mode = #tpu.pipeline_mode<synchronous>, transform_indices = @transform_4, window_bounds = array<i64: 128, 128>}, {pipeline_mode = #tpu.pipeline_mode<synchronous>, transform_indices = @transform_5, window_bounds = array<i64: 1, 128>}, {transform_indices = @transform_6, window_bounds = array<i64: 2000, 128>}]} {
    %get3A = arith.constant 0 : index
    %get3A_0 = arith.constant 0 : index
    %get3A_1 = vector.load %arg1[%get3A, %get3A_0] : memref<2000x128xf32, #tpu.memory_space<vmem>>, vector<2000x128xf32>
    %get3A_2 = arith.constant 0 : index
    %get3A_3 = arith.constant 0 : index
    %get3A_4 = vector.load %arg2[%get3A_2, %get3A_3] : memref<2000x128xf32, #tpu.memory_space<vmem>>, vector<2000x128xf32>
    %add3A = arith.addf %get3A_1, %get3A_4 : vector<2000x128xf32>
    %get3A_5 = arith.constant 0 : index
    %get3A_6 = arith.constant 0 : index
    %get3A_7 = vector.load %arg3[%get3A_5, %get3A_6] : memref<128x128xf32, #tpu.memory_space<vmem>>, vector<128x128xf32>
    %dot_general3A = arith.constant dense<0.000000e+00> : vector<2000x128xf32>
    %dot_general3A_8 = tpu.matmul %add3A, %get3A_7, %dot_general3A {dimension_numbers = #tpu.dot_dimension_numbers<[1], [1], [0], [0], [0, 0, 1, 0], [], []>, transpose_lhs_hint = false} : vector<2000x128xf32>, vector<128x128xf32>, vector<2000x128xf32> -> vector<2000x128xf32>
    %get3A_9 = arith.constant 0 : index
    %get3A_10 = arith.constant 0 : index
    %get3A_11 = vector.load %arg4[%get3A_9, %get3A_10] : memref<1x128xf32, #tpu.memory_space<vmem>>, vector<1x128xf32>
    %add3A_12 = vector.broadcast %get3A_11 : vector<1x128xf32> to vector<2000x128xf32>
    %add3A_13 = arith.addf %dot_general3A_8, %add3A_12 : vector<2000x128xf32>
    %custom_jvp_call3A = arith.constant 0.000000e+00 : f32
    %max3A = vector.broadcast %custom_jvp_call3A : f32 to vector<2000x128xf32>
    %max3A_14 = arith.maximumf %add3A_13, %max3A : vector<2000x128xf32>
    %sub3A = vector.broadcast %custom_jvp_call3A : f32 to vector<2000x128xf32>
    %sub3A_15 = arith.subf %add3A_13, %sub3A : vector<2000x128xf32>
    %ne3A = arith.cmpf one, %sub3A_15, %sub3A_15 : vector<2000x128xf32>
    %add3A_16 = vector.broadcast %custom_jvp_call3A : f32 to vector<2000x128xf32>
    %add3A_17 = arith.addf %add3A_13, %add3A_16 : vector<2000x128xf32>
    %abs3A = math.absf %sub3A_15 : vector<2000x128xf32>
    %neg3A = arith.constant 0.000000e+00 : f32
    %neg3A_18 = vector.broadcast %neg3A : f32 to vector<2000x128xf32>
    %neg3A_19 = arith.subf %neg3A_18, %abs3A : vector<2000x128xf32>
    %exp3A = math.exp %neg3A_19 : vector<2000x128xf32>
    %log1p3A = math.log1p %exp3A : vector<2000x128xf32>
    %add3A_20 = arith.addf %max3A_14, %log1p3A : vector<2000x128xf32>
    %select_n3A = arith.select %ne3A, %add3A_17, %add3A_20 : vector<2000x128xi1>, vector<2000x128xf32>
    %sub3A_21 = arith.constant 0.693147182 : f32
    %sub3A_22 = vector.broadcast %sub3A_21 : f32 to vector<2000x128xf32>
    %sub3A_23 = arith.subf %select_n3A, %sub3A_22 : vector<2000x128xf32>
    %get3A_24 = arith.constant 0 : index
    %get3A_25 = arith.constant 0 : index
    %get3A_26 = vector.load %arg5[%get3A_24, %get3A_25] : memref<128x128xf32, #tpu.memory_space<vmem>>, vector<128x128xf32>
    %dot_general3A_27 = arith.constant dense<0.000000e+00> : vector<2000x128xf32>
    %dot_general3A_28 = tpu.matmul %sub3A_23, %get3A_26, %dot_general3A_27 {dimension_numbers = #tpu.dot_dimension_numbers<[1], [1], [0], [0], [0, 0, 1, 0], [], []>, transpose_lhs_hint = false} : vector<2000x128xf32>, vector<128x128xf32>, vector<2000x128xf32> -> vector<2000x128xf32>
    %get3A_29 = arith.constant 0 : index
    %get3A_30 = arith.constant 0 : index
    %get3A_31 = vector.load %arg6[%get3A_29, %get3A_30] : memref<1x128xf32, #tpu.memory_space<vmem>>, vector<1x128xf32>
    %add3A_32 = vector.broadcast %get3A_31 : vector<1x128xf32> to vector<2000x128xf32>
    %add3A_33 = arith.addf %dot_general3A_28, %add3A_32 : vector<2000x128xf32>
    %swap3A = arith.constant 0 : index
    %swap3A_34 = arith.constant 0 : index
    %swap3A_35 = vector.load %arg7[%swap3A, %swap3A_34] : memref<2000x128xf32, #tpu.memory_space<vmem>>, vector<2000x128xf32>
    tpu.vector_store %arg7[%swap3A, %swap3A_34], %add3A_33 {strides = array<i32>} : memref<2000x128xf32, #tpu.memory_space<vmem>>, vector<2000x128xf32>,
    return
  }
  func.func @transform_0(%arg0: i32) -> (i32, i32) {
    %c0_i32 = arith.constant 0 : i32
    %c0_i32_0 = arith.constant 0 : i32
    return %arg0, %c0_i32 : i32, i32
  }
  func.func @transform_1(%arg0: i32) -> (i32, i32) {
    %c0_i32 = arith.constant 0 : i32
    %c0_i32_0 = arith.constant 0 : i32
    return %arg0, %c0_i32 : i32, i32
  }
  func.func @transform_2(%arg0: i32) -> (i32, i32) {
    %c0_i32 = arith.constant 0 : i32
    %c0_i32_0 = arith.constant 0 : i32
    %c0_i32_1 = arith.constant 0 : i32
    return %c0_i32, %c0_i32_0 : i32, i32
  }
  func.func @transform_3(%arg0: i32) -> (i32, i32) {
    %c0_i32 = arith.constant 0 : i32
    %c0_i32_0 = arith.constant 0 : i32
    %c0_i32_1 = arith.constant 0 : i32
    return %c0_i32, %c0_i32_0 : i32, i32
  }
  func.func @transform_4(%arg0: i32) -> (i32, i32) {
    %c0_i32 = arith.constant 0 : i32
    %c0_i32_0 = arith.constant 0 : i32
    %c0_i32_1 = arith.constant 0 : i32
    return %c0_i32, %c0_i32_0 : i32, i32
  }
  func.func @transform_5(%arg0: i32) -> (i32, i32) {
    %c0_i32 = arith.constant 0 : i32
    %c0_i32_0 = arith.constant 0 : i32
    %c0_i32_1 = arith.constant 0 : i32
    return %c0_i32, %c0_i32_0 : i32, i32
  }
  func.func @transform_6(%arg0: i32) -> (i32, i32) {
    %c0_i32 = arith.constant 0 : i32
    %c0_i32_0 = arith.constant 0 : i32
    return %arg0, %c0_i32 : i32, i32
  }
}

</mosaic_0001>

<sc_bundles>
// kernel: kernel.6.cloned.1.call-start
scs
__scs_entry_jumppad:
0x0: {  	(pc) =	sbr.rel $0x88, $3  }
0x1: {  	(tag) =	ssettag $0x0;
	lr =	simm.s32 $0x1  }
0x2: {  	[smem:$0x3F95] =	sst lr;
	_ =	strace $0xD0000000  }
0x3: {  	_ = 	snop  }
0x4: {  	_ = 	snop  }
0x5: {  	_ = 	snop  }
0x6: {  	_ = 	snop  }
0x7: {  	_ = 	snop  }
__scs_overlays_trampoline_lowered:
0x8: {  	[smem:$0x3FA4] =	sst s0  }
0x9: {  	[smem:$0x3FA5] =	sst s1  }
0xa: {  	[smem:$0x3FA6] =	sst s2  }
0xb: {  	[smem:$0x3FA7] =	sst s3  }
0xc: {  	[smem:$0x3FA8] =	sst s4  }
0xd: {  	[smem:$0x3FA9] =	sst s5  }
0xe: {  	[smem:$0x3FAA] =	sst s6  }
0xf: {  	[smem:$0x3FAB] =	sst s7  }
0x10: {  	[smem:$0x3FAC] =	sst s8  }
0x11: {  	[smem:$0x3FAD] =	sst s9;
	s0 =	simm.s32 @!p0 $0x0  }
0x12: {  	s1 =	sld [smem:$0x3F93];
	s0 =	simm.s32 @p0 $0x1  }
0x13: {  	[smem:$0x3FAE] =	sst s0;
	s0 =	simm.s32 @!p1 $0x0  }
0x14: {  	s2 =	sld [smem:$0x3F92];
	s0 =	simm.s32 @p1 $0x1  }
0x15: {  	[smem:$0x3FAF] =	sst s0;
	s0 =	simm.s32 @!p2 $0x0  }
0x16: {  	s3 =	sld [smem:$0x3FDB];
	s0 =	simm.s32 @p2 $0x1  }
0x17: {  	s4 =	simm.s32 $0x1BF5;
	[smem:$0x3FB1] =	sst s0  }
0x18: {  	s0 =	sld [smem:$0x3F94];
	_ =	swait.ge [sflag:s4], $0x0  }
0x19: {  	s7 =	sld [smem:$0x3F95]  }
0x1a: {  	s8 =	sadd.s32 $0xFFFFE003, lr  }
0x1b: {  	s9 =	sadd.s32 $0xFFFFFEF7, lr;
	s5 =	simm.s32 $0xFFFFFFFF;
	p2 =	slt.u32 s8, $0xFFFFF086  }
0x1c: {  	p1 =	slt.u32 s9, $0xF7A;
	s5 =	simm.s32 @!p2 $0x0  }
0x1d: {  	s5 =	simm.s32 @p1 $0x1;
	p0 =	seq.s32 s7, s2  }
0x1e: {  	s7 =	smul.u32 @!p0 $0xF7A, s2;
	p2 =	seq.s32 @!p0 s5, $0x0  }
0x1f: {  	s9 =	smul.u32 $0xF7A, s1;
	s8 =	simm.s32 @!p0 $0x1BF5;
	p2 =	por !p2, p0  }
0x20: {  	[sflag:s8] =	ssyncset.s32 @!p0 $0xFFFFF086;
	s6 =	sadd.s32 @!p0 s3, s7;
	s7 =	simm.s32 @!p0 $0x108  }
0x21: {  	s3 =	sadd.s32 s3, s9;
	s6 =	sadd.s32 @!p0 $0x88, s6;
	s7 =	simm.s32 @p2 $0x1082  }
0x22: {  	[simem:s7], [sflag:s8] =	dma.local @!p0 [hbm:s6], $0xF7A  }
0x23: {  	s9 =	sor.u32 $0xD0000000, s2;
	s6 =	simm.s32 $0x108;
	_ =	swait.ge @!p0 [sflag:s8], $0x0  }
0x24: {  	s3 =	sadd.s32 $0x88, s3;
	s6 =	simm.s32 @!p1 $0x1082;
	[sflag:s4] =	ssyncset.s32 $0xFFFFF086  }
0x25: {  	[simem:s6], [sflag:s4] =	dma.local [hbm:s3], $0xF7A  }
0x26: {  	[smem:$0x3F95] =	sst s1;
	(tag) =	ssettag s2;
	_ =	strace s9  }
0x27: {  	s1 =	sld [smem:$0x3FA5]  }
0x28: {  	s2 =	sld [smem:$0x3FA6]  }
0x29: {  	s4 =	sld [smem:$0x3FA8]  }
0x2a: {  	p0 =	seq.s32 s5, $0x0;
	s5 =	sld [smem:$0x3FA9]  }
0x2b: {  	s6 =	sld [smem:$0x3FAA]  }
0x2c: {  	s7 =	sld [smem:$0x3FAB]  }
0x2d: {  	s3 =	simm.s32 $0x108;
	s8 =	sld [smem:$0x3FAC]  }
0x2e: {  	s3 =	simm.s32 @!p0 $0x1082;
	s9 =	sld [smem:$0x3FAD]  }
0x2f: {  	lr =	sadd.s32 s0, s3;
	s0 =	sld [smem:$0x3FA4]  }
0x30: {  	s3 =	sld [smem:$0x3FA7]  }
0x31: {  	[smem:$0x3FB0] =	sst s10  }
0x32: {  	s10 =	sld [smem:$0x3FAE];
	_ =	sdelay $0x3  }
0x33: {  	p0 =	seq.s32 s10, $0x1;
	s10 =	sld [smem:$0x3FB0];
	_ =	sdelay $0x3  }
0x34: {  	[smem:$0x3FB0] =	sst s10  }
0x35: {  	s10 =	sld [smem:$0x3FAF];
	_ =	sdelay $0x3  }
0x36: {  	p1 =	seq.s32 s10, $0x1;
	s10 =	sld [smem:$0x3FB0];
	_ =	sdelay $0x3  }
0x37: {  	[smem:$0x3FB0] =	sst s10  }
0x38: {  	s10 =	sld [smem:$0x3FB1]  }
0x39: {  	_ = 	snop;
	(pc) =	sbr.ind lr, $3  }
0x3a: {  	_ = 	snop  }
0x3b: {  	_ = 	snop  }
0x3c: {  	p2 =	seq.s32 s10, $0x1;
	s10 =	sld [smem:$0x3FB0]  }
0x3d: {  	_ =	shalt  }
0x3e: {  	_ =	shalt  }
0x3f: {  	_ =	shalt  }
0x40: {  	_ =	shalt  }
0x41: {  	_ =	shalt  }
0x42: {  	_ =	shalt  }
0x43: {  	_ =	shalt  }
0x44: {  	_ =	shalt  }
0x45: {  	_ =	shalt  }
0x46: {  	_ =	shalt  }
0x47: {  	_ =	shalt  }
0x48: {  	_ =	shalt  }
0x49: {  	_ =	shalt  }
0x4a: {  	_ =	shalt  }
0x4b: {  	_ =	shalt  }
0x4c: {  	_ =	shalt  }
0x4d: {  	_ =	shalt  }
0x4e: {  	_ =	shalt  }
0x4f: {  	_ =	shalt  }
0x50: {  	_ =	shalt  }
0x51: {  	_ =	shalt  }
0x52: {  	_ =	shalt  }
0x53: {  	_ =	shalt  }
0x54: {  	_ =	shalt  }
0x55: {  	_ =	shalt  }
0x56: {  	_ =	shalt  }
0x57: {  	_ =	shalt  }
0x58: {  	_ =	shalt  }
0x59: {  	_ =	shalt  }
0x5a: {  	_ =	shalt  }
0x5b: {  	_ =	shalt  }
0x5c: {  	_ =	shalt  }
0x5d: {  	_ =	shalt  }
0x5e: {  	_ =	shalt  }
0x5f: {  	_ =	shalt  }
0x60: {  	_ =	shalt  }
0x61: {  	_ =	shalt  }
0x62: {  	_ =	shalt  }
0x63: {  	_ =	shalt  }
0x64: {  	_ =	shalt  }
0x65: {  	_ =	shalt  }
0x66: {  	_ =	shalt  }
0x67: {  	_ =	shalt  }
0x68: {  	_ =	shalt  }
0x69: {  	_ =	shalt  }
0x6a: {  	_ =	shalt  }
0x6b: {  	_ =	shalt  }
0x6c: {  	_ =	shalt  }
0x6d: {  	_ =	shalt  }
0x6e: {  	_ =	shalt  }
0x6f: {  	_ =	shalt  }
0x70: {  	_ =	shalt  }
0x71: {  	_ =	shalt  }
0x72: {  	_ =	shalt  }
0x73: {  	_ =	shalt  }
0x74: {  	_ =	shalt  }
0x75: {  	_ =	shalt  }
0x76: {  	_ =	shalt  }
0x77: {  	_ =	shalt  }
0x78: {  	_ =	shalt  }
0x79: {  	_ =	shalt  }
0x7a: {  	_ =	shalt  }
0x7b: {  	_ =	shalt  }
0x7c: {  	_ =	shalt  }
0x7d: {  	_ =	shalt  }
0x7e: {  	_ =	shalt  }
0x7f: {  	_ =	shalt  }
0x80: {  	_ =	shalt  }
0x81: {  	_ =	shalt  }
0x82: {  	_ =	shalt  }
0x83: {  	_ =	shalt  }
0x84: {  	_ =	shalt  }
0x85: {  	_ =	shalt  }
0x86: {  	_ =	shalt  }
0x87: {  	_ =	shalt  }
.Lfunc_end0:
.L_simem_size_0:
called_computation_lowered:
.L_overlay_start_0:
0x88: {  	s2 =	sld [smem:$0x3FD9]  }
0x89: {  	s3 =	sld [smem:$0x3FFE];
	_ =	sdelay $0x1  }
0x8a: {  	s1 =	srdreg.scid  }
0x8b: {  	s0 =	sand.u32 $0x1, s1  }
0x8c: {  	s17 =	sshll.u32 s0, $0xA;
	s2 =	sadd.s32 s3, s2  }
0x8d: {  	s2 =	sadd.s32 s2, s17  }
0x8e: {  	[smem:$0x3FBC] =	sst s2  }
0x8f: {  	_ = 	snop  }
0x90: {  	s2 =	sld [smem:$0x3FD0];
	(tm) =	ssettm $0x1  }
0x91: {  	s18 =	sld [smem:$0x3FFB];
	_ =	sdelay $0x3  }
0x92: {  	_ =	strace s18  }
0x93: {  	s3 =	sld [smem:$0x3FFC];
	_ =	sdelay $0x3  }
0x94: {  	_ =	strace s3  }
0x95: {  	s3 =	sld [smem:$0x3FFD];
	_ =	sdelay $0x3  }
0x96: {  	_ =	strace s3  }
0x97: {  	_ =	strace $0x8FFFFFFF  }
0x98: {  	s19 =	sld [smem:$0x3FDB];
	_ =	sdelay $0x1  }
0x99: {  	s4 =	simm.s32 $_scs_section_size  }
0x9a: {  	s5 =	simm.s32 $_size__tile_overlayer_lowered;
	s6 =	simm.s32 $_tile_overlayer_lowered  }
0x9b: {  	s22 =	simm.s32 $0x1BFF;
	s21 =	sshll.u32 s6, $0x1;
	s3 =	sadd.s32 s4, s19  }
0x9c: {  	s7 =	simm.s32 $0x0;
	s20 =	sshll.u32 s5, $0x1;
	s5 =	sadd.s32 s21, s3  }
0x9d: {  	[timem:s7], [sflag:s22] =	dma.local [hbm:s5], s20  }
0x9e: {  	_ =	swait.ge [sflag:s22], s20  }
0x9f: {  	s4 =	ssub.s32 $0x0, s20;
	[sflag:s22] =	ssyncset.done $0x0  }
0xa0: {  	[sflag:s22] =	ssyncadd.s32 s4;
	_ =	sdelay $0x1  }
0xa1: {  	s23 =	simm.s32 $0x1B8B  }
0xa2: {  	_ =	swait.ge [sflag:s23], $0x1  }
0xa3: {  	[sflag:s23] =	ssyncset.done $0x0  }
0xa4: {  	s25 =	simm.s32 $0x1B8E;
	s24 =	sld [smem:$0x3FFE];
	[sflag:s23] =	ssyncadd.s32 $0xFFFFFFFF  }
0xa5: {  	s26 =	simm.s32 $execute0_lowered;
	[smem:$0x3FD2] =	sst s25  }
0xa6: {  	s5 =	sshll.u32 s26, $0x1;
	_ =	strace $0x80000046;
	[dreg:$0x1] =	wrdreg $0xFFFFFFFF  }
0xa7: {  	s28 =	simm.s32 $_size_execute0_lowered;
	s3 =	sadd.s32 s3, s5;
	[dreg:$0x0] =	wrdreg $0x0  }
0xa8: {  	s5 =	sshll.u32 s28, $0x1;
	[dreg:$0x2] =	wrdreg s3  }
0xa9: {  	[dreg:$0x3] =	wrdreg s5  }
0xaa: {  	[dreg:$0x4] =	wrdreg $0xC0  }
0xab: {  	_ =	task [dreg:s7], $0x5FFFF  }
0xac: {  	[dreg:$0x1] =	wrdreg $0xFFFFFFFF  }
0xad: {  	[dreg:$0x0] =	wrdreg $0x60  }
0xae: {  	[dreg:$0x2] =	wrdreg s2  }
0xaf: {  	[dreg:$0x3] =	wrdreg s24  }
0xb0: {  	[dreg:$0x4] =	wrdreg $0x0  }
0xb1: {  	[dreg:$0x5] =	wrdreg $0x9  }
0xb2: {  	_ =	task.clear_ibuf [dreg:s7], $0x6FFFF;
	_ =	strace $0x90000046  }
0xb3: {  	s29 =	simm.s32 $0x9;
	_ =	strace $0x80000048  }
0xb4: {  	_ =	swait.ge [sflag:s29], $0x1  }
0xb5: {  	[sflag:s29] =	ssyncadd.s32 $0xFFFFFFFF  }
0xb6: {  	_ =	strace $0x90000048  }
0xb7: {  	_ =	sfence  }
0xb8: {  	s30 =	sld [smem:$0x0];
	_ =	sdelay $0x2  }
0xb9: {  	s31 =	sshll.u32 s1, $0xD;
	s1 =	sshrl.u32 s1, $0x2  }
0xba: {  	s3 =	sand.u32 $0x4000, s31;
	s1 =	sadd.s32 s1, s30  }
0xbb: {  	s0 =	sor.u32 s3, s0;
	s1 =	sshll.u32 s1, $0x11  }
0xbc: {  	s0 =	sor.u32 s1, s0  }
0xbd: {  	s0 =	sadd.s32 $0x8F2B, s0  }
0xbe: {  	[sflag:s0] =	ssyncadd.remote.s32 $0x1  }
0xbf: {  	_ =	sfence.sel $0xFFFF  }
0xc0: {  	[dreg:$0x0] =	wrdreg $0xFFFFFFFF;
	(pc) =	sbr.abs _section_cstart, $3  }
0xc1: {  	[dreg:$0x1] =	wrdreg $0xFFFFFFFF  }
0xc2: {  	_ =	task.clear_ibuf [dreg:s7], $0x2FFFF;
	_ =	strace $0x9FFFFFFF  }
0xc3: {  	(tm) =	ssettm $0x7FFFFFFF  }
tec
execute0_lowered:
.L_overlay_start_1:
0x0: {  	(tag) =	ssettag $0x1  }
0x1: {  	s1 =	rddreg [dreg:$0x0]  }
0x2: {  	s0 =	rddreg [dreg:$0x1]  }
0x3: {  	s2 =	rddreg [dreg:$0x2];
	s3 =	srdreg.scid;
	s4 =	simm.s32 $0x0  }
0x4: {  	s29 =	simm.s32 $0x17480;
	s31 =	simm.s32 $0x18880;
	s28 =	simm.s32 $0x2  }
0x5: {  	s30 =	simm.s32 $0x4;
	s9 =	sand.u32 $0x1, s3;
	[smem:$0x7FF] =	sst s4  }
0x6: {  	s3 =	stileid.u32;
	s5 =	sadd.s32 $0x4F7600, s0;
	s7 =	smul.u32 $0x138800, s9  }
0x7: {  	s8 =	smul.u32 $0x1400, s3;
	s6 =	sshll.u32 s9, $0x4;
	_ =	strace $0x80000047  }
0x8: {  	s9 =	ssub.s32 $0x2, s9;
	s24 =	smul.u32 $0x5000, s3;
	s10 =	sor.u32 s3, s6  }
0x9: {  	s6 =	sadd.s32 $0xB800, s0;
	s11 =	sadd.s32 s8, s7;
	s7 =	smul.u32 $0x2710, s10  }
0xa: {  	s20 =	sshrl.u32 s9, $0x1;
	s8 =	sadd.s32 $0x1A00, s0;
	s22 =	smul.u32 $0x138800, s10  }
0xb: {  	s9 =	ssub.s32 s9, s20;
	s10 =	smul.u32 $0x27100, s10;
	s26 =	sshrl.u32 s24, $0x2  }
0xc: {  	s24 =	simm.s32 $0x13880;
	s20 =	simm.s32 $0x1;
	s11 =	sshrl.u32 s11, $0x3  }
0xd: {  	s9 =	smax.u32 s9, $0x1;
	s17 =	sadd.s32 s26, s2;
	s26 =	simm.s32 $0x16080  }
0xe: {  	s0 =	sadd.s32 s11, s0;
	s12 =	sshrl.u32 s7, $0x3;
	[dreg:$0xa] =	wrdreg s9  }
0xf: {  	s11 =	sshrl.u32 s22, $0x3;
	s10 =	sadd.s32 s5, s10;
	[dreg:$0xb] =	wrdreg s17  }
0x10: {  	s22 =	simm.s32 $0x5;
	s21 =	sadd.s32 s6, s12;
	[dreg:$0x8] =	wrdreg s10  }
0x11: {  	s9 =	simm.s32 $0x0;
	s13 =	sadd.s32 s8, s12;
	[dreg:$0x4] =	wrdreg s21  }
0x12: {  	s12 =	sadd.s32 $0x32, s12;
	s0 =	sadd.s32 $0x15600, s0;
	[dreg:$0x5] =	wrdreg s13  }
0x13: {  	s25 =	sadd.s32 s5, s11;
	s23 =	sadd.s32 s6, s12;
	[dreg:$0xc] =	wrdreg s0  }
0x14: {  	s12 =	sadd.s32 s8, s12;
	s10 =	sadd.s32 $0x280, s25;
	[dreg:$0x6] =	wrdreg s23  }
0x15: {  	s25 =	simm.s32 $0x14C80;
	s0 =	simm.s32 $0x19C80;
	[dreg:$0x7] =	wrdreg s12  }
0x16: {  	v0 =	vimm.f32 $0.0e+00;
	s21 =	simm.s32 $0x3;
	[dreg:$0x9] =	wrdreg s10;
	s23 =	simm.s32 $0x28  }
.LBB2_1:
0x17: {  	s10 =	simm.s32 $0x0;
	s11 =	simm.s32 $0x200  }
.LBB2_2:
0x18: {  	p0 =	sne.s32 s11, $0x4E00;
	[tilespmem:s10+$0x138F0] =	vst v0  }
0x19: {  	[tilespmem:s10+$0x13880] =	vst v0  }
0x1a: {  	[tilespmem:s10+$0x13890] =	vst v0  }
.Ltmp0:
0x1b: {  	[tilespmem:s10+$0x138A0] =	vst v0;
	(pc) =	sbr.rel @p0 .LBB2_2-.Ltmp0, $4  }
0x1c: {  	[tilespmem:s10+$0x138B0] =	vst v0  }
0x1d: {  	[tilespmem:s10+$0x138C0] =	vst v0  }
0x1e: {  	[tilespmem:s10+$0x138D0] =	vst v0  }
0x1f: {  	[tilespmem:s10+$0x138E0] =	vst v0;
	s10 =	sshra.s32 s11, $0x2;
	s11 =	sadd.s32 $0x200, s11  }
0x20: {  	[tilespmem:s10+$0x138F0] =	vst v0  }
0x21: {  	[tilespmem:s10+$0x13880] =	vst v0  }
0x22: {  	[tilespmem:s10+$0x13890] =	vst v0  }
0x23: {  	[tilespmem:s10+$0x138A0] =	vst v0  }
0x24: {  	[tilespmem:s10+$0x138B0] =	vst v0  }
0x25: {  	[tilespmem:s10+$0x138C0] =	vst v0;
	s11 =	sadd.s32 $0x0, s3  }
0x26: {  	[tilespmem:s10+$0x138D0] =	vst v0;
	p0 =	sgt.u32 s11, $0xF9  }
0x27: {  	[tilespmem:s10+$0x138E0] =	vst v0;
	s10 =	simm.s32 @!p0 $0x13880;
	s13 =	simm.s32 @!p0 $0x6  }
0x28: {  	[spmem:s17] =	stream.linear.scatter @!p0 [tilespmem:s10], [sflag:$0x6], $0x1400, $0x38;
	[tilespmem:$0x1B880] =	vst v63  }
0x29: {  	s12 =	simm.s32 $0x20;
	_ =	swait.ge @!p0 [sflag:s13], $0x1400  }
0x2a: {  	s11 =	simm.s32 $0x10;
	s10 =	sadd.s32 $0x14000, s17;
	[sflag:s13] =	ssyncset.done @!p0 $0x0  }
.LBB2_4:
0x2b: {  	s14 =	sadd.s32 s11, s3;
	s11 =	smov.u32 s12;
	s12 =	sadd.s32 $0x10, s12  }
0x2c: {  	[sflag:s13] =	ssyncadd.s32 @!p0 $0xFFFFEC00;
	p1 =	sne.s32 s12, $0x100  }
.Ltmp1:
0x2d: {  	p0 =	sgt.u32 s14, $0xF9;
	(pc) =	sbr.rel @p1 .LBB2_4-.Ltmp1, $4  }
0x2e: {  	s14 =	simm.s32 @!p0 $0x13880;
	s13 =	simm.s32 @!p0 $0x6  }
0x2f: {  	[spmem:s10] =	stream.linear.scatter @!p0 [tilespmem:s14], [sflag:$0x6], $0x1400, $0x38;
	[tilespmem:$0x1B880] =	vst v63  }
0x30: {  	_ =	swait.ge @!p0 [sflag:s13], $0x1400  }
0x31: {  	s10 =	sadd.s32 $0x14000, s10;
	[sflag:s13] =	ssyncset.done @!p0 $0x0  }
0x32: {  	s11 =	sadd.s32 s11, s3  }
0x33: {  	p1 =	sgt.u32 s11, $0xF9  }
0x34: {  	[sflag:s13] =	ssyncadd.s32 @!p0 $0xFFFFEC00;
	s11 =	simm.s32 @!p1 $0x13880;
	s12 =	simm.s32 @!p1 $0x6  }
0x35: {  	[spmem:s10] =	stream.linear.scatter @!p1 [tilespmem:s11], [sflag:$0x6], $0x1400, $0x38;
	[tilespmem:$0x1B880] =	vst v63  }
0x36: {  	_ =	swait.ge @!p1 [sflag:s12], $0x1400  }
0x37: {  	[sflag:s12] =	ssyncset.done @!p1 $0x0  }
0x38: {  	[sflag:s12] =	ssyncadd.s32 @!p1 $0xFFFFEC00  }
0x39: {  	[bflag:$0x0] =	sbarrier.arrive $0xFFFF  }
0x3a: {  	s18 =	simm.s32 $0x0;
	s12 =	simm.s32 $0x1B080;
	s11 =	rddreg [dreg:$0x4]  }
0x3b: {  	[tilespmem:s12], [sflag:$0x5] =	stream.linear.gather [hbm4b:s11+s18], $0x190, $0x38;
	[tilespmem:$0x1B880] =	vst v63  }
0x3c: {  	s16 =	simm.s32 $0x1B280;
	s15 =	rddreg [dreg:$0x5]  }
0x3d: {  	[tilespmem:s16], [sflag:$0x5] =	stream.linear.gather [hbm4b:s15+s18], $0x190, $0x38;
	[tilespmem:$0x1B880] =	vst v63  }
0x3e: {  	s19 =	simm.s32 $0x1B480;
	s17 =	rddreg [dreg:$0x6]  }
0x3f: {  	[tilespmem:s19], [sflag:$0x5] =	stream.linear.gather [hbm4b:s17+s18], $0x190, $0x38;
	[tilespmem:$0x1B880] =	vst v63  }
0x40: {  	s14 =	simm.s32 $0x1B680;
	s13 =	rddreg [dreg:$0x7]  }
0x41: {  	[tilespmem:s14], [sflag:$0x5] =	stream.linear.gather [hbm4b:s13+s18], $0x190, $0x38;
	[tilespmem:$0x1B880] =	vst v63  }
0x42: {  	_ =	swait.ge [sflag:s22], $0x190  }
0x43: {  	[sflag:s22] =	ssyncset.done $0x0  }
0x44: {  	[sflag:s22] =	ssyncadd.s32 $0xFFFFFE70  }
0x45: {  	_ =	swait.ge [sflag:s22], $0x190  }
0x46: {  	[sflag:s22] =	ssyncset.done $0x0  }
0x47: {  	[sflag:s22] =	ssyncadd.s32 $0xFFFFFE70  }
0x48: {  	_ =	swait.ge [sflag:s22], $0x190  }
0x49: {  	[sflag:s22] =	ssyncset.done $0x0  }
0x4a: {  	[sflag:s22] =	ssyncadd.s32 $0xFFFFFE70  }
0x4b: {  	_ =	swait.ge [sflag:s22], $0x190  }
0x4c: {  	[sflag:s22] =	ssyncset.done $0x0  }
0x4d: {  	[sflag:s22] =	ssyncadd.s32 $0xFFFFFE70  }
0x4e: {  	[tilespmem:s24], [sflag:$0x1] =	stream.indirect.gather [hbm4b:s1+s23], $0x80, s12, s23, $0xb8;
	[tilespmem:$0x1B880] =	vst v63  }
0x4f: {  	_ = 	snop  }
0x50: {  	[tilespmem:s25], [sflag:$0x1] =	stream.indirect.gather [hbm4b:s1+s23], $0x80, s16, s23, $0xb8;
	[tilespmem:$0x1B880] =	vst v63  }
0x51: {  	s15 =	rddreg [dreg:$0x8]  }
0x52: {  	[tilespmem:s26], [sflag:$0x1] =	stream.linear.gather [hbm4b:s15+s18], $0x1400, $0x38;
	[tilespmem:$0x1B880] =	vst v63  }
0x53: {  	s16 =	simm.s32 $0x1B0A8  }
0x54: {  	[tilespmem:s29], [sflag:$0x3] =	stream.indirect.gather [hbm4b:s1+s23], $0x80, s16, s23, $0xb8;
	[tilespmem:$0x1B880] =	vst v63  }
.Ltmp2:
0x55: {  	_ = 	snop;
	(pc) =	sbr.rel .LBB2_6-.Ltmp2, $4  }
0x56: {  	s17 =	simm.s32 $0x1B2A8  }
0x57: {  	[tilespmem:s31], [sflag:$0x3] =	stream.indirect.gather [hbm4b:s1+s23], $0x80, s17, s23, $0xb8;
	[tilespmem:$0x1B880] =	vst v63  }
0x58: {  	s19 =	rddreg [dreg:$0x9]  }
0x59: {  	[tilespmem:s0], [sflag:$0x3] =	stream.linear.gather [hbm4b:s19+s18], $0x1400, $0x38;
	[tilespmem:$0x1B880] =	vst v63  }
.LBB2_11:
0x5a: {  	_ =	swait.ge [sflag:s22], $0x190  }
0x5b: {  	[sflag:s22] =	ssyncset.done $0x0  }
0x5c: {  	[sflag:s22] =	ssyncadd.s32 $0xFFFFFE70  }
0x5d: {  	_ =	swait.ge [sflag:s22], $0x190  }
0x5e: {  	[sflag:s22] =	ssyncset.done $0x0  }
0x5f: {  	[sflag:s22] =	ssyncadd.s32 $0xFFFFFE70  }
.LBB2_13:
0x60: {  	s11 =	sadd.s32 $0x2, s10  }
0x61: {  	s12 =	smulhi.u32 $0x66666667, s11  }
0x62: {  	_ =	swait.ge [sflag:s28], $0x1400  }
0x63: {  	s19 =	smul.u32 $0x28, s10;
	[sflag:s28] =	ssyncset.done $0x0;
	s12 =	sshrl.u32 s12, $0x2  }
0x64: {  	s15 =	sadd.s32 $0x3, s10;
	[sflag:s28] =	ssyncadd.s32 $0xFFFFEC00;
	s13 =	smul.u32 $0xA, s12  }
0x65: {  	s14 =	simm.s32 $0x1B680;
	s16 =	smulhi.u32 $0x66666667, s15;
	_ =	swait.ge [sflag:s28], $0x1400  }
0x66: {  	[sflag:s28] =	ssyncset.done $0x0;
	s12 =	sand.u32 $0x1, s12;
	s11 =	ssub.s32 s11, s13  }
0x67: {  	p0 =	seq.s32 s12, $0x1;
	s13 =	simm.s32 $0x1B480;
	s11 =	smul.u32 $0x28, s11  }
0x68: {  	[sflag:s28] =	ssyncadd.s32 $0xFFFFEC00;
	s12 =	sadd.s32 s7, s19;
	s13 =	simm.s32 @!p0 $0x1B080  }
0x69: {  	s14 =	simm.s32 @!p0 $0x1B280;
	s12 =	sshll.u32 s12, $0x4;
	s13 =	sadd.s32 s11, s13  }
0x6a: {  	[tilespmem:s24], [sflag:$0x1] =	stream.indirect.gather [hbm4b:s1+s23], $0x80, s13, s23, $0xb8;
	[tilespmem:$0x1B880] =	vst v63  }
0x6b: {  	s17 =	sshrl.u32 s16, $0x2;
	s11 =	sadd.s32 s11, s14;
	s14 =	sadd.s32 s5, s12  }
0x6c: {  	[tilespmem:s25], [sflag:$0x1] =	stream.indirect.gather [hbm4b:s1+s23], $0x80, s11, s23, $0xb8;
	[tilespmem:$0x1B880] =	vst v63  }
0x6d: {  	s12 =	sadd.s32 $0x500, s14;
	s13 =	smul.u32 $0xA, s17  }
0x6e: {  	[tilespmem:s26], [sflag:$0x1] =	stream.linear.gather [hbm4b:s12+s4], $0x1400, $0x38;
	[tilespmem:$0x1B880] =	vst v63  }
0x6f: {  	_ =	swait.ge [sflag:s30], $0x1400  }
0x70: {  	s10 =	ssub.s32 s15, s13;
	[sflag:s30] =	ssyncset.done $0x0  }
0x71: {  	s10 =	smul.u32 $0x28, s10;
	s12 =	sand.u32 $0x1, s17;
	[sflag:s30] =	ssyncadd.s32 $0xFFFFEC00  }
0x72: {  	p0 =	seq.s32 s12, $0x1;
	s12 =	simm.s32 $0x1B480;
	_ =	swait.ge [sflag:s30], $0x1400  }
0x73: {  	s13 =	simm.s32 $0x1B680;
	s12 =	simm.s32 @!p0 $0x1B080;
	[sflag:s30] =	ssyncset.done $0x0  }
0x74: {  	s13 =	simm.s32 @!p0 $0x1B280;
	s12 =	sadd.s32 s10, s12;
	[sflag:s30] =	ssyncadd.s32 $0xFFFFEC00  }
0x75: {  	[tilespmem:s29], [sflag:$0x3] =	stream.indirect.gather [hbm4b:s1+s23], $0x80, s12, s23, $0xb8;
	[tilespmem:$0x1B880] =	vst v63  }
0x76: {  	s10 =	sadd.s32 s10, s13  }
0x77: {  	[tilespmem:s31], [sflag:$0x3] =	stream.indirect.gather [hbm4b:s1+s23], $0x80, s10, s23, $0xb8;
	[tilespmem:$0x1B880] =	vst v63  }
0x78: {  	s18 =	sadd.s32 $0x1, s18;
	s19 =	sadd.s32 $0x780, s14  }
0x79: {  	[tilespmem:s0], [sflag:$0x3] =	stream.linear.gather [hbm4b:s19+s4], $0x1400, $0x38;
	[tilespmem:$0x1B880] =	vst v63  }
.LBB2_6:
0x7a: {  	s10 =	smul.u32 $0x19A, s18;
	_ =	sdelay $0x1  }
0x7b: {  	s10 =	sshrl.u32 s10, $0xB  }
0x7c: {  	s10 =	sand.u32 $0x1F, s10  }
0x7d: {  	s11 =	smul.u32 $0xA, s10  }
0x7e: {  	s10 =	sshll.u32 s18, $0x1  }
0x7f: {  	s17 =	smul.u32 $0xCD, s18;
	p0 =	sgt.u32 s18, $0x77;
	s12 =	ssub.s32 s10, s11  }
0x80: {  	s19 =	sand.u32 @!p0 $0xFF, s12  }
0x81: {  	s11 =	sshrl.u32 s17, $0xA;
	p2 =	sne.s32 @!p0 s19, $0x0  }
0x82: {  	s11 =	sand.u32 $0x3F, s11;
	p1 =	por p2, p0  }
0x83: {  	s13 =	sadd.s32 @!p1 $0x1, s11  }
0x84: {  	s14 =	smul.u32 @!p1 $0x190, s13;
	s13 =	sand.u32 @!p1 $0x1, s13  }
0x85: {  	p3 =	seq.s32 @!p1 s13, $0x1  }
0x86: {  	s15 =	simm.s32 @!p1 $0x1B480;
	s14 =	sadd.s32 @!p1 s7, s14;
	p2 =	por @!p0 !p3, p2  }
0x87: {  	s17 =	simm.s32 @!p1 $0x1B680;
	s13 =	sshrl.u32 @!p1 s14, $0x3;
	p2 =	por !p2, p0  }
0x88: {  	s16 =	simm.s32 @!p1 $0x0;
	s14 =	sadd.s32 @!p1 s6, s13;
	s15 =	simm.s32 @!p2 $0x1B080  }
0x89: {  	[tilespmem:s15], [sflag:$0x5] =	stream.linear.gather @!p1 [hbm4b:s14+s16], $0x190, $0x38;
	[tilespmem:$0x1B880] =	vst v63  }
0x8a: {  	s13 =	sadd.s32 @!p1 s8, s13;
	s17 =	simm.s32 @!p2 $0x1B280  }
0x8b: {  	[tilespmem:s17], [sflag:$0x5] =	stream.linear.gather @!p1 [hbm4b:s13+s16], $0x190, $0x38;
	[tilespmem:$0x1B880] =	vst v63  }
0x8c: {  	_ =	swait.ge [sflag:s20], $0x1400  }
0x8d: {  	[sflag:s20] =	ssyncset.done $0x0  }
0x8e: {  	[sflag:s20] =	ssyncadd.s32 $0xFFFFEC00  }
0x8f: {  	_ =	swait.ge [sflag:s20], $0x1400  }
0x90: {  	[sflag:s20] =	ssyncset.done $0x0  }
0x91: {  	[sflag:s20] =	ssyncadd.s32 $0xFFFFEC00  }
0x92: {  	_ =	swait.ge [sflag:s20], $0x1400  }
0x93: {  	[sflag:s20] =	ssyncset.done $0x0  }
0x94: {  	s13 =	simm.s32 $0xF0;
	[sflag:s20] =	ssyncadd.s32 $0xFFFFEC00  }
0x95: {  	v4 =	vld [tilespmem:s13+$0x15F90]  }
0x96: {  	v5 =	vld [tilespmem:s13+$0x15FA0]  }
0x97: {  	v6 =	vld [tilespmem:s13+$0x15FB0]  }
0x98: {  	v7 =	vld [tilespmem:s13+$0x15FC0]  }
0x99: {  	v8 =	vld [tilespmem:s13+$0x15FD0]  }
0x9a: {  	v9 =	vld [tilespmem:s13+$0x15FE0]  }
0x9b: {  	v10 =	vld [tilespmem:s13+$0x15FF0]  }
0x9c: {  	v11 =	vld [tilespmem:s13+$0x16000]  }
0x9d: {  	v12 =	vld [tilespmem:s13+$0x16010]  }
0x9e: {  	v13 =	vld [tilespmem:s13+$0x16020]  }
0x9f: {  	v14 =	vld [tilespmem:s13+$0x16030]  }
0xa0: {  	v15 =	vld [tilespmem:s13+$0x16040]  }
0xa1: {  	v16 =	vld [tilespmem:s13+$0x16050]  }
0xa2: {  	v3 =	vld [tilespmem:s13+$0x16060]  }
0xa3: {  	v2 =	vld [tilespmem:s13+$0x16070]  }
0xa4: {  	v17 =	vld [tilespmem:s13+$0x13790]  }
0xa5: {  	v18 =	vld [tilespmem:s13+$0x14B90]  }
0xa6: {  	v19 =	vld [tilespmem:s13+$0x137A0]  }
0xa7: {  	v23 =	vld [tilespmem:s13+$0x137C0]  }
0xa8: {  	v56 =	vld [tilespmem:s13+$0x14BC0]  }
0xa9: {  	v20 =	vld [tilespmem:s13+$0x14BA0]  }
0xaa: {  	v21 =	vld [tilespmem:s13+$0x137B0];
	v17 =	vmul.f32 v17, v4  }
0xab: {  	v22 =	vld [tilespmem:s13+$0x14BB0];
	v4 =	vmul.f32 v18, v4  }
0xac: {  	v1 =	vld [tilespmem:s13+$0x16080];
	v57 =	vmul.f32 v19, v5;
	[tilespmem:s13+$0x13790] =	vst v17  }
0xad: {  	v61 =	vmul.f32 v23, v7;
	v7 =	vmul.f32 v56, v7;
	[tilespmem:s13+$0x14B90] =	vst v4;
	v4 =	vld [tilespmem:s13+$0x137D0]  }
0xae: {  	v58 =	vld [tilespmem:s13+$0x14BD0];
	v5 =	vmul.f32 v20, v5;
	[tilespmem:s13+$0x137A0] =	vst v57  }
0xaf: {  	v59 =	vmul.f32 v21, v6;
	[tilespmem:s13+$0x14BC0] =	vst v7;
	v7 =	vld [tilespmem:s13+$0x13800]  }
0xb0: {  	v6 =	vmul.f32 v22, v6;
	[tilespmem:s13+$0x14BA0] =	vst v5;
	v5 =	vld [tilespmem:s13+$0x137E0]  }
0xb1: {  	v60 =	vld [tilespmem:s13+$0x14BE0];
	[tilespmem:s13+$0x137B0] =	vst v59  }
0xb2: {  	[tilespmem:s13+$0x14BB0] =	vst v6;
	v6 =	vld [tilespmem:s13+$0x137F0];
	v4 =	vmul.f32 v4, v8  }
0xb3: {  	v62 =	vld [tilespmem:s13+$0x14BF0];
	[tilespmem:s13+$0x137C0] =	vst v61;
	v8 =	vmul.f32 v58, v8  }
0xb4: {  	v7 =	vmul.f32 v7, v11;
	[tilespmem:s13+$0x137D0] =	vst v4;
	v4 =	vld [tilespmem:s13+$0x14C00]  }
0xb5: {  	v5 =	vmul.f32 v5, v9;
	[tilespmem:s13+$0x14BD0] =	vst v8;
	v8 =	vld [tilespmem:s13+$0x13810]  }
0xb6: {  	v9 =	vmul.f32 v60, v9;
	[tilespmem:s13+$0x13800] =	vst v7;
	v7 =	vld [tilespmem:s13+$0x14C30]  }
0xb7: {  	v6 =	vmul.f32 v6, v10;
	[tilespmem:s13+$0x137E0] =	vst v5;
	v5 =	vld [tilespmem:s13+$0x14C10]  }
0xb8: {  	v10 =	vmul.f32 v62, v10;
	[tilespmem:s13+$0x14BE0] =	vst v9;
	v9 =	vld [tilespmem:s13+$0x13820]  }
0xb9: {  	[tilespmem:s13+$0x137F0] =	vst v6;
	v6 =	vld [tilespmem:s13+$0x14C20];
	v4 =	vmul.f32 v4, v11  }
0xba: {  	[tilespmem:s13+$0x14BF0] =	vst v10;
	v10 =	vld [tilespmem:s13+$0x13830];
	v8 =	vmul.f32 v8, v12  }
0xbb: {  	v11 =	vld [tilespmem:s13+$0x13840];
	v7 =	vmul.f32 v7, v14;
	[tilespmem:s13+$0x14C00] =	vst v4  }
0xbc: {  	v4 =	vmul.f32 v5, v12;
	[tilespmem:s13+$0x13810] =	vst v8;
	v8 =	vld [tilespmem:s13+$0x14C40]  }
0xbd: {  	v5 =	vmul.f32 v9, v13;
	v9 =	vld [tilespmem:s13+$0x13850];
	[tilespmem:s13+$0x14C30] =	vst v7  }
0xbe: {  	v63 =	vld [tilespmem:s13+$0x14C50];
	[tilespmem:s13+$0x14C10] =	vst v4;
	v4 =	vmul.f32 v6, v13  }
0xbf: {  	[tilespmem:s13+$0x13820] =	vst v5;
	v6 =	vmul.f32 v10, v14;
	v5 =	vld [tilespmem:s13+$0x13860]  }
0xc0: {  	v10 =	vmul.f32 v11, v15;
	[tilespmem:s13+$0x14C20] =	vst v4;
	v4 =	vld [tilespmem:s13+$0x14C60]  }
0xc1: {  	[tilespmem:s13+$0x13830] =	vst v6;
	v6 =	vld [tilespmem:s13+$0x13870];
	v8 =	vmul.f32 v8, v15  }
0xc2: {  	v7 =	vld [tilespmem:s13+$0x14C70];
	[tilespmem:s13+$0x13840] =	vst v10;
	v10 =	vmul.f32 v9, v16  }
0xc3: {  	s12 =	sand.u32 $0xFE, s12;
	s14 =	simm.s32 $0x7C0;
	v9 =	vmul.f32 v63, v16;
	[tilespmem:s13+$0x14C40] =	vst v8;
	v8 =	vld [tilespmem:s13+$0x13880]  }
.LBB2_7:
0xc4: {  	s15 =	sshra.s32 s14, $0x2;
	p1 =	sne.s32 s14, $0x4FC0;
	[tilespmem:s13+$0x13850] =	vst v10;
	v5 =	vmul.f32 v5, v3;
	v10 =	vld [tilespmem:s13+$0x14C80]  }
0xc5: {  	v11 =	vld [tilespmem:s15+$0x15F90];
	[tilespmem:s13+$0x14C50] =	vst v9;
	v3 =	vmul.f32 v4, v3  }
0xc6: {  	v4 =	vld [tilespmem:s15+$0x15FA0];
	[tilespmem:s13+$0x13860] =	vst v5;
	v5 =	vmul.f32 v6, v2  }
0xc7: {  	v6 =	vld [tilespmem:s15+$0x15FB0];
	[tilespmem:s13+$0x14C60] =	vst v3;
	v2 =	vmul.f32 v7, v2  }
0xc8: {  	v7 =	vld [tilespmem:s15+$0x15FC0];
	[tilespmem:s13+$0x13870] =	vst v5;
	v3 =	vmul.f32 v8, v1  }
0xc9: {  	v5 =	vld [tilespmem:s15+$0x15FD0];
	[tilespmem:s13+$0x14C70] =	vst v2;
	v1 =	vmul.f32 v10, v1  }
0xca: {  	v8 =	vld [tilespmem:s15+$0x15FE0];
	[tilespmem:s13+$0x13880] =	vst v3  }
0xcb: {  	v9 =	vld [tilespmem:s15+$0x15FF0];
	[tilespmem:s13+$0x14C80] =	vst v1;
	s13 =	smov.u32 s15  }
0xcc: {  	v10 =	vld [tilespmem:s13+$0x16000]  }
0xcd: {  	v12 =	vld [tilespmem:s13+$0x16010]  }
0xce: {  	v13 =	vld [tilespmem:s13+$0x16020]  }
0xcf: {  	v14 =	vld [tilespmem:s13+$0x16030]  }
0xd0: {  	v15 =	vld [tilespmem:s13+$0x16040]  }
0xd1: {  	v16 =	vld [tilespmem:s13+$0x16050]  }
0xd2: {  	v3 =	vld [tilespmem:s13+$0x16060]  }
0xd3: {  	v2 =	vld [tilespmem:s13+$0x16070]  }
0xd4: {  	v1 =	vld [tilespmem:s13+$0x16080]  }
0xd5: {  	v17 =	vld [tilespmem:s13+$0x13790]  }
0xd6: {  	v18 =	vld [tilespmem:s13+$0x14B90]  }
0xd7: {  	v19 =	vld [tilespmem:s13+$0x137A0]  }
0xd8: {  	v20 =	vld [tilespmem:s13+$0x14BA0]  }
0xd9: {  	v21 =	vld [tilespmem:s13+$0x137B0]  }
0xda: {  	v17 =	vmul.f32 v17, v11;
	v22 =	vld [tilespmem:s13+$0x14BB0]  }
0xdb: {  	v11 =	vmul.f32 v18, v11;
	v18 =	vld [tilespmem:s13+$0x137C0]  }
0xdc: {  	[tilespmem:s13+$0x13790] =	vst v17;
	v17 =	vmul.f32 v19, v4;
	v19 =	vld [tilespmem:s13+$0x14BC0]  }
0xdd: {  	[tilespmem:s13+$0x14B90] =	vst v11;
	v4 =	vmul.f32 v20, v4;
	v11 =	vld [tilespmem:s13+$0x137D0]  }
0xde: {  	[tilespmem:s13+$0x137A0] =	vst v17;
	v17 =	vmul.f32 v21, v6;
	v20 =	vld [tilespmem:s13+$0x14BD0]  }
0xdf: {  	[tilespmem:s13+$0x14BA0] =	vst v4;
	v4 =	vmul.f32 v22, v6;
	v6 =	vld [tilespmem:s13+$0x137E0]  }
0xe0: {  	[tilespmem:s13+$0x137B0] =	vst v17;
	v17 =	vmul.f32 v18, v7;
	v18 =	vld [tilespmem:s13+$0x14BE0]  }
0xe1: {  	[tilespmem:s13+$0x14BB0] =	vst v4;
	v4 =	vmul.f32 v19, v7;
	v7 =	vld [tilespmem:s13+$0x137F0]  }
0xe2: {  	[tilespmem:s13+$0x137C0] =	vst v17;
	v11 =	vmul.f32 v11, v5;
	v17 =	vld [tilespmem:s13+$0x14BF0]  }
0xe3: {  	[tilespmem:s13+$0x14BC0] =	vst v4;
	v4 =	vmul.f32 v20, v5;
	v5 =	vld [tilespmem:s13+$0x13800]  }
0xe4: {  	[tilespmem:s13+$0x137D0] =	vst v11;
	v6 =	vmul.f32 v6, v8;
	v11 =	vld [tilespmem:s13+$0x14C00]  }
0xe5: {  	[tilespmem:s13+$0x14BD0] =	vst v4;
	v4 =	vmul.f32 v18, v8;
	v8 =	vld [tilespmem:s13+$0x13810]  }
0xe6: {  	[tilespmem:s13+$0x137E0] =	vst v6;
	v6 =	vmul.f32 v7, v9;
	v7 =	vld [tilespmem:s13+$0x14C10]  }
0xe7: {  	[tilespmem:s13+$0x14BE0] =	vst v4;
	v4 =	vmul.f32 v17, v9;
	v9 =	vld [tilespmem:s13+$0x13820]  }
0xe8: {  	[tilespmem:s13+$0x137F0] =	vst v6;
	v5 =	vmul.f32 v5, v10;
	v6 =	vld [tilespmem:s13+$0x14C20]  }
0xe9: {  	[tilespmem:s13+$0x14BF0] =	vst v4;
	v4 =	vmul.f32 v11, v10;
	v10 =	vld [tilespmem:s13+$0x13830]  }
0xea: {  	[tilespmem:s13+$0x13800] =	vst v5;
	v5 =	vmul.f32 v8, v12;
	v8 =	vld [tilespmem:s13+$0x14C30]  }
0xeb: {  	[tilespmem:s13+$0x14C00] =	vst v4;
	v4 =	vmul.f32 v7, v12;
	v7 =	vld [tilespmem:s13+$0x13840]  }
0xec: {  	[tilespmem:s13+$0x13810] =	vst v5;
	v5 =	vmul.f32 v9, v13;
	v9 =	vld [tilespmem:s13+$0x14C40]  }
0xed: {  	[tilespmem:s13+$0x14C10] =	vst v4;
	v4 =	vmul.f32 v6, v13;
	v11 =	vld [tilespmem:s13+$0x13850]  }
0xee: {  	[tilespmem:s13+$0x13820] =	vst v5;
	v6 =	vmul.f32 v10, v14;
	v12 =	vld [tilespmem:s13+$0x14C50]  }
.Ltmp3:
0xef: {  	[tilespmem:s13+$0x14C20] =	vst v4;
	v8 =	vmul.f32 v8, v14;
	v5 =	vld [tilespmem:s13+$0x13860];
	(pc) =	sbr.rel @p1 .LBB2_7-.Ltmp3, $4  }
0xf0: {  	[tilespmem:s13+$0x13830] =	vst v6;
	v7 =	vmul.f32 v7, v15;
	v4 =	vld [tilespmem:s13+$0x14C60]  }
0xf1: {  	[tilespmem:s13+$0x14C30] =	vst v8;
	v8 =	vmul.f32 v9, v15;
	v6 =	vld [tilespmem:s13+$0x13870]  }
0xf2: {  	[tilespmem:s13+$0x13840] =	vst v7;
	v10 =	vmul.f32 v11, v16;
	v7 =	vld [tilespmem:s13+$0x14C70]  }
0xf3: {  	s14 =	sadd.s32 $0x400, s14;
	[tilespmem:s13+$0x14C40] =	vst v8;
	v9 =	vmul.f32 v12, v16;
	v8 =	vld [tilespmem:s13+$0x13880]  }
0xf4: {  	[tilespmem:s13+$0x13850] =	vst v10;
	v5 =	vmul.f32 v5, v3;
	v10 =	vld [tilespmem:s13+$0x14C80]  }
0xf5: {  	[tilespmem:s13+$0x14C50] =	vst v9;
	v3 =	vmul.f32 v4, v3  }
0xf6: {  	[tilespmem:s13+$0x13860] =	vst v5;
	v4 =	vmul.f32 v6, v2  }
0xf7: {  	[tilespmem:s13+$0x14C60] =	vst v3;
	v2 =	vmul.f32 v7, v2  }
0xf8: {  	s11 =	sand.u32 $0x1, s11;
	[tilespmem:s13+$0x13870] =	vst v4;
	v3 =	vmul.f32 v8, v1  }
0xf9: {  	s14 =	smul.u32 $0x28, s12;
	p1 =	seq.s32 s11, $0x1;
	s11 =	simm.s32 $0x1B680;
	[tilespmem:s13+$0x14C70] =	vst v2;
	v1 =	vmul.f32 v10, v1  }
0xfa: {  	s12 =	simm.s32 $0x1B480;
	s11 =	simm.s32 @!p1 $0x1B280;
	[tilespmem:s13+$0x13880] =	vst v3  }
0xfb: {  	s12 =	simm.s32 @!p1 $0x1B080;
	s16 =	sadd.s32 s14, s11;
	[tilespmem:s13+$0x14C80] =	vst v1  }
0xfc: {  	[spmem:s2] =	stream.indirect.scatter.add.f32 [tilespmem:s24], [sflag:$0x2], $0x80, s16, s23, $0xb8;
	[tilespmem:$0x1B880] =	vst v63  }
0xfd: {  	s17 =	sadd.s32 s14, s12  }
0xfe: {  	[spmem:s2] =	stream.indirect.scatter.add.f32 [tilespmem:s25], [sflag:$0x2], $0x80, s17, s23, $0xb8;
	[tilespmem:$0x1B880] =	vst v63  }
0xff: {  	_ =	swait.ge [sflag:s21], $0x1400  }
0x100: {  	[sflag:s21] =	ssyncset.done $0x0  }
0x101: {  	[sflag:s21] =	ssyncadd.s32 $0xFFFFEC00  }
0x102: {  	_ =	swait.ge [sflag:s21], $0x1400  }
0x103: {  	[sflag:s21] =	ssyncset.done $0x0  }
0x104: {  	[sflag:s21] =	ssyncadd.s32 $0xFFFFEC00  }
0x105: {  	_ =	swait.ge [sflag:s21], $0x1400  }
0x106: {  	[sflag:s21] =	ssyncset.done $0x0  }
0x107: {  	s13 =	simm.s32 $0xF0;
	[sflag:s21] =	ssyncadd.s32 $0xFFFFEC00  }
0x108: {  	v4 =	vld [tilespmem:s13+$0x19B90]  }
0x109: {  	v5 =	vld [tilespmem:s13+$0x19BA0]  }
0x10a: {  	v6 =	vld [tilespmem:s13+$0x19BB0]  }
0x10b: {  	v7 =	vld [tilespmem:s13+$0x19BC0]  }
0x10c: {  	v8 =	vld [tilespmem:s13+$0x19BD0]  }
0x10d: {  	v9 =	vld [tilespmem:s13+$0x19BE0]  }
0x10e: {  	v10 =	vld [tilespmem:s13+$0x19BF0]  }
0x10f: {  	v11 =	vld [tilespmem:s13+$0x19C00]  }
0x110: {  	v12 =	vld [tilespmem:s13+$0x19C10]  }
0x111: {  	v13 =	vld [tilespmem:s13+$0x19C20]  }
0x112: {  	v14 =	vld [tilespmem:s13+$0x19C30]  }
0x113: {  	v15 =	vld [tilespmem:s13+$0x19C40]  }
0x114: {  	v16 =	vld [tilespmem:s13+$0x19C50]  }
0x115: {  	v3 =	vld [tilespmem:s13+$0x19C60]  }
0x116: {  	v2 =	vld [tilespmem:s13+$0x19C70]  }
0x117: {  	v1 =	vld [tilespmem:s13+$0x19C80]  }
0x118: {  	v17 =	vld [tilespmem:s13+$0x17390]  }
0x119: {  	v18 =	vld [tilespmem:s13+$0x18790]  }
0x11a: {  	v19 =	vld [tilespmem:s13+$0x173A0]  }
0x11b: {  	v20 =	vld [tilespmem:s13+$0x187A0]  }
0x11c: {  	v21 =	vld [tilespmem:s13+$0x173B0]  }
0x11d: {  	v22 =	vld [tilespmem:s13+$0x187B0];
	v17 =	vmul.f32 v17, v4  }
0x11e: {  	v23 =	vld [tilespmem:s13+$0x173C0];
	v4 =	vmul.f32 v18, v4  }
0x11f: {  	v55 =	vld [tilespmem:s13+$0x187C0];
	v56 =	vmul.f32 v19, v5;
	[tilespmem:s13+$0x17390] =	vst v17  }
0x120: {  	v5 =	vmul.f32 v20, v5;
	[tilespmem:s13+$0x18790] =	vst v4;
	v4 =	vld [tilespmem:s13+$0x173D0]  }
0x121: {  	v57 =	vld [tilespmem:s13+$0x187D0];
	v58 =	vmul.f32 v21, v6;
	[tilespmem:s13+$0x173A0] =	vst v56  }
0x122: {  	v6 =	vmul.f32 v22, v6;
	[tilespmem:s13+$0x187A0] =	vst v5;
	v5 =	vld [tilespmem:s13+$0x173E0]  }
0x123: {  	v59 =	vld [tilespmem:s13+$0x187E0];
	v60 =	vmul.f32 v23, v7;
	[tilespmem:s13+$0x173B0] =	vst v58  }
0x124: {  	v7 =	vmul.f32 v55, v7;
	[tilespmem:s13+$0x187B0] =	vst v6;
	v6 =	vld [tilespmem:s13+$0x173F0]  }
0x125: {  	v61 =	vld [tilespmem:s13+$0x187F0];
	[tilespmem:s13+$0x173C0] =	vst v60;
	v4 =	vmul.f32 v4, v8  }
0x126: {  	[tilespmem:s13+$0x187C0] =	vst v7;
	v7 =	vld [tilespmem:s13+$0x17400];
	v8 =	vmul.f32 v57, v8  }
0x127: {  	v5 =	vmul.f32 v5, v9;
	[tilespmem:s13+$0x173D0] =	vst v4;
	v4 =	vld [tilespmem:s13+$0x18800]  }
0x128: {  	v9 =	vmul.f32 v59, v9;
	[tilespmem:s13+$0x187D0] =	vst v8;
	v8 =	vld [tilespmem:s13+$0x17410]  }
0x129: {  	v6 =	vmul.f32 v6, v10;
	[tilespmem:s13+$0x173E0] =	vst v5;
	v5 =	vld [tilespmem:s13+$0x18810]  }
0x12a: {  	v10 =	vmul.f32 v61, v10;
	[tilespmem:s13+$0x187E0] =	vst v9;
	v9 =	vld [tilespmem:s13+$0x17420]  }
0x12b: {  	v7 =	vmul.f32 v7, v11;
	[tilespmem:s13+$0x173F0] =	vst v6;
	v6 =	vld [tilespmem:s13+$0x18820]  }
0x12c: {  	[tilespmem:s13+$0x187F0] =	vst v10;
	v10 =	vld [tilespmem:s13+$0x17430];
	v4 =	vmul.f32 v4, v11  }
0x12d: {  	v62 =	vld [tilespmem:s13+$0x18840];
	[tilespmem:s13+$0x17400] =	vst v7;
	v7 =	vmul.f32 v8, v12  }
0x12e: {  	v11 =	vld [tilespmem:s13+$0x18830];
	[tilespmem:s13+$0x18800] =	vst v4;
	v4 =	vmul.f32 v5, v12  }
0x12f: {  	v8 =	vld [tilespmem:s13+$0x17440];
	[tilespmem:s13+$0x17410] =	vst v7;
	v5 =	vmul.f32 v9, v13  }
0x130: {  	v9 =	vld [tilespmem:s13+$0x17450];
	[tilespmem:s13+$0x18810] =	vst v4;
	v4 =	vmul.f32 v6, v13  }
0x131: {  	v63 =	vld [tilespmem:s13+$0x18850];
	[tilespmem:s13+$0x17420] =	vst v5;
	v5 =	vmul.f32 v10, v14  }
0x132: {  	v7 =	vld [tilespmem:s13+$0x17460];
	v10 =	vmul.f32 v62, v15;
	[tilespmem:s13+$0x18820] =	vst v4  }
0x133: {  	v6 =	vmul.f32 v11, v14;
	[tilespmem:s13+$0x17430] =	vst v5;
	v4 =	vld [tilespmem:s13+$0x18860]  }
0x134: {  	v8 =	vmul.f32 v8, v15;
	v5 =	vld [tilespmem:s13+$0x17470];
	[tilespmem:s13+$0x18840] =	vst v10  }
0x135: {  	[tilespmem:s13+$0x18830] =	vst v6;
	v6 =	vld [tilespmem:s13+$0x18870];
	v10 =	vmul.f32 v9, v16  }
0x136: {  	s14 =	simm.s32 $0x7C0;
	[tilespmem:s13+$0x17440] =	vst v8;
	v9 =	vmul.f32 v63, v16;
	v8 =	vld [tilespmem:s13+$0x17480]  }
.LBB2_9:
0x137: {  	s15 =	sshra.s32 s14, $0x2;
	p1 =	sne.s32 s14, $0x4FC0;
	[tilespmem:s13+$0x17450] =	vst v10;
	v7 =	vmul.f32 v7, v3;
	v10 =	vld [tilespmem:s13+$0x18880]  }
0x138: {  	v11 =	vld [tilespmem:s15+$0x19B90];
	[tilespmem:s13+$0x18850] =	vst v9;
	v3 =	vmul.f32 v4, v3  }
0x139: {  	v4 =	vld [tilespmem:s15+$0x19BA0];
	[tilespmem:s13+$0x17460] =	vst v7;
	v5 =	vmul.f32 v5, v2  }
0x13a: {  	v7 =	vld [tilespmem:s15+$0x19BB0];
	[tilespmem:s13+$0x18860] =	vst v3;
	v2 =	vmul.f32 v6, v2  }
0x13b: {  	v6 =	vld [tilespmem:s15+$0x19BC0];
	[tilespmem:s13+$0x17470] =	vst v5;
	v3 =	vmul.f32 v8, v1  }
0x13c: {  	v5 =	vld [tilespmem:s15+$0x19BD0];
	[tilespmem:s13+$0x18870] =	vst v2;
	v1 =	vmul.f32 v10, v1  }
0x13d: {  	v8 =	vld [tilespmem:s15+$0x19BE0];
	[tilespmem:s13+$0x17480] =	vst v3  }
0x13e: {  	v9 =	vld [tilespmem:s15+$0x19BF0];
	[tilespmem:s13+$0x18880] =	vst v1;
	s13 =	smov.u32 s15  }
0x13f: {  	v10 =	vld [tilespmem:s13+$0x19C00]  }
0x140: {  	v12 =	vld [tilespmem:s13+$0x19C10]  }
0x141: {  	v13 =	vld [tilespmem:s13+$0x19C20]  }
0x142: {  	v14 =	vld [tilespmem:s13+$0x19C30]  }
0x143: {  	v15 =	vld [tilespmem:s13+$0x19C40]  }
0x144: {  	v16 =	vld [tilespmem:s13+$0x19C50]  }
0x145: {  	v3 =	vld [tilespmem:s13+$0x19C60]  }
0x146: {  	v2 =	vld [tilespmem:s13+$0x19C70]  }
0x147: {  	v1 =	vld [tilespmem:s13+$0x19C80]  }
0x148: {  	v17 =	vld [tilespmem:s13+$0x17390]  }
0x149: {  	v18 =	vld [tilespmem:s13+$0x18790]  }
0x14a: {  	v19 =	vld [tilespmem:s13+$0x173A0]  }
0x14b: {  	v20 =	vld [tilespmem:s13+$0x187A0]  }
0x14c: {  	v21 =	vld [tilespmem:s13+$0x173B0]  }
0x14d: {  	v17 =	vmul.f32 v17, v11;
	v22 =	vld [tilespmem:s13+$0x187B0]  }
0x14e: {  	v11 =	vmul.f32 v18, v11;
	v18 =	vld [tilespmem:s13+$0x173C0]  }
0x14f: {  	[tilespmem:s13+$0x17390] =	vst v17;
	v17 =	vmul.f32 v19, v4;
	v19 =	vld [tilespmem:s13+$0x187C0]  }
0x150: {  	[tilespmem:s13+$0x18790] =	vst v11;
	v4 =	vmul.f32 v20, v4;
	v11 =	vld [tilespmem:s13+$0x173D0]  }
0x151: {  	[tilespmem:s13+$0x173A0] =	vst v17;
	v17 =	vmul.f32 v21, v7;
	v20 =	vld [tilespmem:s13+$0x187D0]  }
0x152: {  	[tilespmem:s13+$0x187A0] =	vst v4;
	v4 =	vmul.f32 v22, v7;
	v7 =	vld [tilespmem:s13+$0x173E0]  }
0x153: {  	[tilespmem:s13+$0x173B0] =	vst v17;
	v17 =	vmul.f32 v18, v6;
	v18 =	vld [tilespmem:s13+$0x187E0]  }
0x154: {  	[tilespmem:s13+$0x187B0] =	vst v4;
	v4 =	vmul.f32 v19, v6;
	v6 =	vld [tilespmem:s13+$0x173F0]  }
0x155: {  	[tilespmem:s13+$0x173C0] =	vst v17;
	v11 =	vmul.f32 v11, v5;
	v17 =	vld [tilespmem:s13+$0x187F0]  }
0x156: {  	[tilespmem:s13+$0x187C0] =	vst v4;
	v4 =	vmul.f32 v20, v5;
	v5 =	vld [tilespmem:s13+$0x17400]  }
0x157: {  	[tilespmem:s13+$0x173D0] =	vst v11;
	v7 =	vmul.f32 v7, v8;
	v11 =	vld [tilespmem:s13+$0x18800]  }
0x158: {  	[tilespmem:s13+$0x187D0] =	vst v4;
	v4 =	vmul.f32 v18, v8;
	v8 =	vld [tilespmem:s13+$0x17410]  }
0x159: {  	[tilespmem:s13+$0x173E0] =	vst v7;
	v6 =	vmul.f32 v6, v9;
	v7 =	vld [tilespmem:s13+$0x18810]  }
0x15a: {  	[tilespmem:s13+$0x187E0] =	vst v4;
	v4 =	vmul.f32 v17, v9;
	v9 =	vld [tilespmem:s13+$0x17420]  }
0x15b: {  	[tilespmem:s13+$0x173F0] =	vst v6;
	v5 =	vmul.f32 v5, v10;
	v6 =	vld [tilespmem:s13+$0x18820]  }
0x15c: {  	[tilespmem:s13+$0x187F0] =	vst v4;
	v4 =	vmul.f32 v11, v10;
	v10 =	vld [tilespmem:s13+$0x17430]  }
0x15d: {  	[tilespmem:s13+$0x17400] =	vst v5;
	v5 =	vmul.f32 v8, v12;
	v8 =	vld [tilespmem:s13+$0x18830]  }
0x15e: {  	[tilespmem:s13+$0x18800] =	vst v4;
	v4 =	vmul.f32 v7, v12;
	v11 =	vld [tilespmem:s13+$0x17440]  }
0x15f: {  	[tilespmem:s13+$0x17410] =	vst v5;
	v5 =	vmul.f32 v9, v13;
	v9 =	vld [tilespmem:s13+$0x18840]  }
0x160: {  	[tilespmem:s13+$0x18810] =	vst v4;
	v4 =	vmul.f32 v6, v13;
	v6 =	vld [tilespmem:s13+$0x17450]  }
0x161: {  	[tilespmem:s13+$0x17420] =	vst v5;
	v5 =	vmul.f32 v10, v14;
	v12 =	vld [tilespmem:s13+$0x18850]  }
.Ltmp4:
0x162: {  	[tilespmem:s13+$0x18820] =	vst v4;
	v8 =	vmul.f32 v8, v14;
	v7 =	vld [tilespmem:s13+$0x17460];
	(pc) =	sbr.rel @p1 .LBB2_9-.Ltmp4, $4  }
0x163: {  	[tilespmem:s13+$0x17430] =	vst v5;
	v10 =	vmul.f32 v11, v15;
	v4 =	vld [tilespmem:s13+$0x18860]  }
0x164: {  	[tilespmem:s13+$0x18830] =	vst v8;
	v8 =	vmul.f32 v9, v15;
	v5 =	vld [tilespmem:s13+$0x17470]  }
0x165: {  	[tilespmem:s13+$0x17440] =	vst v10;
	v10 =	vmul.f32 v6, v16;
	v6 =	vld [tilespmem:s13+$0x18870]  }
0x166: {  	s14 =	sadd.s32 $0x400, s14;
	[tilespmem:s13+$0x18840] =	vst v8;
	v9 =	vmul.f32 v12, v16;
	v8 =	vld [tilespmem:s13+$0x17480]  }
0x167: {  	s14 =	sor.u32 $0x1, s10  }
0x168: {  	s15 =	smulhi.u32 $0x66666667, s14  }
0x169: {  	[tilespmem:s13+$0x17450] =	vst v10;
	v7 =	vmul.f32 v7, v3;
	v62 =	vld [tilespmem:s13+$0x18880]  }
0x16a: {  	[tilespmem:s13+$0x18850] =	vst v9;
	v3 =	vmul.f32 v4, v3;
	s15 =	sshrl.u32 s15, $0x2  }
0x16b: {  	[tilespmem:s13+$0x17460] =	vst v7;
	v63 =	vmul.f32 v5, v2;
	s15 =	smul.u32 $0xA, s15  }
0x16c: {  	[tilespmem:s13+$0x18860] =	vst v3;
	v2 =	vmul.f32 v6, v2  }
0x16d: {  	p1 =	sne.s32 @!p0 s19, $0x8;
	[tilespmem:s13+$0x17470] =	vst v63;
	v3 =	vmul.f32 v8, v1;
	s14 =	ssub.s32 s14, s15  }
0x16e: {  	p0 =	por p0, p1;
	[tilespmem:s13+$0x18870] =	vst v2;
	v1 =	vmul.f32 v62, v1;
	s14 =	smul.u32 $0x28, s14  }
.Ltmp5:
0x16f: {  	[tilespmem:s13+$0x17480] =	vst v3;
	(pc) =	sbr.rel @!p0 .LBB2_11-.Ltmp5, $4  }
0x170: {  	[tilespmem:s13+$0x18880] =	vst v1;
	s11 =	sadd.s32 s14, s11  }
0x171: {  	[spmem:s2] =	stream.indirect.scatter.add.f32 [tilespmem:s29], [sflag:$0x4], $0x80, s11, s23, $0xb8;
	[tilespmem:$0x1B880] =	vst v63  }
0x172: {  	s17 =	sadd.s32 s14, s12  }
0x173: {  	[spmem:s2] =	stream.indirect.scatter.add.f32 [tilespmem:s31], [sflag:$0x4], $0x80, s17, s23, $0xb8;
	[tilespmem:$0x1B880] =	vst v63  }
0x174: {  	p0 =	seq.s32 s18, $0x7C  }
.Ltmp6:
0x175: {  	_ = 	snop;
	(pc) =	sbr.rel @!p0 .LBB2_13-.Ltmp6, $1  }
0x176: {  	_ =	sdelay $0x3  }
0x177: {  	_ =	swait.ge [sflag:s28], $0x1400  }
0x178: {  	[sflag:s28] =	ssyncset.done $0x0  }
0x179: {  	[sflag:s28] =	ssyncadd.s32 $0xFFFFEC00  }
0x17a: {  	_ =	swait.ge [sflag:s28], $0x1400  }
0x17b: {  	[sflag:s28] =	ssyncset.done $0x0  }
0x17c: {  	[sflag:s28] =	ssyncadd.s32 $0xFFFFEC00  }
0x17d: {  	_ =	swait.ge [sflag:s30], $0x1400  }
0x17e: {  	[sflag:s30] =	ssyncset.done $0x0  }
0x17f: {  	[sflag:s30] =	ssyncadd.s32 $0xFFFFEC00  }
0x180: {  	_ =	swait.ge [sflag:s30], $0x1400  }
0x181: {  	[sflag:s30] =	ssyncset.done $0x0  }
0x182: {  	s10 =	sadd.s32 $0x0, s3;
	[sflag:s30] =	ssyncadd.s32 $0xFFFFEC00  }
0x183: {  	p0 =	sgt.u32 s10, $0xF9;
	[bflag:$0x0] =	sbarrier.arrive $0xFFFF  }
0x184: {  	s10 =	sshll.u32 @!p0 s3, $0x6;
	s13 =	simm.s32 @!p0 $0x6;
	s17 =	rddreg [dreg:$0xb]  }
0x185: {  	s10 =	sor.u32 @!p0 $0x1C06, s10;
	s15 =	rddreg [dreg:$0xc];
	s11 =	sshrl.u32 @!p0 s17, $0x3  }
0x186: {  	[hbm:s15], [sflag:s10] =	dma.local @!p0 [spmem:s11], $0x280  }
0x187: {  	s12 =	simm.s32 $0x20;
	s14 =	sadd.s32 $0x10, s3;
	_ =	swait.ge @!p0 [sflag:s13], $0x280  }
0x188: {  	s10 =	sadd.s32 $0x14000, s17;
	s11 =	sadd.s32 $0x2800, s15;
	[sflag:s13] =	ssyncset.done @!p0 $0x0  }
.LBB2_15:
0x189: {  	[sflag:s13] =	ssyncadd.s32 @!p0 $0xFFFFFD80  }
0x18a: {  	p0 =	sgt.u32 s14, $0xF9;
	s14 =	smov.u32 s12;
	s12 =	sadd.s32 $0x10, s12  }
0x18b: {  	p1 =	sne.s32 s12, $0x100  }
.Ltmp7:
0x18c: {  	s13 =	sshll.u32 @!p0 s3, $0x6;
	s15 =	sshrl.u32 @!p0 s10, $0x3;
	(pc) =	sbr.rel @p1 .LBB2_15-.Ltmp7, $4  }
0x18d: {  	s16 =	sor.u32 @!p0 $0x1C06, s13;
	s13 =	simm.s32 @!p0 $0x6  }
0x18e: {  	[hbm:s11], [sflag:s16] =	dma.local @!p0 [spmem:s15], $0x280  }
0x18f: {  	s10 =	sadd.s32 $0x14000, s10;
	_ =	swait.ge @!p0 [sflag:s13], $0x280  }
0x190: {  	s14 =	sadd.s32 s14, s3;
	s11 =	sadd.s32 $0x2800, s11;
	[sflag:s13] =	ssyncset.done @!p0 $0x0  }
0x191: {  	p1 =	sgt.u32 s14, $0xF9  }
0x192: {  	[sflag:s13] =	ssyncadd.s32 @!p0 $0xFFFFFD80;
	s12 =	sshll.u32 @!p1 s3, $0x6  }
0x193: {  	s10 =	sshrl.u32 @!p1 s10, $0x3;
	s13 =	simm.s32 @!p1 $0x6;
	s12 =	sor.u32 @!p1 $0x1C06, s12  }
0x194: {  	[hbm:s11], [sflag:s12] =	dma.local @!p1 [spmem:s10], $0x280  }
0x195: {  	_ =	swait.ge @!p1 [sflag:s13], $0x280  }
0x196: {  	s9 =	sadd.s32 $0x1, s9;
	s19 =	rddreg [dreg:$0xa]  }
0x197: {  	p0 =	sne.s32 s9, s19  }
.Ltmp8:
0x198: {  	_ = 	snop;
	(pc) =	sbr.rel @p0 .LBB2_1-.Ltmp8, $3  }
0x199: {  	_ =	sdelay $0x1  }
0x19a: {  	[sflag:s13] =	ssyncset.done @!p1 $0x0  }
0x19b: {  	[sflag:s13] =	ssyncadd.s32 @!p1 $0xFFFFFD80  }
0x19c: {  	_ =	sfence.sel $0x180000  }
0x19d: {  	[bflag:$0x0] =	sbarrier.arrive $0xFFFF  }
0x19e: {  	_ =	strace $0x90000047  }
0x19f: {  	[bflag:$0x2] =	sbarrier.arrive $0xFFFF  }
0x1a0: {  	p0 =	sne.s32 s3, $0x0;
	s0 =	rddreg [dreg:$0x3]  }
0x1a1: {  	s0 =	sadd.s32 @!p0 $0x100000, s0  }
0x1a2: {  	[sflag:s0] =	ssyncadd.tile.s32 @!p0 $0x1;
	_ =	shalt  }
.Lfunc_end2:
_tile_overlayer_lowered:
.L_overlay_start_2:
0x1a3: {  	(tag) =	ssettag $0x2  }
0x1a4: {  	s0 =	rddreg [dreg:$0x0];
	s2 =	stileid.u32  }
0x1a5: {  	s1 =	rddreg [dreg:$0x1];
	p0 =	sne.s32 s2, $0x0  }
0x1a6: {  	s3 =	rddreg [dreg:$0x2];
	[bflag:$0x3] =	sbarrier.arrive $0xFFFF;
	s2 =	simm.s32 @!p0 $0x1C06  }
0x1a7: {  	[timem:s3], [sflag:s2] =	dma.local @!p0 [hbm:s0], s1  }
0x1a8: {  	s0 =	simm.s32 @!p0 $0x6  }
0x1a9: {  	_ =	swait.ge @!p0 [sflag:s0], s1  }
0x1aa: {  	s1 =	ssub.s32 @!p0 $0x0, s1;
	[sflag:s0] =	ssyncset.done @!p0 $0x0  }
0x1ab: {  	[sflag:s0] =	ssyncadd.s32 @!p0 s1  }
0x1ac: {  	[bflag:$0x3] =	sbarrier.arrive $0xFFFF  }
0x1ad: {  	_ =	shalt  }

</sc_bundles>
